<compile_context>
chip_gen: v7x
topology: tpu7x:2x2x1
jax: 0.10.2.dev20260603
libtpu: 0.0.44.dev20260713+nightly
codegen_flags: <defaults>
</compile_context>

<pallas_src>
import functools

import jax
import jax.numpy as jnp
from jax import lax
from jax.experimental import pallas as pl
from jax.experimental.pallas import tpu as pltpu
from jax.experimental.pallas import tpu_sc as plsc

N, D, H, E = 8192, 1024, 2048, 16
B = 512
NB = N // B + E
NPAD = NB * B

EP = 128
NW = 32
TPW = N // NW
CH = 16
NCH = TPW // CH
NBUF = 6
GCH = 128
GNCH = TPW // GCH



def _routing_kernel(t_ref, slot_ref, blk_exp_ref, act_ref):
    t = t_ref[...]
    lane = lax.broadcasted_iota(jnp.int32, (N, E), 1)
    m = jnp.max(t, axis=1, keepdims=True)
    cand = jnp.where(t == m, lane, E)
    ct = jnp.min(cand, axis=1, keepdims=True)
    onehot = (lane == ct).astype(jnp.float32)

    c = onehot
    k = 1
    while k < N:
        c = c + jnp.concatenate(
            [jnp.zeros((k, E), jnp.float32), c[: N - k, :]], axis=0)
        k *= 2
    rank = jnp.sum(onehot * c, axis=1, keepdims=True) - 1.0
    counts = c[N - 1 : N, :].astype(jnp.int32)
    nb = (counts + (B - 1)) // B

    nb_b = jnp.broadcast_to(nb, (E, E))
    r_i = lax.broadcasted_iota(jnp.int32, (E, E), 0)
    c_j = lax.broadcasted_iota(jnp.int32, (E, E), 1)
    excl_col = jnp.sum(jnp.where(c_j < r_i, nb_b, 0), axis=1,
                       keepdims=True)
    excl_row = jnp.sum(jnp.where(r_i == c_j,
                                 jnp.broadcast_to(excl_col, (E, E)), 0),
                       axis=0, keepdims=True)

    sel_start = jnp.sum(onehot * excl_row.astype(jnp.float32), axis=1,
                        keepdims=True)
    slot_ref[...] = (sel_start * B + rank).astype(jnp.int32)

    total_used = jnp.sum(nb, axis=1, keepdims=True)
    bi = lax.broadcasted_iota(jnp.int32, (NB, E), 0)
    bi_eff = jnp.minimum(bi, total_used - 1)
    excl_b = jnp.broadcast_to(excl_row, (NB, E))
    blk_exp_ref[...] = jnp.sum(
        jnp.where(excl_b <= bi_eff, 1, 0), axis=1, keepdims=True) - 1
    bi1 = lax.broadcasted_iota(jnp.int32, (NB, 1), 0)
    act_ref[...] = (bi1 < total_used).astype(jnp.int32)


def _mlp_kernel(be_ref, act_ref, x_ref, w1_ref, b1_ref, w2_ref, b2_ref, o_ref):
    del be_ref

    @pl.when(act_ref[pl.program_id(0)] == 1)
    def _():
        h = jnp.maximum(
            jnp.dot(x_ref[...], w1_ref[0], preferred_element_type=jnp.float32)
            + b1_ref[0], 0.0)
        o_ref[:, :E] = (
            jnp.dot(h, w2_ref[0], preferred_element_type=jnp.float32)
            + b2_ref[0])


@functools.lru_cache(maxsize=1)
def _build_sc_kernels():
    mesh = plsc.VectorSubcoreMesh(
        core_axis_name="c", subcore_axis_name="s", num_cores=2, num_subcores=16)

    @functools.partial(
        pl.kernel,
        out_type=jax.ShapeDtypeStruct((NPAD, D), jnp.float32),
        mesh=mesh,
        compiler_params=pltpu.CompilerParams(use_tc_tiling_on_sc=True),
        scratch_types=[
            pltpu.VMEM((NCH, CH), jnp.int32),
            pltpu.VMEM((NBUF, CH, D), jnp.float32),
        ] + [pltpu.SemaphoreType.DMA] * (2 * NBUF),
    )
    def scatter_x(x_hbm, slot_hbm, xs_hbm, idx_v, bufs, *sems):
        lsem = sems[:NBUF]
        ssem = sems[NBUF:]
        wid = lax.axis_index("s") * 2 + lax.axis_index("c")
        base = wid * TPW
        pltpu.sync_copy(slot_hbm.at[pl.ds(wid * NCH, NCH)], idx_v)
        loads = [None] * NCH
        scats = [None] * NCH

        def start_load(j):
            b = j % NBUF
            loads[j] = pltpu.async_copy(
                x_hbm.at[pl.ds(base + j * CH, CH)], bufs.at[b], lsem[b])

        for j in range(NBUF - 1):
            start_load(j)
        for j in range(NCH):
            b = j % NBUF
            loads[j].wait()
            scats[j] = pltpu.async_copy(bufs.at[b], xs_hbm.at[idx_v.at[j]],
                                        ssem[b])
            if j + NBUF - 1 < NCH:
                if j >= 1:
                    scats[j - 1].wait()
                start_load(j + NBUF - 1)
        for j in range(NCH - NBUF, NCH):
            scats[j].wait()

    @functools.partial(
        pl.kernel,
        out_type=jax.ShapeDtypeStruct((N, EP), jnp.float32),
        mesh=mesh,
        compiler_params=pltpu.CompilerParams(use_tc_tiling_on_sc=True),
        scratch_types=[
            pltpu.VMEM((GNCH, GCH), jnp.int32),
            pltpu.VMEM((GNCH, GCH, EP), jnp.float32),
            pltpu.SemaphoreType.DMA,
            pltpu.SemaphoreType.DMA,
        ],
    )
    def gather_out(ys_hbm, slot_hbm, out_hbm, idx_v, rows_v, g0, g1):
        gsem = [g0, g1]
        wid = lax.axis_index("s") * 2 + lax.axis_index("c")
        base = wid * TPW
        pltpu.sync_copy(slot_hbm.at[pl.ds(wid * GNCH, GNCH)], idx_v)
        gets = [pltpu.async_copy(ys_hbm.at[idx_v.at[j]], rows_v.at[j], gsem[j])
                for j in range(GNCH)]
        for j in range(GNCH):
            gets[j].wait()
            pltpu.sync_copy(rows_v.at[j],
                            out_hbm.at[pl.ds(base + j * GCH, GCH)])

    return scatter_x, gather_out


def kernel(x, ten_CT, W1, b1, W2, b2):
    slot, blk_exp, act = pl.pallas_call(
        _routing_kernel,
        out_shape=(
            jax.ShapeDtypeStruct((N, 1), jnp.int32),
            jax.ShapeDtypeStruct((NB, 1), jnp.int32),
            jax.ShapeDtypeStruct((NB, 1), jnp.int32),
        ),
    )(ten_CT)
    slot_flat = slot.reshape(N)
    scatter_x, gather_out = _build_sc_kernels()

    x_sorted = scatter_x(x, slot_flat.reshape(N // CH, CH))

    grid_spec = pltpu.PrefetchScalarGridSpec(
        num_scalar_prefetch=2,
        grid=(NB,),
        in_specs=[
            pl.BlockSpec((B, D), lambda i, be, act: (i * act[i], 0)),
            pl.BlockSpec((1, D, H), lambda i, be, act: (be[i], 0, 0)),
            pl.BlockSpec((1, 1, H), lambda i, be, act: (be[i], 0, 0)),
            pl.BlockSpec((1, H, E), lambda i, be, act: (be[i], 0, 0)),
            pl.BlockSpec((1, 1, E), lambda i, be, act: (be[i], 0, 0)),
        ],
        out_specs=pl.BlockSpec((B, EP), lambda i, be, act: (i, 0)),
    )
    y_sorted = pl.pallas_call(
        _mlp_kernel,
        grid_spec=grid_spec,
        out_shape=jax.ShapeDtypeStruct((NPAD, EP), jnp.float32),
    )(blk_exp.reshape(NB), act.reshape(NB), x_sorted, W1,
      b1.reshape(E, 1, H), W2, b2.reshape(E, 1, E))

    out_p = gather_out(y_sorted, slot_flat.reshape(N // GCH, GCH))
    return out_p[:, :E]

# --- scband reference (transcript-rebuilt; emitter-appended) ---
"""Pipeline reference for scband-predictor-per-ct-19146964206238 (READ-ONLY COPY).

The authoritative reference and input builder live on the scoring server;
editing this copy changes nothing except your own understanding.
"""

import jax, jax.numpy as jnp
import numpy as np

N, D, H, E = 8192, 1024, 2048, 16

def setup_inputs(seed: int = 0) -> dict:
    key = jax.random.key(seed)
    ks = jax.random.split(key, 4)
    x = jax.random.normal(ks[0], (N, D), dtype=jnp.float32)
    ten_CT = jax.random.normal(ks[1], (N, E), dtype=jnp.float32)
    # Per-expert MLP parameters: Linear(D,H) -> ReLU -> Linear(H,E)
    W1 = jax.random.normal(ks[2], (E, D, H), dtype=jnp.float32) * (1.0 / np.sqrt(D))
    b1 = jnp.zeros((E, H), dtype=jnp.float32)
    W2 = jax.random.normal(ks[3], (E, H, E), dtype=jnp.float32) * (1.0 / np.sqrt(H))
    b2 = jnp.zeros((E, E), dtype=jnp.float32)
    return {"x": x, "ten_CT": ten_CT, "W1": W1, "b1": b1, "W2": W2, "b2": b2}

def reference(x, ten_CT, W1, b1, W2, b2):
    # Hard top-1 routing: each row of x is processed by the expert module
    # selected by argmax over ten_CT (done without gradient in the original).
    n, n_ct = ten_CT.shape
    ct = jax.lax.stop_gradient(jnp.argmax(ten_CT, axis=1))
    out = jnp.zeros((n, W2.shape[2]), dtype=x.dtype)

    def body(e, out):
        h = jax.nn.relu(x @ W1[e] + b1[e])     # expert MLP layer 1
        y = h @ W2[e] + b2[e]                  # expert MLP layer 2
        mask = (ct == e)[:, None]
        return jnp.where(mask, y, out)

    return jax.lax.fori_loop(0, n_ct, body, out)

if __name__ == "__main__":
    import jax
    _d = setup_inputs()
    print(jax.jit(kernel)(*tuple(_d.values())))

</pallas_src>

<mosaic_0001>
#map = affine_map<(d0, d1) -> (0, 0)>
module attributes {stable_mosaic.version = 14 : i64} {
  func.func @gather_out(%arg0: i32, %arg1: i32, %arg2: memref<16384x128xf32, #tpu.memory_space<hbm>>, %arg3: memref<64x128xi32, #tpu.memory_space<hbm>>, %arg4: memref<8192x128xf32, #tpu.memory_space<hbm>>, %arg5: memref<2x128xi32, #tpu.memory_space<vmem>>, %arg6: memref<2x128x128xf32, #tpu.memory_space<vmem>>, %arg7: memref<!tpu.dma_semaphore, #tpu.memory_space<semaphore_mem>>, %arg8: memref<!tpu.dma_semaphore, #tpu.memory_space<semaphore_mem>>) attributes {dimension_semantics = [#tpu.dimension_semantics<core_parallel>, #tpu.dimension_semantics<subcore_parallel>], iteration_bounds = array<i64: 2, 16>, scalar_prefetch = 0 : i64, scratch_operands = 4 : i64, tpu.core_type = #tpu.core_type<sc_vector_subcore>, window_params = [{transform_indices = #map}, {transform_indices = #map}, {transform_indices = #map}]} {
    %mul3A = arith.constant 2 : i32
    %mul3A_0 = arith.muli %arg1, %mul3A : i32
    %add3A = arith.addi %mul3A_0, %arg0 : i32
    %mul3A_1 = arith.constant 256 : i32
    %mul3A_2 = arith.muli %add3A, %mul3A_1 : i32
    %mul3A_3 = arith.constant 2 : i32
    %mul3A_4 = arith.muli %add3A, %mul3A_3 : i32
    "tpu.region"() ({
      %run_scoped3A_56 = tpu.sem_alloc : memref<!tpu.dma_semaphore, #tpu.memory_space<semaphore_mem>>
      %dma_start3A_57 = arith.constant 0 : i32
      %dma_start3A_58 = tpu.memref_slice %arg3[%mul3A_4, %dma_start3A_57] : memref<64x128xi32, #tpu.memory_space<hbm>> -> memref<2x128xi32, #tpu.memory_space<hbm>>
      %dma_start3A_59 = arith.constant 0 : i32
      %dma_start3A_60 = tpu.memref_slice %arg3[%mul3A_4, %dma_start3A_59] : memref<64x128xi32, #tpu.memory_space<hbm>> -> memref<2x128xi32, #tpu.memory_space<hbm>>
      tpu.enqueue_dma source(%dma_start3A_60 : memref<2x128xi32, #tpu.memory_space<hbm>>) target(%arg5 : memref<2x128xi32, #tpu.memory_space<vmem>>) target_semaphore(%run_scoped3A_56 : memref<!tpu.dma_semaphore, #tpu.memory_space<semaphore_mem>>)
      %dma_wait3A_61 = arith.constant 0 : i32
      %dma_wait3A_62 = tpu.memref_slice %arg3[%mul3A_4, %dma_wait3A_61] : memref<64x128xi32, #tpu.memory_space<hbm>> -> memref<2x128xi32, #tpu.memory_space<hbm>>
      %dma_wait3A_63 = arith.constant 0 : i32
      %dma_wait3A_64 = tpu.memref_slice %arg3[%mul3A_4, %dma_wait3A_63] : memref<64x128xi32, #tpu.memory_space<hbm>> -> memref<2x128xi32, #tpu.memory_space<hbm>>
      tpu.wait_dma2 semaphore(%run_scoped3A_56 : memref<!tpu.dma_semaphore, #tpu.memory_space<semaphore_mem>>) src(%dma_wait3A_64 : memref<2x128xi32, #tpu.memory_space<hbm>>) dst(%arg5 : memref<2x128xi32, #tpu.memory_space<vmem>>)
      tpu.yield
    }) : () -> ()
    %dma_start3A = arith.constant 0 : i32
    %dma_start3A_5 = arith.constant 0 : i32
    %dma_start3A_6 = arith.constant 0 : i32
    %dma_start3A_7 = arith.constant 0 : i32
    %dma_start3A_8 = tpu.memref_slice %arg6[%dma_start3A_5, %dma_start3A_6, %dma_start3A_7] : memref<2x128x128xf32, #tpu.memory_space<vmem>> -> memref<1x128x128xf32, #tpu.memory_space<vmem>>
    %dma_start3A_9 = tpu.memref_squeeze %dma_start3A_8 : memref<1x128x128xf32, #tpu.memory_space<vmem>> -> memref<128x128xf32, #tpu.memory_space<vmem>>
    %dma_start3A_10 = arith.constant 0 : i32
    %dma_start3A_11 = tpu.memref_slice %arg5[%dma_start3A, %dma_start3A_10] : memref<2x128xi32, #tpu.memory_space<vmem>> -> memref<1x128xi32, #tpu.memory_space<vmem>>
    %dma_start3A_12 = tpu.memref_squeeze %dma_start3A_11 : memref<1x128xi32, #tpu.memory_space<vmem>> -> memref<128xi32, #tpu.memory_space<vmem>>
    %dma_start3A_13 = arith.constant 0 : i32
    %dma_start3A_14 = arith.constant 0 : i32
    %dma_start3A_15 = tpu.memref_slice %arg2[%dma_start3A_13, %dma_start3A_14] : memref<16384x128xf32, #tpu.memory_space<hbm>> -> memref<16384x128xf32, #tpu.memory_space<hbm>>
    tpu.enqueue_indirect_dma source(%dma_start3A_15 : memref<16384x128xf32, #tpu.memory_space<hbm>>) target(%dma_start3A_9 : memref<128x128xf32, #tpu.memory_space<vmem>>) offsets(%dma_start3A_12 : memref<128xi32, #tpu.memory_space<vmem>>) semaphore(%arg7 : memref<!tpu.dma_semaphore, #tpu.memory_space<semaphore_mem>>)
    %dma_start3A_16 = arith.constant 1 : i32
    %dma_start3A_17 = arith.constant 1 : i32
    %dma_start3A_18 = arith.constant 0 : i32
    %dma_start3A_19 = arith.constant 0 : i32
    %dma_start3A_20 = tpu.memref_slice %arg6[%dma_start3A_17, %dma_start3A_18, %dma_start3A_19] : memref<2x128x128xf32, #tpu.memory_space<vmem>> -> memref<1x128x128xf32, #tpu.memory_space<vmem>>
    %dma_start3A_21 = tpu.memref_squeeze %dma_start3A_20 : memref<1x128x128xf32, #tpu.memory_space<vmem>> -> memref<128x128xf32, #tpu.memory_space<vmem>>
    %dma_start3A_22 = arith.constant 0 : i32
    %dma_start3A_23 = tpu.memref_slice %arg5[%dma_start3A_16, %dma_start3A_22] : memref<2x128xi32, #tpu.memory_space<vmem>> -> memref<1x128xi32, #tpu.memory_space<vmem>>
    %dma_start3A_24 = tpu.memref_squeeze %dma_start3A_23 : memref<1x128xi32, #tpu.memory_space<vmem>> -> memref<128xi32, #tpu.memory_space<vmem>>
    %dma_start3A_25 = arith.constant 0 : i32
    %dma_start3A_26 = arith.constant 0 : i32
    %dma_start3A_27 = tpu.memref_slice %arg2[%dma_start3A_25, %dma_start3A_26] : memref<16384x128xf32, #tpu.memory_space<hbm>> -> memref<16384x128xf32, #tpu.memory_space<hbm>>
    tpu.enqueue_indirect_dma source(%dma_start3A_27 : memref<16384x128xf32, #tpu.memory_space<hbm>>) target(%dma_start3A_21 : memref<128x128xf32, #tpu.memory_space<vmem>>) offsets(%dma_start3A_24 : memref<128xi32, #tpu.memory_space<vmem>>) semaphore(%arg8 : memref<!tpu.dma_semaphore, #tpu.memory_space<semaphore_mem>>)
    %dma_wait3A = arith.constant 0 : i32
    %dma_wait3A_28 = arith.constant 0 : i32
    %dma_wait3A_29 = arith.constant 0 : i32
    %dma_wait3A_30 = arith.constant 0 : i32
    %dma_wait3A_31 = tpu.memref_slice %arg6[%dma_wait3A_28, %dma_wait3A_29, %dma_wait3A_30] : memref<2x128x128xf32, #tpu.memory_space<vmem>> -> memref<1x128x128xf32, #tpu.memory_space<vmem>>
    %dma_wait3A_32 = tpu.memref_squeeze %dma_wait3A_31 : memref<1x128x128xf32, #tpu.memory_space<vmem>> -> memref<128x128xf32, #tpu.memory_space<vmem>>
    %dma_wait3A_33 = arith.constant 0 : i32
    %dma_wait3A_34 = tpu.memref_slice %arg5[%dma_wait3A, %dma_wait3A_33] : memref<2x128xi32, #tpu.memory_space<vmem>> -> memref<1x128xi32, #tpu.memory_space<vmem>>
    %dma_wait3A_35 = tpu.memref_squeeze %dma_wait3A_34 : memref<1x128xi32, #tpu.memory_space<vmem>> -> memref<128xi32, #tpu.memory_space<vmem>>
    %dma_wait3A_36 = arith.constant 0 : i32
    %dma_wait3A_37 = arith.constant 0 : i32
    %dma_wait3A_38 = tpu.memref_slice %arg2[%dma_wait3A_36, %dma_wait3A_37] : memref<16384x128xf32, #tpu.memory_space<hbm>> -> memref<16384x128xf32, #tpu.memory_space<hbm>>
    tpu.wait_indirect_dma semaphore(%arg7 : memref<!tpu.dma_semaphore, #tpu.memory_space<semaphore_mem>>) src(%dma_wait3A_38 : memref<16384x128xf32, #tpu.memory_space<hbm>>) dst(%dma_wait3A_32 : memref<128x128xf32, #tpu.memory_space<vmem>>)
    %add3A_39 = arith.constant 0 : i32
    %add3A_40 = arith.addi %mul3A_2, %add3A_39 : i32
    %run_scoped3A = arith.constant 0 : i32
    "tpu.region"() ({
      %run_scoped3A_56 = tpu.sem_alloc : memref<!tpu.dma_semaphore, #tpu.memory_space<semaphore_mem>>
      %dma_start3A_57 = arith.constant 0 : i32
      %dma_start3A_58 = arith.constant 0 : i32
      %dma_start3A_59 = tpu.memref_slice %arg6[%run_scoped3A, %dma_start3A_57, %dma_start3A_58] : memref<2x128x128xf32, #tpu.memory_space<vmem>> -> memref<1x128x128xf32, #tpu.memory_space<vmem>>
      %dma_start3A_60 = tpu.memref_squeeze %dma_start3A_59 : memref<1x128x128xf32, #tpu.memory_space<vmem>> -> memref<128x128xf32, #tpu.memory_space<vmem>>
      %dma_start3A_61 = arith.constant 0 : i32
      %dma_start3A_62 = tpu.memref_slice %arg4[%add3A_40, %dma_start3A_61] : memref<8192x128xf32, #tpu.memory_space<hbm>> -> memref<128x128xf32, #tpu.memory_space<hbm>>
      %dma_start3A_63 = arith.constant 0 : i32
      %dma_start3A_64 = tpu.memref_slice %arg4[%add3A_40, %dma_start3A_63] : memref<8192x128xf32, #tpu.memory_space<hbm>> -> memref<128x128xf32, #tpu.memory_space<hbm>>
      %dma_start3A_65 = arith.constant 0 : i32
      %dma_start3A_66 = arith.constant 0 : i32
      %dma_start3A_67 = tpu.memref_slice %arg6[%run_scoped3A, %dma_start3A_65, %dma_start3A_66] : memref<2x128x128xf32, #tpu.memory_space<vmem>> -> memref<1x128x128xf32, #tpu.memory_space<vmem>>
      %dma_start3A_68 = tpu.memref_squeeze %dma_start3A_67 : memref<1x128x128xf32, #tpu.memory_space<vmem>> -> memref<128x128xf32, #tpu.memory_space<vmem>>
      tpu.enqueue_dma source(%dma_start3A_68 : memref<128x128xf32, #tpu.memory_space<vmem>>) target(%dma_start3A_64 : memref<128x128xf32, #tpu.memory_space<hbm>>) target_semaphore(%run_scoped3A_56 : memref<!tpu.dma_semaphore, #tpu.memory_space<semaphore_mem>>)
      %dma_wait3A_69 = arith.constant 0 : i32
      %dma_wait3A_70 = arith.constant 0 : i32
      %dma_wait3A_71 = tpu.memref_slice %arg6[%run_scoped3A, %dma_wait3A_69, %dma_wait3A_70] : memref<2x128x128xf32, #tpu.memory_space<vmem>> -> memref<1x128x128xf32, #tpu.memory_space<vmem>>
      %dma_wait3A_72 = tpu.memref_squeeze %dma_wait3A_71 : memref<1x128x128xf32, #tpu.memory_space<vmem>> -> memref<128x128xf32, #tpu.memory_space<vmem>>
      %dma_wait3A_73 = arith.constant 0 : i32
      %dma_wait3A_74 = tpu.memref_slice %arg4[%add3A_40, %dma_wait3A_73] : memref<8192x128xf32, #tpu.memory_space<hbm>> -> memref<128x128xf32, #tpu.memory_space<hbm>>
      %dma_wait3A_75 = arith.constant 0 : i32
      %dma_wait3A_76 = tpu.memref_slice %arg4[%add3A_40, %dma_wait3A_75] : memref<8192x128xf32, #tpu.memory_space<hbm>> -> memref<128x128xf32, #tpu.memory_space<hbm>>
      %dma_wait3A_77 = arith.constant 0 : i32
      %dma_wait3A_78 = arith.constant 0 : i32
      %dma_wait3A_79 = tpu.memref_slice %arg6[%run_scoped3A, %dma_wait3A_77, %dma_wait3A_78] : memref<2x128x128xf32, #tpu.memory_space<vmem>> -> memref<1x128x128xf32, #tpu.memory_space<vmem>>
      %dma_wait3A_80 = tpu.memref_squeeze %dma_wait3A_79 : memref<1x128x128xf32, #tpu.memory_space<vmem>> -> memref<128x128xf32, #tpu.memory_space<vmem>>
      tpu.wait_dma2 semaphore(%run_scoped3A_56 : memref<!tpu.dma_semaphore, #tpu.memory_space<semaphore_mem>>) src(%dma_wait3A_80 : memref<128x128xf32, #tpu.memory_space<vmem>>) dst(%dma_wait3A_76 : memref<128x128xf32, #tpu.memory_space<hbm>>)
      tpu.yield
    }) : () -> ()
    %dma_wait3A_41 = arith.constant 1 : i32
    %dma_wait3A_42 = arith.constant 1 : i32
    %dma_wait3A_43 = arith.constant 0 : i32
    %dma_wait3A_44 = arith.constant 0 : i32
    %dma_wait3A_45 = tpu.memref_slice %arg6[%dma_wait3A_42, %dma_wait3A_43, %dma_wait3A_44] : memref<2x128x128xf32, #tpu.memory_space<vmem>> -> memref<1x128x128xf32, #tpu.memory_space<vmem>>
    %dma_wait3A_46 = tpu.memref_squeeze %dma_wait3A_45 : memref<1x128x128xf32, #tpu.memory_space<vmem>> -> memref<128x128xf32, #tpu.memory_space<vmem>>
    %dma_wait3A_47 = arith.constant 0 : i32
    %dma_wait3A_48 = tpu.memref_slice %arg5[%dma_wait3A_41, %dma_wait3A_47] : memref<2x128xi32, #tpu.memory_space<vmem>> -> memref<1x128xi32, #tpu.memory_space<vmem>>
    %dma_wait3A_49 = tpu.memref_squeeze %dma_wait3A_48 : memref<1x128xi32, #tpu.memory_space<vmem>> -> memref<128xi32, #tpu.memory_space<vmem>>
    %dma_wait3A_50 = arith.constant 0 : i32
    %dma_wait3A_51 = arith.constant 0 : i32
    %dma_wait3A_52 = tpu.memref_slice %arg2[%dma_wait3A_50, %dma_wait3A_51] : memref<16384x128xf32, #tpu.memory_space<hbm>> -> memref<16384x128xf32, #tpu.memory_space<hbm>>
    tpu.wait_indirect_dma semaphore(%arg8 : memref<!tpu.dma_semaphore, #tpu.memory_space<semaphore_mem>>) src(%dma_wait3A_52 : memref<16384x128xf32, #tpu.memory_space<hbm>>) dst(%dma_wait3A_46 : memref<128x128xf32, #tpu.memory_space<vmem>>)
    %add3A_53 = arith.constant 128 : i32
    %add3A_54 = arith.addi %mul3A_2, %add3A_53 : i32
    %run_scoped3A_55 = arith.constant 1 : i32
    "tpu.region"() ({
      %run_scoped3A_56 = tpu.sem_alloc : memref<!tpu.dma_semaphore, #tpu.memory_space<semaphore_mem>>
      %dma_start3A_57 = arith.constant 0 : i32
      %dma_start3A_58 = arith.constant 0 : i32
      %dma_start3A_59 = tpu.memref_slice %arg6[%run_scoped3A_55, %dma_start3A_57, %dma_start3A_58] : memref<2x128x128xf32, #tpu.memory_space<vmem>> -> memref<1x128x128xf32, #tpu.memory_space<vmem>>
      %dma_start3A_60 = tpu.memref_squeeze %dma_start3A_59 : memref<1x128x128xf32, #tpu.memory_space<vmem>> -> memref<128x128xf32, #tpu.memory_space<vmem>>
      %dma_start3A_61 = arith.constant 0 : i32
      %dma_start3A_62 = tpu.memref_slice %arg4[%add3A_54, %dma_start3A_61] : memref<8192x128xf32, #tpu.memory_space<hbm>> -> memref<128x128xf32, #tpu.memory_space<hbm>>
      %dma_start3A_63 = arith.constant 0 : i32
      %dma_start3A_64 = tpu.memref_slice %arg4[%add3A_54, %dma_start3A_63] : memref<8192x128xf32, #tpu.memory_space<hbm>> -> memref<128x128xf32, #tpu.memory_space<hbm>>
      %dma_start3A_65 = arith.constant 0 : i32
      %dma_start3A_66 = arith.constant 0 : i32
      %dma_start3A_67 = tpu.memref_slice %arg6[%run_scoped3A_55, %dma_start3A_65, %dma_start3A_66] : memref<2x128x128xf32, #tpu.memory_space<vmem>> -> memref<1x128x128xf32, #tpu.memory_space<vmem>>
      %dma_start3A_68 = tpu.memref_squeeze %dma_start3A_67 : memref<1x128x128xf32, #tpu.memory_space<vmem>> -> memref<128x128xf32, #tpu.memory_space<vmem>>
      tpu.enqueue_dma source(%dma_start3A_68 : memref<128x128xf32, #tpu.memory_space<vmem>>) target(%dma_start3A_64 : memref<128x128xf32, #tpu.memory_space<hbm>>) target_semaphore(%run_scoped3A_56 : memref<!tpu.dma_semaphore, #tpu.memory_space<semaphore_mem>>)
      %dma_wait3A_69 = arith.constant 0 : i32
      %dma_wait3A_70 = arith.constant 0 : i32
      %dma_wait3A_71 = tpu.memref_slice %arg6[%run_scoped3A_55, %dma_wait3A_69, %dma_wait3A_70] : memref<2x128x128xf32, #tpu.memory_space<vmem>> -> memref<1x128x128xf32, #tpu.memory_space<vmem>>
      %dma_wait3A_72 = tpu.memref_squeeze %dma_wait3A_71 : memref<1x128x128xf32, #tpu.memory_space<vmem>> -> memref<128x128xf32, #tpu.memory_space<vmem>>
      %dma_wait3A_73 = arith.constant 0 : i32
      %dma_wait3A_74 = tpu.memref_slice %arg4[%add3A_54, %dma_wait3A_73] : memref<8192x128xf32, #tpu.memory_space<hbm>> -> memref<128x128xf32, #tpu.memory_space<hbm>>
      %dma_wait3A_75 = arith.constant 0 : i32
      %dma_wait3A_76 = tpu.memref_slice %arg4[%add3A_54, %dma_wait3A_75] : memref<8192x128xf32, #tpu.memory_space<hbm>> -> memref<128x128xf32, #tpu.memory_space<hbm>>
      %dma_wait3A_77 = arith.constant 0 : i32
      %dma_wait3A_78 = arith.constant 0 : i32
      %dma_wait3A_79 = tpu.memref_slice %arg6[%run_scoped3A_55, %dma_wait3A_77, %dma_wait3A_78] : memref<2x128x128xf32, #tpu.memory_space<vmem>> -> memref<1x128x128xf32, #tpu.memory_space<vmem>>
      %dma_wait3A_80 = tpu.memref_squeeze %dma_wait3A_79 : memref<1x128x128xf32, #tpu.memory_space<vmem>> -> memref<128x128xf32, #tpu.memory_space<vmem>>
      tpu.wait_dma2 semaphore(%run_scoped3A_56 : memref<!tpu.dma_semaphore, #tpu.memory_space<semaphore_mem>>) src(%dma_wait3A_80 : memref<128x128xf32, #tpu.memory_space<vmem>>) dst(%dma_wait3A_76 : memref<128x128xf32, #tpu.memory_space<hbm>>)
      tpu.yield
    }) : () -> ()
    return
  }
}

#map = affine_map<(d0, d1) -> (0, 0)>
module attributes {stable_mosaic.version = 14 : i64} {
  func.func @scatter_x(%arg0: i32, %arg1: i32, %arg2: memref<8192x1024xf32, #tpu.memory_space<hbm>>, %arg3: memref<512x16xi32, #tpu.memory_space<hbm>>, %arg4: memref<16384x1024xf32, #tpu.memory_space<hbm>>, %arg5: memref<16x16xi32, #tpu.memory_space<vmem>>, %arg6: memref<6x16x1024xf32, #tpu.memory_space<vmem>>, %arg7: memref<!tpu.dma_semaphore, #tpu.memory_space<semaphore_mem>>, %arg8: memref<!tpu.dma_semaphore, #tpu.memory_space<semaphore_mem>>, %arg9: memref<!tpu.dma_semaphore, #tpu.memory_space<semaphore_mem>>, %arg10: memref<!tpu.dma_semaphore, #tpu.memory_space<semaphore_mem>>, %arg11: memref<!tpu.dma_semaphore, #tpu.memory_space<semaphore_mem>>, %arg12: memref<!tpu.dma_semaphore, #tpu.memory_space<semaphore_mem>>, %arg13: memref<!tpu.dma_semaphore, #tpu.memory_space<semaphore_mem>>, %arg14: memref<!tpu.dma_semaphore, #tpu.memory_space<semaphore_mem>>, %arg15: memref<!tpu.dma_semaphore, #tpu.memory_space<semaphore_mem>>, %arg16: memref<!tpu.dma_semaphore, #tpu.memory_space<semaphore_mem>>, %arg17: memref<!tpu.dma_semaphore, #tpu.memory_space<semaphore_mem>>, %arg18: memref<!tpu.dma_semaphore, #tpu.memory_space<semaphore_mem>>) attributes {dimension_semantics = [#tpu.dimension_semantics<core_parallel>, #tpu.dimension_semantics<subcore_parallel>], iteration_bounds = array<i64: 2, 16>, scalar_prefetch = 0 : i64, scratch_operands = 14 : i64, tpu.core_type = #tpu.core_type<sc_vector_subcore>, window_params = [{transform_indices = #map}, {transform_indices = #map}, {transform_indices = #map}]} {
    %mul3A = arith.constant 2 : i32
    %mul3A_0 = arith.muli %arg1, %mul3A : i32
    %add3A = arith.addi %mul3A_0, %arg0 : i32
    %mul3A_1 = arith.constant 256 : i32
    %mul3A_2 = arith.muli %add3A, %mul3A_1 : i32
    %mul3A_3 = arith.constant 16 : i32
    %mul3A_4 = arith.muli %add3A, %mul3A_3 : i32
    "tpu.region"() ({
      %run_scoped3A = tpu.sem_alloc : memref<!tpu.dma_semaphore, #tpu.memory_space<semaphore_mem>>
      %dma_start3A_835 = arith.constant 0 : i32
      %dma_start3A_836 = tpu.memref_slice %arg3[%mul3A_4, %dma_start3A_835] : memref<512x16xi32, #tpu.memory_space<hbm>> -> memref<16x16xi32, #tpu.memory_space<hbm>>
      %dma_start3A_837 = arith.constant 0 : i32
      %dma_start3A_838 = tpu.memref_slice %arg3[%mul3A_4, %dma_start3A_837] : memref<512x16xi32, #tpu.memory_space<hbm>> -> memref<16x16xi32, #tpu.memory_space<hbm>>
      tpu.enqueue_dma source(%dma_start3A_838 : memref<16x16xi32, #tpu.memory_space<hbm>>) target(%arg5 : memref<16x16xi32, #tpu.memory_space<vmem>>) target_semaphore(%run_scoped3A : memref<!tpu.dma_semaphore, #tpu.memory_space<semaphore_mem>>)
      %dma_wait3A_839 = arith.constant 0 : i32
      %dma_wait3A_840 = tpu.memref_slice %arg3[%mul3A_4, %dma_wait3A_839] : memref<512x16xi32, #tpu.memory_space<hbm>> -> memref<16x16xi32, #tpu.memory_space<hbm>>
      %dma_wait3A_841 = arith.constant 0 : i32
      %dma_wait3A_842 = tpu.memref_slice %arg3[%mul3A_4, %dma_wait3A_841] : memref<512x16xi32, #tpu.memory_space<hbm>> -> memref<16x16xi32, #tpu.memory_space<hbm>>
      tpu.wait_dma2 semaphore(%run_scoped3A : memref<!tpu.dma_semaphore, #tpu.memory_space<semaphore_mem>>) src(%dma_wait3A_842 : memref<16x16xi32, #tpu.memory_space<hbm>>) dst(%arg5 : memref<16x16xi32, #tpu.memory_space<vmem>>)
      tpu.yield
    }) : () -> ()
    %add3A_5 = arith.constant 0 : i32
    %add3A_6 = arith.addi %mul3A_2, %add3A_5 : i32
    %dma_start3A = arith.constant 0 : i32
    %dma_start3A_7 = arith.constant 0 : i32
    %dma_start3A_8 = arith.constant 0 : i32
    %dma_start3A_9 = tpu.memref_slice %arg6[%dma_start3A, %dma_start3A_7, %dma_start3A_8] : memref<6x16x1024xf32, #tpu.memory_space<vmem>> -> memref<1x16x1024xf32, #tpu.memory_space<vmem>>
    %dma_start3A_10 = tpu.memref_squeeze %dma_start3A_9 : memref<1x16x1024xf32, #tpu.memory_space<vmem>> -> memref<16x1024xf32, #tpu.memory_space<vmem>>
    %dma_start3A_11 = arith.constant 0 : i32
    %dma_start3A_12 = tpu.memref_slice %arg2[%add3A_6, %dma_start3A_11] : memref<8192x1024xf32, #tpu.memory_space<hbm>> -> memref<16x1024xf32, #tpu.memory_space<hbm>>
    %dma_start3A_13 = arith.constant 0 : i32
    %dma_start3A_14 = arith.constant 0 : i32
    %dma_start3A_15 = tpu.memref_slice %arg6[%dma_start3A, %dma_start3A_13, %dma_start3A_14] : memref<6x16x1024xf32, #tpu.memory_space<vmem>> -> memref<1x16x1024xf32, #tpu.memory_space<vmem>>
    %dma_start3A_16 = tpu.memref_squeeze %dma_start3A_15 : memref<1x16x1024xf32, #tpu.memory_space<vmem>> -> memref<16x1024xf32, #tpu.memory_space<vmem>>
    %dma_start3A_17 = arith.constant 0 : i32
    %dma_start3A_18 = tpu.memref_slice %arg2[%add3A_6, %dma_start3A_17] : memref<8192x1024xf32, #tpu.memory_space<hbm>> -> memref<16x1024xf32, #tpu.memory_space<hbm>>
    tpu.enqueue_dma source(%dma_start3A_18 : memref<16x1024xf32, #tpu.memory_space<hbm>>) target(%dma_start3A_16 : memref<16x1024xf32, #tpu.memory_space<vmem>>) target_semaphore(%arg7 : memref<!tpu.dma_semaphore, #tpu.memory_space<semaphore_mem>>)
    %add3A_19 = arith.constant 16 : i32
    %add3A_20 = arith.addi %mul3A_2, %add3A_19 : i32
    %dma_start3A_21 = arith.constant 1 : i32
    %dma_start3A_22 = arith.constant 0 : i32
    %dma_start3A_23 = arith.constant 0 : i32
    %dma_start3A_24 = tpu.memref_slice %arg6[%dma_start3A_21, %dma_start3A_22, %dma_start3A_23] : memref<6x16x1024xf32, #tpu.memory_space<vmem>> -> memref<1x16x1024xf32, #tpu.memory_space<vmem>>
    %dma_start3A_25 = tpu.memref_squeeze %dma_start3A_24 : memref<1x16x1024xf32, #tpu.memory_space<vmem>> -> memref<16x1024xf32, #tpu.memory_space<vmem>>
    %dma_start3A_26 = arith.constant 0 : i32
    %dma_start3A_27 = tpu.memref_slice %arg2[%add3A_20, %dma_start3A_26] : memref<8192x1024xf32, #tpu.memory_space<hbm>> -> memref<16x1024xf32, #tpu.memory_space<hbm>>
    %dma_start3A_28 = arith.constant 0 : i32
    %dma_start3A_29 = arith.constant 0 : i32
    %dma_start3A_30 = tpu.memref_slice %arg6[%dma_start3A_21, %dma_start3A_28, %dma_start3A_29] : memref<6x16x1024xf32, #tpu.memory_space<vmem>> -> memref<1x16x1024xf32, #tpu.memory_space<vmem>>
    %dma_start3A_31 = tpu.memref_squeeze %dma_start3A_30 : memref<1x16x1024xf32, #tpu.memory_space<vmem>> -> memref<16x1024xf32, #tpu.memory_space<vmem>>
    %dma_start3A_32 = arith.constant 0 : i32
    %dma_start3A_33 = tpu.memref_slice %arg2[%add3A_20, %dma_start3A_32] : memref<8192x1024xf32, #tpu.memory_space<hbm>> -> memref<16x1024xf32, #tpu.memory_space<hbm>>
    tpu.enqueue_dma source(%dma_start3A_33 : memref<16x1024xf32, #tpu.memory_space<hbm>>) target(%dma_start3A_31 : memref<16x1024xf32, #tpu.memory_space<vmem>>) target_semaphore(%arg8 : memref<!tpu.dma_semaphore, #tpu.memory_space<semaphore_mem>>)
    %add3A_34 = arith.constant 32 : i32
    %add3A_35 = arith.addi %mul3A_2, %add3A_34 : i32
    %dma_start3A_36 = arith.constant 2 : i32
    %dma_start3A_37 = arith.constant 0 : i32
    %dma_start3A_38 = arith.constant 0 : i32
    %dma_start3A_39 = tpu.memref_slice %arg6[%dma_start3A_36, %dma_start3A_37, %dma_start3A_38] : memref<6x16x1024xf32, #tpu.memory_space<vmem>> -> memref<1x16x1024xf32, #tpu.memory_space<vmem>>
    %dma_start3A_40 = tpu.memref_squeeze %dma_start3A_39 : memref<1x16x1024xf32, #tpu.memory_space<vmem>> -> memref<16x1024xf32, #tpu.memory_space<vmem>>
    %dma_start3A_41 = arith.constant 0 : i32
    %dma_start3A_42 = tpu.memref_slice %arg2[%add3A_35, %dma_start3A_41] : memref<8192x1024xf32, #tpu.memory_space<hbm>> -> memref<16x1024xf32, #tpu.memory_space<hbm>>
    %dma_start3A_43 = arith.constant 0 : i32
    %dma_start3A_44 = arith.constant 0 : i32
    %dma_start3A_45 = tpu.memref_slice %arg6[%dma_start3A_36, %dma_start3A_43, %dma_start3A_44] : memref<6x16x1024xf32, #tpu.memory_space<vmem>> -> memref<1x16x1024xf32, #tpu.memory_space<vmem>>
    %dma_start3A_46 = tpu.memref_squeeze %dma_start3A_45 : memref<1x16x1024xf32, #tpu.memory_space<vmem>> -> memref<16x1024xf32, #tpu.memory_space<vmem>>
    %dma_start3A_47 = arith.constant 0 : i32
    %dma_start3A_48 = tpu.memref_slice %arg2[%add3A_35, %dma_start3A_47] : memref<8192x1024xf32, #tpu.memory_space<hbm>> -> memref<16x1024xf32, #tpu.memory_space<hbm>>
    tpu.enqueue_dma source(%dma_start3A_48 : memref<16x1024xf32, #tpu.memory_space<hbm>>) target(%dma_start3A_46 : memref<16x1024xf32, #tpu.memory_space<vmem>>) target_semaphore(%arg9 : memref<!tpu.dma_semaphore, #tpu.memory_space<semaphore_mem>>)
    %add3A_49 = arith.constant 48 : i32
    %add3A_50 = arith.addi %mul3A_2, %add3A_49 : i32
    %dma_start3A_51 = arith.constant 3 : i32
    %dma_start3A_52 = arith.constant 0 : i32
    %dma_start3A_53 = arith.constant 0 : i32
    %dma_start3A_54 = tpu.memref_slice %arg6[%dma_start3A_51, %dma_start3A_52, %dma_start3A_53] : memref<6x16x1024xf32, #tpu.memory_space<vmem>> -> memref<1x16x1024xf32, #tpu.memory_space<vmem>>
    %dma_start3A_55 = tpu.memref_squeeze %dma_start3A_54 : memref<1x16x1024xf32, #tpu.memory_space<vmem>> -> memref<16x1024xf32, #tpu.memory_space<vmem>>
    %dma_start3A_56 = arith.constant 0 : i32
    %dma_start3A_57 = tpu.memref_slice %arg2[%add3A_50, %dma_start3A_56] : memref<8192x1024xf32, #tpu.memory_space<hbm>> -> memref<16x1024xf32, #tpu.memory_space<hbm>>
    %dma_start3A_58 = arith.constant 0 : i32
    %dma_start3A_59 = arith.constant 0 : i32
    %dma_start3A_60 = tpu.memref_slice %arg6[%dma_start3A_51, %dma_start3A_58, %dma_start3A_59] : memref<6x16x1024xf32, #tpu.memory_space<vmem>> -> memref<1x16x1024xf32, #tpu.memory_space<vmem>>
    %dma_start3A_61 = tpu.memref_squeeze %dma_start3A_60 : memref<1x16x1024xf32, #tpu.memory_space<vmem>> -> memref<16x1024xf32, #tpu.memory_space<vmem>>
    %dma_start3A_62 = arith.constant 0 : i32
    %dma_start3A_63 = tpu.memref_slice %arg2[%add3A_50, %dma_start3A_62] : memref<8192x1024xf32, #tpu.memory_space<hbm>> -> memref<16x1024xf32, #tpu.memory_space<hbm>>
    tpu.enqueue_dma source(%dma_start3A_63 : memref<16x1024xf32, #tpu.memory_space<hbm>>) target(%dma_start3A_61 : memref<16x1024xf32, #tpu.memory_space<vmem>>) target_semaphore(%arg10 : memref<!tpu.dma_semaphore, #tpu.memory_space<semaphore_mem>>)
    %add3A_64 = arith.constant 64 : i32
    %add3A_65 = arith.addi %mul3A_2, %add3A_64 : i32
    %dma_start3A_66 = arith.constant 4 : i32
    %dma_start3A_67 = arith.constant 0 : i32
    %dma_start3A_68 = arith.constant 0 : i32
    %dma_start3A_69 = tpu.memref_slice %arg6[%dma_start3A_66, %dma_start3A_67, %dma_start3A_68] : memref<6x16x1024xf32, #tpu.memory_space<vmem>> -> memref<1x16x1024xf32, #tpu.memory_space<vmem>>
    %dma_start3A_70 = tpu.memref_squeeze %dma_start3A_69 : memref<1x16x1024xf32, #tpu.memory_space<vmem>> -> memref<16x1024xf32, #tpu.memory_space<vmem>>
    %dma_start3A_71 = arith.constant 0 : i32
    %dma_start3A_72 = tpu.memref_slice %arg2[%add3A_65, %dma_start3A_71] : memref<8192x1024xf32, #tpu.memory_space<hbm>> -> memref<16x1024xf32, #tpu.memory_space<hbm>>
    %dma_start3A_73 = arith.constant 0 : i32
    %dma_start3A_74 = arith.constant 0 : i32
    %dma_start3A_75 = tpu.memref_slice %arg6[%dma_start3A_66, %dma_start3A_73, %dma_start3A_74] : memref<6x16x1024xf32, #tpu.memory_space<vmem>> -> memref<1x16x1024xf32, #tpu.memory_space<vmem>>
    %dma_start3A_76 = tpu.memref_squeeze %dma_start3A_75 : memref<1x16x1024xf32, #tpu.memory_space<vmem>> -> memref<16x1024xf32, #tpu.memory_space<vmem>>
    %dma_start3A_77 = arith.constant 0 : i32
    %dma_start3A_78 = tpu.memref_slice %arg2[%add3A_65, %dma_start3A_77] : memref<8192x1024xf32, #tpu.memory_space<hbm>> -> memref<16x1024xf32, #tpu.memory_space<hbm>>
    tpu.enqueue_dma source(%dma_start3A_78 : memref<16x1024xf32, #tpu.memory_space<hbm>>) target(%dma_start3A_76 : memref<16x1024xf32, #tpu.memory_space<vmem>>) target_semaphore(%arg11 : memref<!tpu.dma_semaphore, #tpu.memory_space<semaphore_mem>>)
    %dma_wait3A = arith.constant 0 : i32
    %dma_wait3A_79 = arith.constant 0 : i32
    %dma_wait3A_80 = arith.constant 0 : i32
    %dma_wait3A_81 = tpu.memref_slice %arg6[%dma_wait3A, %dma_wait3A_79, %dma_wait3A_80] : memref<6x16x1024xf32, #tpu.memory_space<vmem>> -> memref<1x16x1024xf32, #tpu.memory_space<vmem>>
    %dma_wait3A_82 = tpu.memref_squeeze %dma_wait3A_81 : memref<1x16x1024xf32, #tpu.memory_space<vmem>> -> memref<16x1024xf32, #tpu.memory_space<vmem>>
    %dma_wait3A_83 = arith.constant 0 : i32
    %dma_wait3A_84 = tpu.memref_slice %arg2[%add3A_6, %dma_wait3A_83] : memref<8192x1024xf32, #tpu.memory_space<hbm>> -> memref<16x1024xf32, #tpu.memory_space<hbm>>
    %dma_wait3A_85 = arith.constant 0 : i32
    %dma_wait3A_86 = arith.constant 0 : i32
    %dma_wait3A_87 = tpu.memref_slice %arg6[%dma_wait3A, %dma_wait3A_85, %dma_wait3A_86] : memref<6x16x1024xf32, #tpu.memory_space<vmem>> -> memref<1x16x1024xf32, #tpu.memory_space<vmem>>
    %dma_wait3A_88 = tpu.memref_squeeze %dma_wait3A_87 : memref<1x16x1024xf32, #tpu.memory_space<vmem>> -> memref<16x1024xf32, #tpu.memory_space<vmem>>
    %dma_wait3A_89 = arith.constant 0 : i32
    %dma_wait3A_90 = tpu.memref_slice %arg2[%add3A_6, %dma_wait3A_89] : memref<8192x1024xf32, #tpu.memory_space<hbm>> -> memref<16x1024xf32, #tpu.memory_space<hbm>>
    tpu.wait_dma2 semaphore(%arg7 : memref<!tpu.dma_semaphore, #tpu.memory_space<semaphore_mem>>) src(%dma_wait3A_90 : memref<16x1024xf32, #tpu.memory_space<hbm>>) dst(%dma_wait3A_88 : memref<16x1024xf32, #tpu.memory_space<vmem>>)
    %dma_start3A_91 = arith.constant 0 : i32
    %dma_start3A_92 = arith.constant 0 : i32
    %dma_start3A_93 = arith.constant 0 : i32
    %dma_start3A_94 = arith.constant 0 : i32
    %dma_start3A_95 = tpu.memref_slice %arg6[%dma_start3A_91, %dma_start3A_93, %dma_start3A_94] : memref<6x16x1024xf32, #tpu.memory_space<vmem>> -> memref<1x16x1024xf32, #tpu.memory_space<vmem>>
    %dma_start3A_96 = tpu.memref_squeeze %dma_start3A_95 : memref<1x16x1024xf32, #tpu.memory_space<vmem>> -> memref<16x1024xf32, #tpu.memory_space<vmem>>
    %dma_start3A_97 = arith.constant 0 : i32
    %dma_start3A_98 = tpu.memref_slice %arg5[%dma_start3A_92, %dma_start3A_97] : memref<16x16xi32, #tpu.memory_space<vmem>> -> memref<1x16xi32, #tpu.memory_space<vmem>>
    %dma_start3A_99 = tpu.memref_squeeze %dma_start3A_98 : memref<1x16xi32, #tpu.memory_space<vmem>> -> memref<16xi32, #tpu.memory_space<vmem>>
    %dma_start3A_100 = arith.constant 0 : i32
    %dma_start3A_101 = arith.constant 0 : i32
    %dma_start3A_102 = tpu.memref_slice %arg4[%dma_start3A_100, %dma_start3A_101] : memref<16384x1024xf32, #tpu.memory_space<hbm>> -> memref<16384x1024xf32, #tpu.memory_space<hbm>>
    tpu.enqueue_indirect_dma source(%dma_start3A_96 : memref<16x1024xf32, #tpu.memory_space<vmem>>) target(%dma_start3A_102 : memref<16384x1024xf32, #tpu.memory_space<hbm>>) offsets(%dma_start3A_99 : memref<16xi32, #tpu.memory_space<vmem>>) semaphore(%arg13 : memref<!tpu.dma_semaphore, #tpu.memory_space<semaphore_mem>>)
    %add3A_103 = arith.constant 80 : i32
    %add3A_104 = arith.addi %mul3A_2, %add3A_103 : i32
    %dma_start3A_105 = arith.constant 5 : i32
    %dma_start3A_106 = arith.constant 0 : i32
    %dma_start3A_107 = arith.constant 0 : i32
    %dma_start3A_108 = tpu.memref_slice %arg6[%dma_start3A_105, %dma_start3A_106, %dma_start3A_107] : memref<6x16x1024xf32, #tpu.memory_space<vmem>> -> memref<1x16x1024xf32, #tpu.memory_space<vmem>>
    %dma_start3A_109 = tpu.memref_squeeze %dma_start3A_108 : memref<1x16x1024xf32, #tpu.memory_space<vmem>> -> memref<16x1024xf32, #tpu.memory_space<vmem>>
    %dma_start3A_110 = arith.constant 0 : i32
    %dma_start3A_111 = tpu.memref_slice %arg2[%add3A_104, %dma_start3A_110] : memref<8192x1024xf32, #tpu.memory_space<hbm>> -> memref<16x1024xf32, #tpu.memory_space<hbm>>
    %dma_start3A_112 = arith.constant 0 : i32
    %dma_start3A_113 = arith.constant 0 : i32
    %dma_start3A_114 = tpu.memref_slice %arg6[%dma_start3A_105, %dma_start3A_112, %dma_start3A_113] : memref<6x16x1024xf32, #tpu.memory_space<vmem>> -> memref<1x16x1024xf32, #tpu.memory_space<vmem>>
    %dma_start3A_115 = tpu.memref_squeeze %dma_start3A_114 : memref<1x16x1024xf32, #tpu.memory_space<vmem>> -> memref<16x1024xf32, #tpu.memory_space<vmem>>
    %dma_start3A_116 = arith.constant 0 : i32
    %dma_start3A_117 = tpu.memref_slice %arg2[%add3A_104, %dma_start3A_116] : memref<8192x1024xf32, #tpu.memory_space<hbm>> -> memref<16x1024xf32, #tpu.memory_space<hbm>>
    tpu.enqueue_dma source(%dma_start3A_117 : memref<16x1024xf32, #tpu.memory_space<hbm>>) target(%dma_start3A_115 : memref<16x1024xf32, #tpu.memory_space<vmem>>) target_semaphore(%arg12 : memref<!tpu.dma_semaphore, #tpu.memory_space<semaphore_mem>>)
    %dma_wait3A_118 = arith.constant 1 : i32
    %dma_wait3A_119 = arith.constant 0 : i32
    %dma_wait3A_120 = arith.constant 0 : i32
    %dma_wait3A_121 = tpu.memref_slice %arg6[%dma_wait3A_118, %dma_wait3A_119, %dma_wait3A_120] : memref<6x16x1024xf32, #tpu.memory_space<vmem>> -> memref<1x16x1024xf32, #tpu.memory_space<vmem>>
    %dma_wait3A_122 = tpu.memref_squeeze %dma_wait3A_121 : memref<1x16x1024xf32, #tpu.memory_space<vmem>> -> memref<16x1024xf32, #tpu.memory_space<vmem>>
    %dma_wait3A_123 = arith.constant 0 : i32
    %dma_wait3A_124 = tpu.memref_slice %arg2[%add3A_20, %dma_wait3A_123] : memref<8192x1024xf32, #tpu.memory_space<hbm>> -> memref<16x1024xf32, #tpu.memory_space<hbm>>
    %dma_wait3A_125 = arith.constant 0 : i32
    %dma_wait3A_126 = arith.constant 0 : i32
    %dma_wait3A_127 = tpu.memref_slice %arg6[%dma_wait3A_118, %dma_wait3A_125, %dma_wait3A_126] : memref<6x16x1024xf32, #tpu.memory_space<vmem>> -> memref<1x16x1024xf32, #tpu.memory_space<vmem>>
    %dma_wait3A_128 = tpu.memref_squeeze %dma_wait3A_127 : memref<1x16x1024xf32, #tpu.memory_space<vmem>> -> memref<16x1024xf32, #tpu.memory_space<vmem>>
    %dma_wait3A_129 = arith.constant 0 : i32
    %dma_wait3A_130 = tpu.memref_slice %arg2[%add3A_20, %dma_wait3A_129] : memref<8192x1024xf32, #tpu.memory_space<hbm>> -> memref<16x1024xf32, #tpu.memory_space<hbm>>
    tpu.wait_dma2 semaphore(%arg8 : memref<!tpu.dma_semaphore, #tpu.memory_space<semaphore_mem>>) src(%dma_wait3A_130 : memref<16x1024xf32, #tpu.memory_space<hbm>>) dst(%dma_wait3A_128 : memref<16x1024xf32, #tpu.memory_space<vmem>>)
    %dma_start3A_131 = arith.constant 1 : i32
    %dma_start3A_132 = arith.constant 1 : i32
    %dma_start3A_133 = arith.constant 0 : i32
    %dma_start3A_134 = arith.constant 0 : i32
    %dma_start3A_135 = tpu.memref_slice %arg6[%dma_start3A_131, %dma_start3A_133, %dma_start3A_134] : memref<6x16x1024xf32, #tpu.memory_space<vmem>> -> memref<1x16x1024xf32, #tpu.memory_space<vmem>>
    %dma_start3A_136 = tpu.memref_squeeze %dma_start3A_135 : memref<1x16x1024xf32, #tpu.memory_space<vmem>> -> memref<16x1024xf32, #tpu.memory_space<vmem>>
    %dma_start3A_137 = arith.constant 0 : i32
    %dma_start3A_138 = tpu.memref_slice %arg5[%dma_start3A_132, %dma_start3A_137] : memref<16x16xi32, #tpu.memory_space<vmem>> -> memref<1x16xi32, #tpu.memory_space<vmem>>
    %dma_start3A_139 = tpu.memref_squeeze %dma_start3A_138 : memref<1x16xi32, #tpu.memory_space<vmem>> -> memref<16xi32, #tpu.memory_space<vmem>>
    %dma_start3A_140 = arith.constant 0 : i32
    %dma_start3A_141 = arith.constant 0 : i32
    %dma_start3A_142 = tpu.memref_slice %arg4[%dma_start3A_140, %dma_start3A_141] : memref<16384x1024xf32, #tpu.memory_space<hbm>> -> memref<16384x1024xf32, #tpu.memory_space<hbm>>
    tpu.enqueue_indirect_dma source(%dma_start3A_136 : memref<16x1024xf32, #tpu.memory_space<vmem>>) target(%dma_start3A_142 : memref<16384x1024xf32, #tpu.memory_space<hbm>>) offsets(%dma_start3A_139 : memref<16xi32, #tpu.memory_space<vmem>>) semaphore(%arg14 : memref<!tpu.dma_semaphore, #tpu.memory_space<semaphore_mem>>)
    %dma_wait3A_143 = arith.constant 0 : i32
    %dma_wait3A_144 = arith.constant 0 : i32
    %dma_wait3A_145 = arith.constant 0 : i32
    %dma_wait3A_146 = arith.constant 0 : i32
    %dma_wait3A_147 = tpu.memref_slice %arg6[%dma_wait3A_143, %dma_wait3A_145, %dma_wait3A_146] : memref<6x16x1024xf32, #tpu.memory_space<vmem>> -> memref<1x16x1024xf32, #tpu.memory_space<vmem>>
    %dma_wait3A_148 = tpu.memref_squeeze %dma_wait3A_147 : memref<1x16x1024xf32, #tpu.memory_space<vmem>> -> memref<16x1024xf32, #tpu.memory_space<vmem>>
    %dma_wait3A_149 = arith.constant 0 : i32
    %dma_wait3A_150 = tpu.memref_slice %arg5[%dma_wait3A_144, %dma_wait3A_149] : memref<16x16xi32, #tpu.memory_space<vmem>> -> memref<1x16xi32, #tpu.memory_space<vmem>>
    %dma_wait3A_151 = tpu.memref_squeeze %dma_wait3A_150 : memref<1x16xi32, #tpu.memory_space<vmem>> -> memref<16xi32, #tpu.memory_space<vmem>>
    %dma_wait3A_152 = arith.constant 0 : i32
    %dma_wait3A_153 = arith.constant 0 : i32
    %dma_wait3A_154 = tpu.memref_slice %arg4[%dma_wait3A_152, %dma_wait3A_153] : memref<16384x1024xf32, #tpu.memory_space<hbm>> -> memref<16384x1024xf32, #tpu.memory_space<hbm>>
    tpu.wait_indirect_dma semaphore(%arg13 : memref<!tpu.dma_semaphore, #tpu.memory_space<semaphore_mem>>) src(%dma_wait3A_148 : memref<16x1024xf32, #tpu.memory_space<vmem>>) dst(%dma_wait3A_154 : memref<16384x1024xf32, #tpu.memory_space<hbm>>)
    %add3A_155 = arith.constant 96 : i32
    %add3A_156 = arith.addi %mul3A_2, %add3A_155 : i32
    %dma_start3A_157 = arith.constant 0 : i32
    %dma_start3A_158 = arith.constant 0 : i32
    %dma_start3A_159 = arith.constant 0 : i32
    %dma_start3A_160 = tpu.memref_slice %arg6[%dma_start3A_157, %dma_start3A_158, %dma_start3A_159] : memref<6x16x1024xf32, #tpu.memory_space<vmem>> -> memref<1x16x1024xf32, #tpu.memory_space<vmem>>
    %dma_start3A_161 = tpu.memref_squeeze %dma_start3A_160 : memref<1x16x1024xf32, #tpu.memory_space<vmem>> -> memref<16x1024xf32, #tpu.memory_space<vmem>>
    %dma_start3A_162 = arith.constant 0 : i32
    %dma_start3A_163 = tpu.memref_slice %arg2[%add3A_156, %dma_start3A_162] : memref<8192x1024xf32, #tpu.memory_space<hbm>> -> memref<16x1024xf32, #tpu.memory_space<hbm>>
    %dma_start3A_164 = arith.constant 0 : i32
    %dma_start3A_165 = arith.constant 0 : i32
    %dma_start3A_166 = tpu.memref_slice %arg6[%dma_start3A_157, %dma_start3A_164, %dma_start3A_165] : memref<6x16x1024xf32, #tpu.memory_space<vmem>> -> memref<1x16x1024xf32, #tpu.memory_space<vmem>>
    %dma_start3A_167 = tpu.memref_squeeze %dma_start3A_166 : memref<1x16x1024xf32, #tpu.memory_space<vmem>> -> memref<16x1024xf32, #tpu.memory_space<vmem>>
    %dma_start3A_168 = arith.constant 0 : i32
    %dma_start3A_169 = tpu.memref_slice %arg2[%add3A_156, %dma_start3A_168] : memref<8192x1024xf32, #tpu.memory_space<hbm>> -> memref<16x1024xf32, #tpu.memory_space<hbm>>
    tpu.enqueue_dma source(%dma_start3A_169 : memref<16x1024xf32, #tpu.memory_space<hbm>>) target(%dma_start3A_167 : memref<16x1024xf32, #tpu.memory_space<vmem>>) target_semaphore(%arg7 : memref<!tpu.dma_semaphore, #tpu.memory_space<semaphore_mem>>)
    %dma_wait3A_170 = arith.constant 2 : i32
    %dma_wait3A_171 = arith.constant 0 : i32
    %dma_wait3A_172 = arith.constant 0 : i32
    %dma_wait3A_173 = tpu.memref_slice %arg6[%dma_wait3A_170, %dma_wait3A_171, %dma_wait3A_172] : memref<6x16x1024xf32, #tpu.memory_space<vmem>> -> memref<1x16x1024xf32, #tpu.memory_space<vmem>>
    %dma_wait3A_174 = tpu.memref_squeeze %dma_wait3A_173 : memref<1x16x1024xf32, #tpu.memory_space<vmem>> -> memref<16x1024xf32, #tpu.memory_space<vmem>>
    %dma_wait3A_175 = arith.constant 0 : i32
    %dma_wait3A_176 = tpu.memref_slice %arg2[%add3A_35, %dma_wait3A_175] : memref<8192x1024xf32, #tpu.memory_space<hbm>> -> memref<16x1024xf32, #tpu.memory_space<hbm>>
    %dma_wait3A_177 = arith.constant 0 : i32
    %dma_wait3A_178 = arith.constant 0 : i32
    %dma_wait3A_179 = tpu.memref_slice %arg6[%dma_wait3A_170, %dma_wait3A_177, %dma_wait3A_178] : memref<6x16x1024xf32, #tpu.memory_space<vmem>> -> memref<1x16x1024xf32, #tpu.memory_space<vmem>>
    %dma_wait3A_180 = tpu.memref_squeeze %dma_wait3A_179 : memref<1x16x1024xf32, #tpu.memory_space<vmem>> -> memref<16x1024xf32, #tpu.memory_space<vmem>>
    %dma_wait3A_181 = arith.constant 0 : i32
    %dma_wait3A_182 = tpu.memref_slice %arg2[%add3A_35, %dma_wait3A_181] : memref<8192x1024xf32, #tpu.memory_space<hbm>> -> memref<16x1024xf32, #tpu.memory_space<hbm>>
    tpu.wait_dma2 semaphore(%arg9 : memref<!tpu.dma_semaphore, #tpu.memory_space<semaphore_mem>>) src(%dma_wait3A_182 : memref<16x1024xf32, #tpu.memory_space<hbm>>) dst(%dma_wait3A_180 : memref<16x1024xf32, #tpu.memory_space<vmem>>)
    %dma_start3A_183 = arith.constant 2 : i32
    %dma_start3A_184 = arith.constant 2 : i32
    %dma_start3A_185 = arith.constant 0 : i32
    %dma_start3A_186 = arith.constant 0 : i32
    %dma_start3A_187 = tpu.memref_slice %arg6[%dma_start3A_183, %dma_start3A_185, %dma_start3A_186] : memref<6x16x1024xf32, #tpu.memory_space<vmem>> -> memref<1x16x1024xf32, #tpu.memory_space<vmem>>
    %dma_start3A_188 = tpu.memref_squeeze %dma_start3A_187 : memref<1x16x1024xf32, #tpu.memory_space<vmem>> -> memref<16x1024xf32, #tpu.memory_space<vmem>>
    %dma_start3A_189 = arith.constant 0 : i32
    %dma_start3A_190 = tpu.memref_slice %arg5[%dma_start3A_184, %dma_start3A_189] : memref<16x16xi32, #tpu.memory_space<vmem>> -> memref<1x16xi32, #tpu.memory_space<vmem>>
    %dma_start3A_191 = tpu.memref_squeeze %dma_start3A_190 : memref<1x16xi32, #tpu.memory_space<vmem>> -> memref<16xi32, #tpu.memory_space<vmem>>
    %dma_start3A_192 = arith.constant 0 : i32
    %dma_start3A_193 = arith.constant 0 : i32
    %dma_start3A_194 = tpu.memref_slice %arg4[%dma_start3A_192, %dma_start3A_193] : memref<16384x1024xf32, #tpu.memory_space<hbm>> -> memref<16384x1024xf32, #tpu.memory_space<hbm>>
    tpu.enqueue_indirect_dma source(%dma_start3A_188 : memref<16x1024xf32, #tpu.memory_space<vmem>>) target(%dma_start3A_194 : memref<16384x1024xf32, #tpu.memory_space<hbm>>) offsets(%dma_start3A_191 : memref<16xi32, #tpu.memory_space<vmem>>) semaphore(%arg15 : memref<!tpu.dma_semaphore, #tpu.memory_space<semaphore_mem>>)
    %dma_wait3A_195 = arith.constant 1 : i32
    %dma_wait3A_196 = arith.constant 1 : i32
    %dma_wait3A_197 = arith.constant 0 : i32
    %dma_wait3A_198 = arith.constant 0 : i32
    %dma_wait3A_199 = tpu.memref_slice %arg6[%dma_wait3A_195, %dma_wait3A_197, %dma_wait3A_198] : memref<6x16x1024xf32, #tpu.memory_space<vmem>> -> memref<1x16x1024xf32, #tpu.memory_space<vmem>>
    %dma_wait3A_200 = tpu.memref_squeeze %dma_wait3A_199 : memref<1x16x1024xf32, #tpu.memory_space<vmem>> -> memref<16x1024xf32, #tpu.memory_space<vmem>>
    %dma_wait3A_201 = arith.constant 0 : i32
    %dma_wait3A_202 = tpu.memref_slice %arg5[%dma_wait3A_196, %dma_wait3A_201] : memref<16x16xi32, #tpu.memory_space<vmem>> -> memref<1x16xi32, #tpu.memory_space<vmem>>
    %dma_wait3A_203 = tpu.memref_squeeze %dma_wait3A_202 : memref<1x16xi32, #tpu.memory_space<vmem>> -> memref<16xi32, #tpu.memory_space<vmem>>
    %dma_wait3A_204 = arith.constant 0 : i32
    %dma_wait3A_205 = arith.constant 0 : i32
    %dma_wait3A_206 = tpu.memref_slice %arg4[%dma_wait3A_204, %dma_wait3A_205] : memref<16384x1024xf32, #tpu.memory_space<hbm>> -> memref<16384x1024xf32, #tpu.memory_space<hbm>>
    tpu.wait_indirect_dma semaphore(%arg14 : memref<!tpu.dma_semaphore, #tpu.memory_space<semaphore_mem>>) src(%dma_wait3A_200 : memref<16x1024xf32, #tpu.memory_space<vmem>>) dst(%dma_wait3A_206 : memref<16384x1024xf32, #tpu.memory_space<hbm>>)
    %add3A_207 = arith.constant 112 : i32
    %add3A_208 = arith.addi %mul3A_2, %add3A_207 : i32
    %dma_start3A_209 = arith.constant 1 : i32
    %dma_start3A_210 = arith.constant 0 : i32
    %dma_start3A_211 = arith.constant 0 : i32
    %dma_start3A_212 = tpu.memref_slice %arg6[%dma_start3A_209, %dma_start3A_210, %dma_start3A_211] : memref<6x16x1024xf32, #tpu.memory_space<vmem>> -> memref<1x16x1024xf32, #tpu.memory_space<vmem>>
    %dma_start3A_213 = tpu.memref_squeeze %dma_start3A_212 : memref<1x16x1024xf32, #tpu.memory_space<vmem>> -> memref<16x1024xf32, #tpu.memory_space<vmem>>
    %dma_start3A_214 = arith.constant 0 : i32
    %dma_start3A_215 = tpu.memref_slice %arg2[%add3A_208, %dma_start3A_214] : memref<8192x1024xf32, #tpu.memory_space<hbm>> -> memref<16x1024xf32, #tpu.memory_space<hbm>>
    %dma_start3A_216 = arith.constant 0 : i32
    %dma_start3A_217 = arith.constant 0 : i32
    %dma_start3A_218 = tpu.memref_slice %arg6[%dma_start3A_209, %dma_start3A_216, %dma_start3A_217] : memref<6x16x1024xf32, #tpu.memory_space<vmem>> -> memref<1x16x1024xf32, #tpu.memory_space<vmem>>
    %dma_start3A_219 = tpu.memref_squeeze %dma_start3A_218 : memref<1x16x1024xf32, #tpu.memory_space<vmem>> -> memref<16x1024xf32, #tpu.memory_space<vmem>>
    %dma_start3A_220 = arith.constant 0 : i32
    %dma_start3A_221 = tpu.memref_slice %arg2[%add3A_208, %dma_start3A_220] : memref<8192x1024xf32, #tpu.memory_space<hbm>> -> memref<16x1024xf32, #tpu.memory_space<hbm>>
    tpu.enqueue_dma source(%dma_start3A_221 : memref<16x1024xf32, #tpu.memory_space<hbm>>) target(%dma_start3A_219 : memref<16x1024xf32, #tpu.memory_space<vmem>>) target_semaphore(%arg8 : memref<!tpu.dma_semaphore, #tpu.memory_space<semaphore_mem>>)
    %dma_wait3A_222 = arith.constant 3 : i32
    %dma_wait3A_223 = arith.constant 0 : i32
    %dma_wait3A_224 = arith.constant 0 : i32
    %dma_wait3A_225 = tpu.memref_slice %arg6[%dma_wait3A_222, %dma_wait3A_223, %dma_wait3A_224] : memref<6x16x1024xf32, #tpu.memory_space<vmem>> -> memref<1x16x1024xf32, #tpu.memory_space<vmem>>
    %dma_wait3A_226 = tpu.memref_squeeze %dma_wait3A_225 : memref<1x16x1024xf32, #tpu.memory_space<vmem>> -> memref<16x1024xf32, #tpu.memory_space<vmem>>
    %dma_wait3A_227 = arith.constant 0 : i32
    %dma_wait3A_228 = tpu.memref_slice %arg2[%add3A_50, %dma_wait3A_227] : memref<8192x1024xf32, #tpu.memory_space<hbm>> -> memref<16x1024xf32, #tpu.memory_space<hbm>>
    %dma_wait3A_229 = arith.constant 0 : i32
    %dma_wait3A_230 = arith.constant 0 : i32
    %dma_wait3A_231 = tpu.memref_slice %arg6[%dma_wait3A_222, %dma_wait3A_229, %dma_wait3A_230] : memref<6x16x1024xf32, #tpu.memory_space<vmem>> -> memref<1x16x1024xf32, #tpu.memory_space<vmem>>
    %dma_wait3A_232 = tpu.memref_squeeze %dma_wait3A_231 : memref<1x16x1024xf32, #tpu.memory_space<vmem>> -> memref<16x1024xf32, #tpu.memory_space<vmem>>
    %dma_wait3A_233 = arith.constant 0 : i32
    %dma_wait3A_234 = tpu.memref_slice %arg2[%add3A_50, %dma_wait3A_233] : memref<8192x1024xf32, #tpu.memory_space<hbm>> -> memref<16x1024xf32, #tpu.memory_space<hbm>>
    tpu.wait_dma2 semaphore(%arg10 : memref<!tpu.dma_semaphore, #tpu.memory_space<semaphore_mem>>) src(%dma_wait3A_234 : memref<16x1024xf32, #tpu.memory_space<hbm>>) dst(%dma_wait3A_232 : memref<16x1024xf32, #tpu.memory_space<vmem>>)
    %dma_start3A_235 = arith.constant 3 : i32
    %dma_start3A_236 = arith.constant 3 : i32
    %dma_start3A_237 = arith.constant 0 : i32
    %dma_start3A_238 = arith.constant 0 : i32
    %dma_start3A_239 = tpu.memref_slice %arg6[%dma_start3A_235, %dma_start3A_237, %dma_start3A_238] : memref<6x16x1024xf32, #tpu.memory_space<vmem>> -> memref<1x16x1024xf32, #tpu.memory_space<vmem>>
    %dma_start3A_240 = tpu.memref_squeeze %dma_start3A_239 : memref<1x16x1024xf32, #tpu.memory_space<vmem>> -> memref<16x1024xf32, #tpu.memory_space<vmem>>
    %dma_start3A_241 = arith.constant 0 : i32
    %dma_start3A_242 = tpu.memref_slice %arg5[%dma_start3A_236, %dma_start3A_241] : memref<16x16xi32, #tpu.memory_space<vmem>> -> memref<1x16xi32, #tpu.memory_space<vmem>>
    %dma_start3A_243 = tpu.memref_squeeze %dma_start3A_242 : memref<1x16xi32, #tpu.memory_space<vmem>> -> memref<16xi32, #tpu.memory_space<vmem>>
    %dma_start3A_244 = arith.constant 0 : i32
    %dma_start3A_245 = arith.constant 0 : i32
    %dma_start3A_246 = tpu.memref_slice %arg4[%dma_start3A_244, %dma_start3A_245] : memref<16384x1024xf32, #tpu.memory_space<hbm>> -> memref<16384x1024xf32, #tpu.memory_space<hbm>>
    tpu.enqueue_indirect_dma source(%dma_start3A_240 : memref<16x1024xf32, #tpu.memory_space<vmem>>) target(%dma_start3A_246 : memref<16384x1024xf32, #tpu.memory_space<hbm>>) offsets(%dma_start3A_243 : memref<16xi32, #tpu.memory_space<vmem>>) semaphore(%arg16 : memref<!tpu.dma_semaphore, #tpu.memory_space<semaphore_mem>>)
    %dma_wait3A_247 = arith.constant 2 : i32
    %dma_wait3A_248 = arith.constant 2 : i32
    %dma_wait3A_249 = arith.constant 0 : i32
    %dma_wait3A_250 = arith.constant 0 : i32
    %dma_wait3A_251 = tpu.memref_slice %arg6[%dma_wait3A_247, %dma_wait3A_249, %dma_wait3A_250] : memref<6x16x1024xf32, #tpu.memory_space<vmem>> -> memref<1x16x1024xf32, #tpu.memory_space<vmem>>
    %dma_wait3A_252 = tpu.memref_squeeze %dma_wait3A_251 : memref<1x16x1024xf32, #tpu.memory_space<vmem>> -> memref<16x1024xf32, #tpu.memory_space<vmem>>
    %dma_wait3A_253 = arith.constant 0 : i32
    %dma_wait3A_254 = tpu.memref_slice %arg5[%dma_wait3A_248, %dma_wait3A_253] : memref<16x16xi32, #tpu.memory_space<vmem>> -> memref<1x16xi32, #tpu.memory_space<vmem>>
    %dma_wait3A_255 = tpu.memref_squeeze %dma_wait3A_254 : memref<1x16xi32, #tpu.memory_space<vmem>> -> memref<16xi32, #tpu.memory_space<vmem>>
    %dma_wait3A_256 = arith.constant 0 : i32
    %dma_wait3A_257 = arith.constant 0 : i32
    %dma_wait3A_258 = tpu.memref_slice %arg4[%dma_wait3A_256, %dma_wait3A_257] : memref<16384x1024xf32, #tpu.memory_space<hbm>> -> memref<16384x1024xf32, #tpu.memory_space<hbm>>
    tpu.wait_indirect_dma semaphore(%arg15 : memref<!tpu.dma_semaphore, #tpu.memory_space<semaphore_mem>>) src(%dma_wait3A_252 : memref<16x1024xf32, #tpu.memory_space<vmem>>) dst(%dma_wait3A_258 : memref<16384x1024xf32, #tpu.memory_space<hbm>>)
    %add3A_259 = arith.constant 128 : i32
    %add3A_260 = arith.addi %mul3A_2, %add3A_259 : i32
    %dma_start3A_261 = arith.constant 2 : i32
    %dma_start3A_262 = arith.constant 0 : i32
    %dma_start3A_263 = arith.constant 0 : i32
    %dma_start3A_264 = tpu.memref_slice %arg6[%dma_start3A_261, %dma_start3A_262, %dma_start3A_263] : memref<6x16x1024xf32, #tpu.memory_space<vmem>> -> memref<1x16x1024xf32, #tpu.memory_space<vmem>>
    %dma_start3A_265 = tpu.memref_squeeze %dma_start3A_264 : memref<1x16x1024xf32, #tpu.memory_space<vmem>> -> memref<16x1024xf32, #tpu.memory_space<vmem>>
    %dma_start3A_266 = arith.constant 0 : i32
    %dma_start3A_267 = tpu.memref_slice %arg2[%add3A_260, %dma_start3A_266] : memref<8192x1024xf32, #tpu.memory_space<hbm>> -> memref<16x1024xf32, #tpu.memory_space<hbm>>
    %dma_start3A_268 = arith.constant 0 : i32
    %dma_start3A_269 = arith.constant 0 : i32
    %dma_start3A_270 = tpu.memref_slice %arg6[%dma_start3A_261, %dma_start3A_268, %dma_start3A_269] : memref<6x16x1024xf32, #tpu.memory_space<vmem>> -> memref<1x16x1024xf32, #tpu.memory_space<vmem>>
    %dma_start3A_271 = tpu.memref_squeeze %dma_start3A_270 : memref<1x16x1024xf32, #tpu.memory_space<vmem>> -> memref<16x1024xf32, #tpu.memory_space<vmem>>
    %dma_start3A_272 = arith.constant 0 : i32
    %dma_start3A_273 = tpu.memref_slice %arg2[%add3A_260, %dma_start3A_272] : memref<8192x1024xf32, #tpu.memory_space<hbm>> -> memref<16x1024xf32, #tpu.memory_space<hbm>>
    tpu.enqueue_dma source(%dma_start3A_273 : memref<16x1024xf32, #tpu.memory_space<hbm>>) target(%dma_start3A_271 : memref<16x1024xf32, #tpu.memory_space<vmem>>) target_semaphore(%arg9 : memref<!tpu.dma_semaphore, #tpu.memory_space<semaphore_mem>>)
    %dma_wait3A_274 = arith.constant 4 : i32
    %dma_wait3A_275 = arith.constant 0 : i32
    %dma_wait3A_276 = arith.constant 0 : i32
    %dma_wait3A_277 = tpu.memref_slice %arg6[%dma_wait3A_274, %dma_wait3A_275, %dma_wait3A_276] : memref<6x16x1024xf32, #tpu.memory_space<vmem>> -> memref<1x16x1024xf32, #tpu.memory_space<vmem>>
    %dma_wait3A_278 = tpu.memref_squeeze %dma_wait3A_277 : memref<1x16x1024xf32, #tpu.memory_space<vmem>> -> memref<16x1024xf32, #tpu.memory_space<vmem>>
    %dma_wait3A_279 = arith.constant 0 : i32
    %dma_wait3A_280 = tpu.memref_slice %arg2[%add3A_65, %dma_wait3A_279] : memref<8192x1024xf32, #tpu.memory_space<hbm>> -> memref<16x1024xf32, #tpu.memory_space<hbm>>
    %dma_wait3A_281 = arith.constant 0 : i32
    %dma_wait3A_282 = arith.constant 0 : i32
    %dma_wait3A_283 = tpu.memref_slice %arg6[%dma_wait3A_274, %dma_wait3A_281, %dma_wait3A_282] : memref<6x16x1024xf32, #tpu.memory_space<vmem>> -> memref<1x16x1024xf32, #tpu.memory_space<vmem>>
    %dma_wait3A_284 = tpu.memref_squeeze %dma_wait3A_283 : memref<1x16x1024xf32, #tpu.memory_space<vmem>> -> memref<16x1024xf32, #tpu.memory_space<vmem>>
    %dma_wait3A_285 = arith.constant 0 : i32
    %dma_wait3A_286 = tpu.memref_slice %arg2[%add3A_65, %dma_wait3A_285] : memref<8192x1024xf32, #tpu.memory_space<hbm>> -> memref<16x1024xf32, #tpu.memory_space<hbm>>
    tpu.wait_dma2 semaphore(%arg11 : memref<!tpu.dma_semaphore, #tpu.memory_space<semaphore_mem>>) src(%dma_wait3A_286 : memref<16x1024xf32, #tpu.memory_space<hbm>>) dst(%dma_wait3A_284 : memref<16x1024xf32, #tpu.memory_space<vmem>>)
    %dma_start3A_287 = arith.constant 4 : i32
    %dma_start3A_288 = arith.constant 4 : i32
    %dma_start3A_289 = arith.constant 0 : i32
    %dma_start3A_290 = arith.constant 0 : i32
    %dma_start3A_291 = tpu.memref_slice %arg6[%dma_start3A_287, %dma_start3A_289, %dma_start3A_290] : memref<6x16x1024xf32, #tpu.memory_space<vmem>> -> memref<1x16x1024xf32, #tpu.memory_space<vmem>>
    %dma_start3A_292 = tpu.memref_squeeze %dma_start3A_291 : memref<1x16x1024xf32, #tpu.memory_space<vmem>> -> memref<16x1024xf32, #tpu.memory_space<vmem>>
    %dma_start3A_293 = arith.constant 0 : i32
    %dma_start3A_294 = tpu.memref_slice %arg5[%dma_start3A_288, %dma_start3A_293] : memref<16x16xi32, #tpu.memory_space<vmem>> -> memref<1x16xi32, #tpu.memory_space<vmem>>
    %dma_start3A_295 = tpu.memref_squeeze %dma_start3A_294 : memref<1x16xi32, #tpu.memory_space<vmem>> -> memref<16xi32, #tpu.memory_space<vmem>>
    %dma_start3A_296 = arith.constant 0 : i32
    %dma_start3A_297 = arith.constant 0 : i32
    %dma_start3A_298 = tpu.memref_slice %arg4[%dma_start3A_296, %dma_start3A_297] : memref<16384x1024xf32, #tpu.memory_space<hbm>> -> memref<16384x1024xf32, #tpu.memory_space<hbm>>
    tpu.enqueue_indirect_dma source(%dma_start3A_292 : memref<16x1024xf32, #tpu.memory_space<vmem>>) target(%dma_start3A_298 : memref<16384x1024xf32, #tpu.memory_space<hbm>>) offsets(%dma_start3A_295 : memref<16xi32, #tpu.memory_space<vmem>>) semaphore(%arg17 : memref<!tpu.dma_semaphore, #tpu.memory_space<semaphore_mem>>)
    %dma_wait3A_299 = arith.constant 3 : i32
    %dma_wait3A_300 = arith.constant 3 : i32
    %dma_wait3A_301 = arith.constant 0 : i32
    %dma_wait3A_302 = arith.constant 0 : i32
    %dma_wait3A_303 = tpu.memref_slice %arg6[%dma_wait3A_299, %dma_wait3A_301, %dma_wait3A_302] : memref<6x16x1024xf32, #tpu.memory_space<vmem>> -> memref<1x16x1024xf32, #tpu.memory_space<vmem>>
    %dma_wait3A_304 = tpu.memref_squeeze %dma_wait3A_303 : memref<1x16x1024xf32, #tpu.memory_space<vmem>> -> memref<16x1024xf32, #tpu.memory_space<vmem>>
    %dma_wait3A_305 = arith.constant 0 : i32
    %dma_wait3A_306 = tpu.memref_slice %arg5[%dma_wait3A_300, %dma_wait3A_305] : memref<16x16xi32, #tpu.memory_space<vmem>> -> memref<1x16xi32, #tpu.memory_space<vmem>>
    %dma_wait3A_307 = tpu.memref_squeeze %dma_wait3A_306 : memref<1x16xi32, #tpu.memory_space<vmem>> -> memref<16xi32, #tpu.memory_space<vmem>>
    %dma_wait3A_308 = arith.constant 0 : i32
    %dma_wait3A_309 = arith.constant 0 : i32
    %dma_wait3A_310 = tpu.memref_slice %arg4[%dma_wait3A_308, %dma_wait3A_309] : memref<16384x1024xf32, #tpu.memory_space<hbm>> -> memref<16384x1024xf32, #tpu.memory_space<hbm>>
    tpu.wait_indirect_dma semaphore(%arg16 : memref<!tpu.dma_semaphore, #tpu.memory_space<semaphore_mem>>) src(%dma_wait3A_304 : memref<16x1024xf32, #tpu.memory_space<vmem>>) dst(%dma_wait3A_310 : memref<16384x1024xf32, #tpu.memory_space<hbm>>)
    %add3A_311 = arith.constant 144 : i32
    %add3A_312 = arith.addi %mul3A_2, %add3A_311 : i32
    %dma_start3A_313 = arith.constant 3 : i32
    %dma_start3A_314 = arith.constant 0 : i32
    %dma_start3A_315 = arith.constant 0 : i32
    %dma_start3A_316 = tpu.memref_slice %arg6[%dma_start3A_313, %dma_start3A_314, %dma_start3A_315] : memref<6x16x1024xf32, #tpu.memory_space<vmem>> -> memref<1x16x1024xf32, #tpu.memory_space<vmem>>
    %dma_start3A_317 = tpu.memref_squeeze %dma_start3A_316 : memref<1x16x1024xf32, #tpu.memory_space<vmem>> -> memref<16x1024xf32, #tpu.memory_space<vmem>>
    %dma_start3A_318 = arith.constant 0 : i32
    %dma_start3A_319 = tpu.memref_slice %arg2[%add3A_312, %dma_start3A_318] : memref<8192x1024xf32, #tpu.memory_space<hbm>> -> memref<16x1024xf32, #tpu.memory_space<hbm>>
    %dma_start3A_320 = arith.constant 0 : i32
    %dma_start3A_321 = arith.constant 0 : i32
    %dma_start3A_322 = tpu.memref_slice %arg6[%dma_start3A_313, %dma_start3A_320, %dma_start3A_321] : memref<6x16x1024xf32, #tpu.memory_space<vmem>> -> memref<1x16x1024xf32, #tpu.memory_space<vmem>>
    %dma_start3A_323 = tpu.memref_squeeze %dma_start3A_322 : memref<1x16x1024xf32, #tpu.memory_space<vmem>> -> memref<16x1024xf32, #tpu.memory_space<vmem>>
    %dma_start3A_324 = arith.constant 0 : i32
    %dma_start3A_325 = tpu.memref_slice %arg2[%add3A_312, %dma_start3A_324] : memref<8192x1024xf32, #tpu.memory_space<hbm>> -> memref<16x1024xf32, #tpu.memory_space<hbm>>
    tpu.enqueue_dma source(%dma_start3A_325 : memref<16x1024xf32, #tpu.memory_space<hbm>>) target(%dma_start3A_323 : memref<16x1024xf32, #tpu.memory_space<vmem>>) target_semaphore(%arg10 : memref<!tpu.dma_semaphore, #tpu.memory_space<semaphore_mem>>)
    %dma_wait3A_326 = arith.constant 5 : i32
    %dma_wait3A_327 = arith.constant 0 : i32
    %dma_wait3A_328 = arith.constant 0 : i32
    %dma_wait3A_329 = tpu.memref_slice %arg6[%dma_wait3A_326, %dma_wait3A_327, %dma_wait3A_328] : memref<6x16x1024xf32, #tpu.memory_space<vmem>> -> memref<1x16x1024xf32, #tpu.memory_space<vmem>>
    %dma_wait3A_330 = tpu.memref_squeeze %dma_wait3A_329 : memref<1x16x1024xf32, #tpu.memory_space<vmem>> -> memref<16x1024xf32, #tpu.memory_space<vmem>>
    %dma_wait3A_331 = arith.constant 0 : i32
    %dma_wait3A_332 = tpu.memref_slice %arg2[%add3A_104, %dma_wait3A_331] : memref<8192x1024xf32, #tpu.memory_space<hbm>> -> memref<16x1024xf32, #tpu.memory_space<hbm>>
    %dma_wait3A_333 = arith.constant 0 : i32
    %dma_wait3A_334 = arith.constant 0 : i32
    %dma_wait3A_335 = tpu.memref_slice %arg6[%dma_wait3A_326, %dma_wait3A_333, %dma_wait3A_334] : memref<6x16x1024xf32, #tpu.memory_space<vmem>> -> memref<1x16x1024xf32, #tpu.memory_space<vmem>>
    %dma_wait3A_336 = tpu.memref_squeeze %dma_wait3A_335 : memref<1x16x1024xf32, #tpu.memory_space<vmem>> -> memref<16x1024xf32, #tpu.memory_space<vmem>>
    %dma_wait3A_337 = arith.constant 0 : i32
    %dma_wait3A_338 = tpu.memref_slice %arg2[%add3A_104, %dma_wait3A_337] : memref<8192x1024xf32, #tpu.memory_space<hbm>> -> memref<16x1024xf32, #tpu.memory_space<hbm>>
    tpu.wait_dma2 semaphore(%arg12 : memref<!tpu.dma_semaphore, #tpu.memory_space<semaphore_mem>>) src(%dma_wait3A_338 : memref<16x1024xf32, #tpu.memory_space<hbm>>) dst(%dma_wait3A_336 : memref<16x1024xf32, #tpu.memory_space<vmem>>)
    %dma_start3A_339 = arith.constant 5 : i32
    %dma_start3A_340 = arith.constant 5 : i32
    %dma_start3A_341 = arith.constant 0 : i32
    %dma_start3A_342 = arith.constant 0 : i32
    %dma_start3A_343 = tpu.memref_slice %arg6[%dma_start3A_339, %dma_start3A_341, %dma_start3A_342] : memref<6x16x1024xf32, #tpu.memory_space<vmem>> -> memref<1x16x1024xf32, #tpu.memory_space<vmem>>
    %dma_start3A_344 = tpu.memref_squeeze %dma_start3A_343 : memref<1x16x1024xf32, #tpu.memory_space<vmem>> -> memref<16x1024xf32, #tpu.memory_space<vmem>>
    %dma_start3A_345 = arith.constant 0 : i32
    %dma_start3A_346 = tpu.memref_slice %arg5[%dma_start3A_340, %dma_start3A_345] : memref<16x16xi32, #tpu.memory_space<vmem>> -> memref<1x16xi32, #tpu.memory_space<vmem>>
    %dma_start3A_347 = tpu.memref_squeeze %dma_start3A_346 : memref<1x16xi32, #tpu.memory_space<vmem>> -> memref<16xi32, #tpu.memory_space<vmem>>
    %dma_start3A_348 = arith.constant 0 : i32
    %dma_start3A_349 = arith.constant 0 : i32
    %dma_start3A_350 = tpu.memref_slice %arg4[%dma_start3A_348, %dma_start3A_349] : memref<16384x1024xf32, #tpu.memory_space<hbm>> -> memref<16384x1024xf32, #tpu.memory_space<hbm>>
    tpu.enqueue_indirect_dma source(%dma_start3A_344 : memref<16x1024xf32, #tpu.memory_space<vmem>>) target(%dma_start3A_350 : memref<16384x1024xf32, #tpu.memory_space<hbm>>) offsets(%dma_start3A_347 : memref<16xi32, #tpu.memory_space<vmem>>) semaphore(%arg18 : memref<!tpu.dma_semaphore, #tpu.memory_space<semaphore_mem>>)
    %dma_wait3A_351 = arith.constant 4 : i32
    %dma_wait3A_352 = arith.constant 4 : i32
    %dma_wait3A_353 = arith.constant 0 : i32
    %dma_wait3A_354 = arith.constant 0 : i32
    %dma_wait3A_355 = tpu.memref_slice %arg6[%dma_wait3A_351, %dma_wait3A_353, %dma_wait3A_354] : memref<6x16x1024xf32, #tpu.memory_space<vmem>> -> memref<1x16x1024xf32, #tpu.memory_space<vmem>>
    %dma_wait3A_356 = tpu.memref_squeeze %dma_wait3A_355 : memref<1x16x1024xf32, #tpu.memory_space<vmem>> -> memref<16x1024xf32, #tpu.memory_space<vmem>>
    %dma_wait3A_357 = arith.constant 0 : i32
    %dma_wait3A_358 = tpu.memref_slice %arg5[%dma_wait3A_352, %dma_wait3A_357] : memref<16x16xi32, #tpu.memory_space<vmem>> -> memref<1x16xi32, #tpu.memory_space<vmem>>
    %dma_wait3A_359 = tpu.memref_squeeze %dma_wait3A_358 : memref<1x16xi32, #tpu.memory_space<vmem>> -> memref<16xi32, #tpu.memory_space<vmem>>
    %dma_wait3A_360 = arith.constant 0 : i32
    %dma_wait3A_361 = arith.constant 0 : i32
    %dma_wait3A_362 = tpu.memref_slice %arg4[%dma_wait3A_360, %dma_wait3A_361] : memref<16384x1024xf32, #tpu.memory_space<hbm>> -> memref<16384x1024xf32, #tpu.memory_space<hbm>>
    tpu.wait_indirect_dma semaphore(%arg17 : memref<!tpu.dma_semaphore, #tpu.memory_space<semaphore_mem>>) src(%dma_wait3A_356 : memref<16x1024xf32, #tpu.memory_space<vmem>>) dst(%dma_wait3A_362 : memref<16384x1024xf32, #tpu.memory_space<hbm>>)
    %add3A_363 = arith.constant 160 : i32
    %add3A_364 = arith.addi %mul3A_2, %add3A_363 : i32
    %dma_start3A_365 = arith.constant 4 : i32
    %dma_start3A_366 = arith.constant 0 : i32
    %dma_start3A_367 = arith.constant 0 : i32
    %dma_start3A_368 = tpu.memref_slice %arg6[%dma_start3A_365, %dma_start3A_366, %dma_start3A_367] : memref<6x16x1024xf32, #tpu.memory_space<vmem>> -> memref<1x16x1024xf32, #tpu.memory_space<vmem>>
    %dma_start3A_369 = tpu.memref_squeeze %dma_start3A_368 : memref<1x16x1024xf32, #tpu.memory_space<vmem>> -> memref<16x1024xf32, #tpu.memory_space<vmem>>
    %dma_start3A_370 = arith.constant 0 : i32
    %dma_start3A_371 = tpu.memref_slice %arg2[%add3A_364, %dma_start3A_370] : memref<8192x1024xf32, #tpu.memory_space<hbm>> -> memref<16x1024xf32, #tpu.memory_space<hbm>>
    %dma_start3A_372 = arith.constant 0 : i32
    %dma_start3A_373 = arith.constant 0 : i32
    %dma_start3A_374 = tpu.memref_slice %arg6[%dma_start3A_365, %dma_start3A_372, %dma_start3A_373] : memref<6x16x1024xf32, #tpu.memory_space<vmem>> -> memref<1x16x1024xf32, #tpu.memory_space<vmem>>
    %dma_start3A_375 = tpu.memref_squeeze %dma_start3A_374 : memref<1x16x1024xf32, #tpu.memory_space<vmem>> -> memref<16x1024xf32, #tpu.memory_space<vmem>>
    %dma_start3A_376 = arith.constant 0 : i32
    %dma_start3A_377 = tpu.memref_slice %arg2[%add3A_364, %dma_start3A_376] : memref<8192x1024xf32, #tpu.memory_space<hbm>> -> memref<16x1024xf32, #tpu.memory_space<hbm>>
    tpu.enqueue_dma source(%dma_start3A_377 : memref<16x1024xf32, #tpu.memory_space<hbm>>) target(%dma_start3A_375 : memref<16x1024xf32, #tpu.memory_space<vmem>>) target_semaphore(%arg11 : memref<!tpu.dma_semaphore, #tpu.memory_space<semaphore_mem>>)
    %dma_wait3A_378 = arith.constant 0 : i32
    %dma_wait3A_379 = arith.constant 0 : i32
    %dma_wait3A_380 = arith.constant 0 : i32
    %dma_wait3A_381 = tpu.memref_slice %arg6[%dma_wait3A_378, %dma_wait3A_379, %dma_wait3A_380] : memref<6x16x1024xf32, #tpu.memory_space<vmem>> -> memref<1x16x1024xf32, #tpu.memory_space<vmem>>
    %dma_wait3A_382 = tpu.memref_squeeze %dma_wait3A_381 : memref<1x16x1024xf32, #tpu.memory_space<vmem>> -> memref<16x1024xf32, #tpu.memory_space<vmem>>
    %dma_wait3A_383 = arith.constant 0 : i32
    %dma_wait3A_384 = tpu.memref_slice %arg2[%add3A_156, %dma_wait3A_383] : memref<8192x1024xf32, #tpu.memory_space<hbm>> -> memref<16x1024xf32, #tpu.memory_space<hbm>>
    %dma_wait3A_385 = arith.constant 0 : i32
    %dma_wait3A_386 = arith.constant 0 : i32
    %dma_wait3A_387 = tpu.memref_slice %arg6[%dma_wait3A_378, %dma_wait3A_385, %dma_wait3A_386] : memref<6x16x1024xf32, #tpu.memory_space<vmem>> -> memref<1x16x1024xf32, #tpu.memory_space<vmem>>
    %dma_wait3A_388 = tpu.memref_squeeze %dma_wait3A_387 : memref<1x16x1024xf32, #tpu.memory_space<vmem>> -> memref<16x1024xf32, #tpu.memory_space<vmem>>
    %dma_wait3A_389 = arith.constant 0 : i32
    %dma_wait3A_390 = tpu.memref_slice %arg2[%add3A_156, %dma_wait3A_389] : memref<8192x1024xf32, #tpu.memory_space<hbm>> -> memref<16x1024xf32, #tpu.memory_space<hbm>>
    tpu.wait_dma2 semaphore(%arg7 : memref<!tpu.dma_semaphore, #tpu.memory_space<semaphore_mem>>) src(%dma_wait3A_390 : memref<16x1024xf32, #tpu.memory_space<hbm>>) dst(%dma_wait3A_388 : memref<16x1024xf32, #tpu.memory_space<vmem>>)
    %dma_start3A_391 = arith.constant 0 : i32
    %dma_start3A_392 = arith.constant 6 : i32
    %dma_start3A_393 = arith.constant 0 : i32
    %dma_start3A_394 = arith.constant 0 : i32
    %dma_start3A_395 = tpu.memref_slice %arg6[%dma_start3A_391, %dma_start3A_393, %dma_start3A_394] : memref<6x16x1024xf32, #tpu.memory_space<vmem>> -> memref<1x16x1024xf32, #tpu.memory_space<vmem>>
    %dma_start3A_396 = tpu.memref_squeeze %dma_start3A_395 : memref<1x16x1024xf32, #tpu.memory_space<vmem>> -> memref<16x1024xf32, #tpu.memory_space<vmem>>
    %dma_start3A_397 = arith.constant 0 : i32
    %dma_start3A_398 = tpu.memref_slice %arg5[%dma_start3A_392, %dma_start3A_397] : memref<16x16xi32, #tpu.memory_space<vmem>> -> memref<1x16xi32, #tpu.memory_space<vmem>>
    %dma_start3A_399 = tpu.memref_squeeze %dma_start3A_398 : memref<1x16xi32, #tpu.memory_space<vmem>> -> memref<16xi32, #tpu.memory_space<vmem>>
    %dma_start3A_400 = arith.constant 0 : i32
    %dma_start3A_401 = arith.constant 0 : i32
    %dma_start3A_402 = tpu.memref_slice %arg4[%dma_start3A_400, %dma_start3A_401] : memref<16384x1024xf32, #tpu.memory_space<hbm>> -> memref<16384x1024xf32, #tpu.memory_space<hbm>>
    tpu.enqueue_indirect_dma source(%dma_start3A_396 : memref<16x1024xf32, #tpu.memory_space<vmem>>) target(%dma_start3A_402 : memref<16384x1024xf32, #tpu.memory_space<hbm>>) offsets(%dma_start3A_399 : memref<16xi32, #tpu.memory_space<vmem>>) semaphore(%arg13 : memref<!tpu.dma_semaphore, #tpu.memory_space<semaphore_mem>>)
    %dma_wait3A_403 = arith.constant 5 : i32
    %dma_wait3A_404 = arith.constant 5 : i32
    %dma_wait3A_405 = arith.constant 0 : i32
    %dma_wait3A_406 = arith.constant 0 : i32
    %dma_wait3A_407 = tpu.memref_slice %arg6[%dma_wait3A_403, %dma_wait3A_405, %dma_wait3A_406] : memref<6x16x1024xf32, #tpu.memory_space<vmem>> -> memref<1x16x1024xf32, #tpu.memory_space<vmem>>
    %dma_wait3A_408 = tpu.memref_squeeze %dma_wait3A_407 : memref<1x16x1024xf32, #tpu.memory_space<vmem>> -> memref<16x1024xf32, #tpu.memory_space<vmem>>
    %dma_wait3A_409 = arith.constant 0 : i32
    %dma_wait3A_410 = tpu.memref_slice %arg5[%dma_wait3A_404, %dma_wait3A_409] : memref<16x16xi32, #tpu.memory_space<vmem>> -> memref<1x16xi32, #tpu.memory_space<vmem>>
    %dma_wait3A_411 = tpu.memref_squeeze %dma_wait3A_410 : memref<1x16xi32, #tpu.memory_space<vmem>> -> memref<16xi32, #tpu.memory_space<vmem>>
    %dma_wait3A_412 = arith.constant 0 : i32
    %dma_wait3A_413 = arith.constant 0 : i32
    %dma_wait3A_414 = tpu.memref_slice %arg4[%dma_wait3A_412, %dma_wait3A_413] : memref<16384x1024xf32, #tpu.memory_space<hbm>> -> memref<16384x1024xf32, #tpu.memory_space<hbm>>
    tpu.wait_indirect_dma semaphore(%arg18 : memref<!tpu.dma_semaphore, #tpu.memory_space<semaphore_mem>>) src(%dma_wait3A_408 : memref<16x1024xf32, #tpu.memory_space<vmem>>) dst(%dma_wait3A_414 : memref<16384x1024xf32, #tpu.memory_space<hbm>>)
    %add3A_415 = arith.constant 176 : i32
    %add3A_416 = arith.addi %mul3A_2, %add3A_415 : i32
    %dma_start3A_417 = arith.constant 5 : i32
    %dma_start3A_418 = arith.constant 0 : i32
    %dma_start3A_419 = arith.constant 0 : i32
    %dma_start3A_420 = tpu.memref_slice %arg6[%dma_start3A_417, %dma_start3A_418, %dma_start3A_419] : memref<6x16x1024xf32, #tpu.memory_space<vmem>> -> memref<1x16x1024xf32, #tpu.memory_space<vmem>>
    %dma_start3A_421 = tpu.memref_squeeze %dma_start3A_420 : memref<1x16x1024xf32, #tpu.memory_space<vmem>> -> memref<16x1024xf32, #tpu.memory_space<vmem>>
    %dma_start3A_422 = arith.constant 0 : i32
    %dma_start3A_423 = tpu.memref_slice %arg2[%add3A_416, %dma_start3A_422] : memref<8192x1024xf32, #tpu.memory_space<hbm>> -> memref<16x1024xf32, #tpu.memory_space<hbm>>
    %dma_start3A_424 = arith.constant 0 : i32
    %dma_start3A_425 = arith.constant 0 : i32
    %dma_start3A_426 = tpu.memref_slice %arg6[%dma_start3A_417, %dma_start3A_424, %dma_start3A_425] : memref<6x16x1024xf32, #tpu.memory_space<vmem>> -> memref<1x16x1024xf32, #tpu.memory_space<vmem>>
    %dma_start3A_427 = tpu.memref_squeeze %dma_start3A_426 : memref<1x16x1024xf32, #tpu.memory_space<vmem>> -> memref<16x1024xf32, #tpu.memory_space<vmem>>
    %dma_start3A_428 = arith.constant 0 : i32
    %dma_start3A_429 = tpu.memref_slice %arg2[%add3A_416, %dma_start3A_428] : memref<8192x1024xf32, #tpu.memory_space<hbm>> -> memref<16x1024xf32, #tpu.memory_space<hbm>>
    tpu.enqueue_dma source(%dma_start3A_429 : memref<16x1024xf32, #tpu.memory_space<hbm>>) target(%dma_start3A_427 : memref<16x1024xf32, #tpu.memory_space<vmem>>) target_semaphore(%arg12 : memref<!tpu.dma_semaphore, #tpu.memory_space<semaphore_mem>>)
    %dma_wait3A_430 = arith.constant 1 : i32
    %dma_wait3A_431 = arith.constant 0 : i32
    %dma_wait3A_432 = arith.constant 0 : i32
    %dma_wait3A_433 = tpu.memref_slice %arg6[%dma_wait3A_430, %dma_wait3A_431, %dma_wait3A_432] : memref<6x16x1024xf32, #tpu.memory_space<vmem>> -> memref<1x16x1024xf32, #tpu.memory_space<vmem>>
    %dma_wait3A_434 = tpu.memref_squeeze %dma_wait3A_433 : memref<1x16x1024xf32, #tpu.memory_space<vmem>> -> memref<16x1024xf32, #tpu.memory_space<vmem>>
    %dma_wait3A_435 = arith.constant 0 : i32
    %dma_wait3A_436 = tpu.memref_slice %arg2[%add3A_208, %dma_wait3A_435] : memref<8192x1024xf32, #tpu.memory_space<hbm>> -> memref<16x1024xf32, #tpu.memory_space<hbm>>
    %dma_wait3A_437 = arith.constant 0 : i32
    %dma_wait3A_438 = arith.constant 0 : i32
    %dma_wait3A_439 = tpu.memref_slice %arg6[%dma_wait3A_430, %dma_wait3A_437, %dma_wait3A_438] : memref<6x16x1024xf32, #tpu.memory_space<vmem>> -> memref<1x16x1024xf32, #tpu.memory_space<vmem>>
    %dma_wait3A_440 = tpu.memref_squeeze %dma_wait3A_439 : memref<1x16x1024xf32, #tpu.memory_space<vmem>> -> memref<16x1024xf32, #tpu.memory_space<vmem>>
    %dma_wait3A_441 = arith.constant 0 : i32
    %dma_wait3A_442 = tpu.memref_slice %arg2[%add3A_208, %dma_wait3A_441] : memref<8192x1024xf32, #tpu.memory_space<hbm>> -> memref<16x1024xf32, #tpu.memory_space<hbm>>
    tpu.wait_dma2 semaphore(%arg8 : memref<!tpu.dma_semaphore, #tpu.memory_space<semaphore_mem>>) src(%dma_wait3A_442 : memref<16x1024xf32, #tpu.memory_space<hbm>>) dst(%dma_wait3A_440 : memref<16x1024xf32, #tpu.memory_space<vmem>>)
    %dma_start3A_443 = arith.constant 1 : i32
    %dma_start3A_444 = arith.constant 7 : i32
    %dma_start3A_445 = arith.constant 0 : i32
    %dma_start3A_446 = arith.constant 0 : i32
    %dma_start3A_447 = tpu.memref_slice %arg6[%dma_start3A_443, %dma_start3A_445, %dma_start3A_446] : memref<6x16x1024xf32, #tpu.memory_space<vmem>> -> memref<1x16x1024xf32, #tpu.memory_space<vmem>>
    %dma_start3A_448 = tpu.memref_squeeze %dma_start3A_447 : memref<1x16x1024xf32, #tpu.memory_space<vmem>> -> memref<16x1024xf32, #tpu.memory_space<vmem>>
    %dma_start3A_449 = arith.constant 0 : i32
    %dma_start3A_450 = tpu.memref_slice %arg5[%dma_start3A_444, %dma_start3A_449] : memref<16x16xi32, #tpu.memory_space<vmem>> -> memref<1x16xi32, #tpu.memory_space<vmem>>
    %dma_start3A_451 = tpu.memref_squeeze %dma_start3A_450 : memref<1x16xi32, #tpu.memory_space<vmem>> -> memref<16xi32, #tpu.memory_space<vmem>>
    %dma_start3A_452 = arith.constant 0 : i32
    %dma_start3A_453 = arith.constant 0 : i32
    %dma_start3A_454 = tpu.memref_slice %arg4[%dma_start3A_452, %dma_start3A_453] : memref<16384x1024xf32, #tpu.memory_space<hbm>> -> memref<16384x1024xf32, #tpu.memory_space<hbm>>
    tpu.enqueue_indirect_dma source(%dma_start3A_448 : memref<16x1024xf32, #tpu.memory_space<vmem>>) target(%dma_start3A_454 : memref<16384x1024xf32, #tpu.memory_space<hbm>>) offsets(%dma_start3A_451 : memref<16xi32, #tpu.memory_space<vmem>>) semaphore(%arg14 : memref<!tpu.dma_semaphore, #tpu.memory_space<semaphore_mem>>)
    %dma_wait3A_455 = arith.constant 0 : i32
    %dma_wait3A_456 = arith.constant 6 : i32
    %dma_wait3A_457 = arith.constant 0 : i32
    %dma_wait3A_458 = arith.constant 0 : i32
    %dma_wait3A_459 = tpu.memref_slice %arg6[%dma_wait3A_455, %dma_wait3A_457, %dma_wait3A_458] : memref<6x16x1024xf32, #tpu.memory_space<vmem>> -> memref<1x16x1024xf32, #tpu.memory_space<vmem>>
    %dma_wait3A_460 = tpu.memref_squeeze %dma_wait3A_459 : memref<1x16x1024xf32, #tpu.memory_space<vmem>> -> memref<16x1024xf32, #tpu.memory_space<vmem>>
    %dma_wait3A_461 = arith.constant 0 : i32
    %dma_wait3A_462 = tpu.memref_slice %arg5[%dma_wait3A_456, %dma_wait3A_461] : memref<16x16xi32, #tpu.memory_space<vmem>> -> memref<1x16xi32, #tpu.memory_space<vmem>>
    %dma_wait3A_463 = tpu.memref_squeeze %dma_wait3A_462 : memref<1x16xi32, #tpu.memory_space<vmem>> -> memref<16xi32, #tpu.memory_space<vmem>>
    %dma_wait3A_464 = arith.constant 0 : i32
    %dma_wait3A_465 = arith.constant 0 : i32
    %dma_wait3A_466 = tpu.memref_slice %arg4[%dma_wait3A_464, %dma_wait3A_465] : memref<16384x1024xf32, #tpu.memory_space<hbm>> -> memref<16384x1024xf32, #tpu.memory_space<hbm>>
    tpu.wait_indirect_dma semaphore(%arg13 : memref<!tpu.dma_semaphore, #tpu.memory_space<semaphore_mem>>) src(%dma_wait3A_460 : memref<16x1024xf32, #tpu.memory_space<vmem>>) dst(%dma_wait3A_466 : memref<16384x1024xf32, #tpu.memory_space<hbm>>)
    %add3A_467 = arith.constant 192 : i32
    %add3A_468 = arith.addi %mul3A_2, %add3A_467 : i32
    %dma_start3A_469 = arith.constant 0 : i32
    %dma_start3A_470 = arith.constant 0 : i32
    %dma_start3A_471 = arith.constant 0 : i32
    %dma_start3A_472 = tpu.memref_slice %arg6[%dma_start3A_469, %dma_start3A_470, %dma_start3A_471] : memref<6x16x1024xf32, #tpu.memory_space<vmem>> -> memref<1x16x1024xf32, #tpu.memory_space<vmem>>
    %dma_start3A_473 = tpu.memref_squeeze %dma_start3A_472 : memref<1x16x1024xf32, #tpu.memory_space<vmem>> -> memref<16x1024xf32, #tpu.memory_space<vmem>>
    %dma_start3A_474 = arith.constant 0 : i32
    %dma_start3A_475 = tpu.memref_slice %arg2[%add3A_468, %dma_start3A_474] : memref<8192x1024xf32, #tpu.memory_space<hbm>> -> memref<16x1024xf32, #tpu.memory_space<hbm>>
    %dma_start3A_476 = arith.constant 0 : i32
    %dma_start3A_477 = arith.constant 0 : i32
    %dma_start3A_478 = tpu.memref_slice %arg6[%dma_start3A_469, %dma_start3A_476, %dma_start3A_477] : memref<6x16x1024xf32, #tpu.memory_space<vmem>> -> memref<1x16x1024xf32, #tpu.memory_space<vmem>>
    %dma_start3A_479 = tpu.memref_squeeze %dma_start3A_478 : memref<1x16x1024xf32, #tpu.memory_space<vmem>> -> memref<16x1024xf32, #tpu.memory_space<vmem>>
    %dma_start3A_480 = arith.constant 0 : i32
    %dma_start3A_481 = tpu.memref_slice %arg2[%add3A_468, %dma_start3A_480] : memref<8192x1024xf32, #tpu.memory_space<hbm>> -> memref<16x1024xf32, #tpu.memory_space<hbm>>
    tpu.enqueue_dma source(%dma_start3A_481 : memref<16x1024xf32, #tpu.memory_space<hbm>>) target(%dma_start3A_479 : memref<16x1024xf32, #tpu.memory_space<vmem>>) target_semaphore(%arg7 : memref<!tpu.dma_semaphore, #tpu.memory_space<semaphore_mem>>)
    %dma_wait3A_482 = arith.constant 2 : i32
    %dma_wait3A_483 = arith.constant 0 : i32
    %dma_wait3A_484 = arith.constant 0 : i32
    %dma_wait3A_485 = tpu.memref_slice %arg6[%dma_wait3A_482, %dma_wait3A_483, %dma_wait3A_484] : memref<6x16x1024xf32, #tpu.memory_space<vmem>> -> memref<1x16x1024xf32, #tpu.memory_space<vmem>>
    %dma_wait3A_486 = tpu.memref_squeeze %dma_wait3A_485 : memref<1x16x1024xf32, #tpu.memory_space<vmem>> -> memref<16x1024xf32, #tpu.memory_space<vmem>>
    %dma_wait3A_487 = arith.constant 0 : i32
    %dma_wait3A_488 = tpu.memref_slice %arg2[%add3A_260, %dma_wait3A_487] : memref<8192x1024xf32, #tpu.memory_space<hbm>> -> memref<16x1024xf32, #tpu.memory_space<hbm>>
    %dma_wait3A_489 = arith.constant 0 : i32
    %dma_wait3A_490 = arith.constant 0 : i32
    %dma_wait3A_491 = tpu.memref_slice %arg6[%dma_wait3A_482, %dma_wait3A_489, %dma_wait3A_490] : memref<6x16x1024xf32, #tpu.memory_space<vmem>> -> memref<1x16x1024xf32, #tpu.memory_space<vmem>>
    %dma_wait3A_492 = tpu.memref_squeeze %dma_wait3A_491 : memref<1x16x1024xf32, #tpu.memory_space<vmem>> -> memref<16x1024xf32, #tpu.memory_space<vmem>>
    %dma_wait3A_493 = arith.constant 0 : i32
    %dma_wait3A_494 = tpu.memref_slice %arg2[%add3A_260, %dma_wait3A_493] : memref<8192x1024xf32, #tpu.memory_space<hbm>> -> memref<16x1024xf32, #tpu.memory_space<hbm>>
    tpu.wait_dma2 semaphore(%arg9 : memref<!tpu.dma_semaphore, #tpu.memory_space<semaphore_mem>>) src(%dma_wait3A_494 : memref<16x1024xf32, #tpu.memory_space<hbm>>) dst(%dma_wait3A_492 : memref<16x1024xf32, #tpu.memory_space<vmem>>)
    %dma_start3A_495 = arith.constant 2 : i32
    %dma_start3A_496 = arith.constant 8 : i32
    %dma_start3A_497 = arith.constant 0 : i32
    %dma_start3A_498 = arith.constant 0 : i32
    %dma_start3A_499 = tpu.memref_slice %arg6[%dma_start3A_495, %dma_start3A_497, %dma_start3A_498] : memref<6x16x1024xf32, #tpu.memory_space<vmem>> -> memref<1x16x1024xf32, #tpu.memory_space<vmem>>
    %dma_start3A_500 = tpu.memref_squeeze %dma_start3A_499 : memref<1x16x1024xf32, #tpu.memory_space<vmem>> -> memref<16x1024xf32, #tpu.memory_space<vmem>>
    %dma_start3A_501 = arith.constant 0 : i32
    %dma_start3A_502 = tpu.memref_slice %arg5[%dma_start3A_496, %dma_start3A_501] : memref<16x16xi32, #tpu.memory_space<vmem>> -> memref<1x16xi32, #tpu.memory_space<vmem>>
    %dma_start3A_503 = tpu.memref_squeeze %dma_start3A_502 : memref<1x16xi32, #tpu.memory_space<vmem>> -> memref<16xi32, #tpu.memory_space<vmem>>
    %dma_start3A_504 = arith.constant 0 : i32
    %dma_start3A_505 = arith.constant 0 : i32
    %dma_start3A_506 = tpu.memref_slice %arg4[%dma_start3A_504, %dma_start3A_505] : memref<16384x1024xf32, #tpu.memory_space<hbm>> -> memref<16384x1024xf32, #tpu.memory_space<hbm>>
    tpu.enqueue_indirect_dma source(%dma_start3A_500 : memref<16x1024xf32, #tpu.memory_space<vmem>>) target(%dma_start3A_506 : memref<16384x1024xf32, #tpu.memory_space<hbm>>) offsets(%dma_start3A_503 : memref<16xi32, #tpu.memory_space<vmem>>) semaphore(%arg15 : memref<!tpu.dma_semaphore, #tpu.memory_space<semaphore_mem>>)
    %dma_wait3A_507 = arith.constant 1 : i32
    %dma_wait3A_508 = arith.constant 7 : i32
    %dma_wait3A_509 = arith.constant 0 : i32
    %dma_wait3A_510 = arith.constant 0 : i32
    %dma_wait3A_511 = tpu.memref_slice %arg6[%dma_wait3A_507, %dma_wait3A_509, %dma_wait3A_510] : memref<6x16x1024xf32, #tpu.memory_space<vmem>> -> memref<1x16x1024xf32, #tpu.memory_space<vmem>>
    %dma_wait3A_512 = tpu.memref_squeeze %dma_wait3A_511 : memref<1x16x1024xf32, #tpu.memory_space<vmem>> -> memref<16x1024xf32, #tpu.memory_space<vmem>>
    %dma_wait3A_513 = arith.constant 0 : i32
    %dma_wait3A_514 = tpu.memref_slice %arg5[%dma_wait3A_508, %dma_wait3A_513] : memref<16x16xi32, #tpu.memory_space<vmem>> -> memref<1x16xi32, #tpu.memory_space<vmem>>
    %dma_wait3A_515 = tpu.memref_squeeze %dma_wait3A_514 : memref<1x16xi32, #tpu.memory_space<vmem>> -> memref<16xi32, #tpu.memory_space<vmem>>
    %dma_wait3A_516 = arith.constant 0 : i32
    %dma_wait3A_517 = arith.constant 0 : i32
    %dma_wait3A_518 = tpu.memref_slice %arg4[%dma_wait3A_516, %dma_wait3A_517] : memref<16384x1024xf32, #tpu.memory_space<hbm>> -> memref<16384x1024xf32, #tpu.memory_space<hbm>>
    tpu.wait_indirect_dma semaphore(%arg14 : memref<!tpu.dma_semaphore, #tpu.memory_space<semaphore_mem>>) src(%dma_wait3A_512 : memref<16x1024xf32, #tpu.memory_space<vmem>>) dst(%dma_wait3A_518 : memref<16384x1024xf32, #tpu.memory_space<hbm>>)
    %add3A_519 = arith.constant 208 : i32
    %add3A_520 = arith.addi %mul3A_2, %add3A_519 : i32
    %dma_start3A_521 = arith.constant 1 : i32
    %dma_start3A_522 = arith.constant 0 : i32
    %dma_start3A_523 = arith.constant 0 : i32
    %dma_start3A_524 = tpu.memref_slice %arg6[%dma_start3A_521, %dma_start3A_522, %dma_start3A_523] : memref<6x16x1024xf32, #tpu.memory_space<vmem>> -> memref<1x16x1024xf32, #tpu.memory_space<vmem>>
    %dma_start3A_525 = tpu.memref_squeeze %dma_start3A_524 : memref<1x16x1024xf32, #tpu.memory_space<vmem>> -> memref<16x1024xf32, #tpu.memory_space<vmem>>
    %dma_start3A_526 = arith.constant 0 : i32
    %dma_start3A_527 = tpu.memref_slice %arg2[%add3A_520, %dma_start3A_526] : memref<8192x1024xf32, #tpu.memory_space<hbm>> -> memref<16x1024xf32, #tpu.memory_space<hbm>>
    %dma_start3A_528 = arith.constant 0 : i32
    %dma_start3A_529 = arith.constant 0 : i32
    %dma_start3A_530 = tpu.memref_slice %arg6[%dma_start3A_521, %dma_start3A_528, %dma_start3A_529] : memref<6x16x1024xf32, #tpu.memory_space<vmem>> -> memref<1x16x1024xf32, #tpu.memory_space<vmem>>
    %dma_start3A_531 = tpu.memref_squeeze %dma_start3A_530 : memref<1x16x1024xf32, #tpu.memory_space<vmem>> -> memref<16x1024xf32, #tpu.memory_space<vmem>>
    %dma_start3A_532 = arith.constant 0 : i32
    %dma_start3A_533 = tpu.memref_slice %arg2[%add3A_520, %dma_start3A_532] : memref<8192x1024xf32, #tpu.memory_space<hbm>> -> memref<16x1024xf32, #tpu.memory_space<hbm>>
    tpu.enqueue_dma source(%dma_start3A_533 : memref<16x1024xf32, #tpu.memory_space<hbm>>) target(%dma_start3A_531 : memref<16x1024xf32, #tpu.memory_space<vmem>>) target_semaphore(%arg8 : memref<!tpu.dma_semaphore, #tpu.memory_space<semaphore_mem>>)
    %dma_wait3A_534 = arith.constant 3 : i32
    %dma_wait3A_535 = arith.constant 0 : i32
    %dma_wait3A_536 = arith.constant 0 : i32
    %dma_wait3A_537 = tpu.memref_slice %arg6[%dma_wait3A_534, %dma_wait3A_535, %dma_wait3A_536] : memref<6x16x1024xf32, #tpu.memory_space<vmem>> -> memref<1x16x1024xf32, #tpu.memory_space<vmem>>
    %dma_wait3A_538 = tpu.memref_squeeze %dma_wait3A_537 : memref<1x16x1024xf32, #tpu.memory_space<vmem>> -> memref<16x1024xf32, #tpu.memory_space<vmem>>
    %dma_wait3A_539 = arith.constant 0 : i32
    %dma_wait3A_540 = tpu.memref_slice %arg2[%add3A_312, %dma_wait3A_539] : memref<8192x1024xf32, #tpu.memory_space<hbm>> -> memref<16x1024xf32, #tpu.memory_space<hbm>>
    %dma_wait3A_541 = arith.constant 0 : i32
    %dma_wait3A_542 = arith.constant 0 : i32
    %dma_wait3A_543 = tpu.memref_slice %arg6[%dma_wait3A_534, %dma_wait3A_541, %dma_wait3A_542] : memref<6x16x1024xf32, #tpu.memory_space<vmem>> -> memref<1x16x1024xf32, #tpu.memory_space<vmem>>
    %dma_wait3A_544 = tpu.memref_squeeze %dma_wait3A_543 : memref<1x16x1024xf32, #tpu.memory_space<vmem>> -> memref<16x1024xf32, #tpu.memory_space<vmem>>
    %dma_wait3A_545 = arith.constant 0 : i32
    %dma_wait3A_546 = tpu.memref_slice %arg2[%add3A_312, %dma_wait3A_545] : memref<8192x1024xf32, #tpu.memory_space<hbm>> -> memref<16x1024xf32, #tpu.memory_space<hbm>>
    tpu.wait_dma2 semaphore(%arg10 : memref<!tpu.dma_semaphore, #tpu.memory_space<semaphore_mem>>) src(%dma_wait3A_546 : memref<16x1024xf32, #tpu.memory_space<hbm>>) dst(%dma_wait3A_544 : memref<16x1024xf32, #tpu.memory_space<vmem>>)
    %dma_start3A_547 = arith.constant 3 : i32
    %dma_start3A_548 = arith.constant 9 : i32
    %dma_start3A_549 = arith.constant 0 : i32
    %dma_start3A_550 = arith.constant 0 : i32
    %dma_start3A_551 = tpu.memref_slice %arg6[%dma_start3A_547, %dma_start3A_549, %dma_start3A_550] : memref<6x16x1024xf32, #tpu.memory_space<vmem>> -> memref<1x16x1024xf32, #tpu.memory_space<vmem>>
    %dma_start3A_552 = tpu.memref_squeeze %dma_start3A_551 : memref<1x16x1024xf32, #tpu.memory_space<vmem>> -> memref<16x1024xf32, #tpu.memory_space<vmem>>
    %dma_start3A_553 = arith.constant 0 : i32
    %dma_start3A_554 = tpu.memref_slice %arg5[%dma_start3A_548, %dma_start3A_553] : memref<16x16xi32, #tpu.memory_space<vmem>> -> memref<1x16xi32, #tpu.memory_space<vmem>>
    %dma_start3A_555 = tpu.memref_squeeze %dma_start3A_554 : memref<1x16xi32, #tpu.memory_space<vmem>> -> memref<16xi32, #tpu.memory_space<vmem>>
    %dma_start3A_556 = arith.constant 0 : i32
    %dma_start3A_557 = arith.constant 0 : i32
    %dma_start3A_558 = tpu.memref_slice %arg4[%dma_start3A_556, %dma_start3A_557] : memref<16384x1024xf32, #tpu.memory_space<hbm>> -> memref<16384x1024xf32, #tpu.memory_space<hbm>>
    tpu.enqueue_indirect_dma source(%dma_start3A_552 : memref<16x1024xf32, #tpu.memory_space<vmem>>) target(%dma_start3A_558 : memref<16384x1024xf32, #tpu.memory_space<hbm>>) offsets(%dma_start3A_555 : memref<16xi32, #tpu.memory_space<vmem>>) semaphore(%arg16 : memref<!tpu.dma_semaphore, #tpu.memory_space<semaphore_mem>>)
    %dma_wait3A_559 = arith.constant 2 : i32
    %dma_wait3A_560 = arith.constant 8 : i32
    %dma_wait3A_561 = arith.constant 0 : i32
    %dma_wait3A_562 = arith.constant 0 : i32
    %dma_wait3A_563 = tpu.memref_slice %arg6[%dma_wait3A_559, %dma_wait3A_561, %dma_wait3A_562] : memref<6x16x1024xf32, #tpu.memory_space<vmem>> -> memref<1x16x1024xf32, #tpu.memory_space<vmem>>
    %dma_wait3A_564 = tpu.memref_squeeze %dma_wait3A_563 : memref<1x16x1024xf32, #tpu.memory_space<vmem>> -> memref<16x1024xf32, #tpu.memory_space<vmem>>
    %dma_wait3A_565 = arith.constant 0 : i32
    %dma_wait3A_566 = tpu.memref_slice %arg5[%dma_wait3A_560, %dma_wait3A_565] : memref<16x16xi32, #tpu.memory_space<vmem>> -> memref<1x16xi32, #tpu.memory_space<vmem>>
    %dma_wait3A_567 = tpu.memref_squeeze %dma_wait3A_566 : memref<1x16xi32, #tpu.memory_space<vmem>> -> memref<16xi32, #tpu.memory_space<vmem>>
    %dma_wait3A_568 = arith.constant 0 : i32
    %dma_wait3A_569 = arith.constant 0 : i32
    %dma_wait3A_570 = tpu.memref_slice %arg4[%dma_wait3A_568, %dma_wait3A_569] : memref<16384x1024xf32, #tpu.memory_space<hbm>> -> memref<16384x1024xf32, #tpu.memory_space<hbm>>
    tpu.wait_indirect_dma semaphore(%arg15 : memref<!tpu.dma_semaphore, #tpu.memory_space<semaphore_mem>>) src(%dma_wait3A_564 : memref<16x1024xf32, #tpu.memory_space<vmem>>) dst(%dma_wait3A_570 : memref<16384x1024xf32, #tpu.memory_space<hbm>>)
    %add3A_571 = arith.constant 224 : i32
    %add3A_572 = arith.addi %mul3A_2, %add3A_571 : i32
    %dma_start3A_573 = arith.constant 2 : i32
    %dma_start3A_574 = arith.constant 0 : i32
    %dma_start3A_575 = arith.constant 0 : i32
    %dma_start3A_576 = tpu.memref_slice %arg6[%dma_start3A_573, %dma_start3A_574, %dma_start3A_575] : memref<6x16x1024xf32, #tpu.memory_space<vmem>> -> memref<1x16x1024xf32, #tpu.memory_space<vmem>>
    %dma_start3A_577 = tpu.memref_squeeze %dma_start3A_576 : memref<1x16x1024xf32, #tpu.memory_space<vmem>> -> memref<16x1024xf32, #tpu.memory_space<vmem>>
    %dma_start3A_578 = arith.constant 0 : i32
    %dma_start3A_579 = tpu.memref_slice %arg2[%add3A_572, %dma_start3A_578] : memref<8192x1024xf32, #tpu.memory_space<hbm>> -> memref<16x1024xf32, #tpu.memory_space<hbm>>
    %dma_start3A_580 = arith.constant 0 : i32
    %dma_start3A_581 = arith.constant 0 : i32
    %dma_start3A_582 = tpu.memref_slice %arg6[%dma_start3A_573, %dma_start3A_580, %dma_start3A_581] : memref<6x16x1024xf32, #tpu.memory_space<vmem>> -> memref<1x16x1024xf32, #tpu.memory_space<vmem>>
    %dma_start3A_583 = tpu.memref_squeeze %dma_start3A_582 : memref<1x16x1024xf32, #tpu.memory_space<vmem>> -> memref<16x1024xf32, #tpu.memory_space<vmem>>
    %dma_start3A_584 = arith.constant 0 : i32
    %dma_start3A_585 = tpu.memref_slice %arg2[%add3A_572, %dma_start3A_584] : memref<8192x1024xf32, #tpu.memory_space<hbm>> -> memref<16x1024xf32, #tpu.memory_space<hbm>>
    tpu.enqueue_dma source(%dma_start3A_585 : memref<16x1024xf32, #tpu.memory_space<hbm>>) target(%dma_start3A_583 : memref<16x1024xf32, #tpu.memory_space<vmem>>) target_semaphore(%arg9 : memref<!tpu.dma_semaphore, #tpu.memory_space<semaphore_mem>>)
    %dma_wait3A_586 = arith.constant 4 : i32
    %dma_wait3A_587 = arith.constant 0 : i32
    %dma_wait3A_588 = arith.constant 0 : i32
    %dma_wait3A_589 = tpu.memref_slice %arg6[%dma_wait3A_586, %dma_wait3A_587, %dma_wait3A_588] : memref<6x16x1024xf32, #tpu.memory_space<vmem>> -> memref<1x16x1024xf32, #tpu.memory_space<vmem>>
    %dma_wait3A_590 = tpu.memref_squeeze %dma_wait3A_589 : memref<1x16x1024xf32, #tpu.memory_space<vmem>> -> memref<16x1024xf32, #tpu.memory_space<vmem>>
    %dma_wait3A_591 = arith.constant 0 : i32
    %dma_wait3A_592 = tpu.memref_slice %arg2[%add3A_364, %dma_wait3A_591] : memref<8192x1024xf32, #tpu.memory_space<hbm>> -> memref<16x1024xf32, #tpu.memory_space<hbm>>
    %dma_wait3A_593 = arith.constant 0 : i32
    %dma_wait3A_594 = arith.constant 0 : i32
    %dma_wait3A_595 = tpu.memref_slice %arg6[%dma_wait3A_586, %dma_wait3A_593, %dma_wait3A_594] : memref<6x16x1024xf32, #tpu.memory_space<vmem>> -> memref<1x16x1024xf32, #tpu.memory_space<vmem>>
    %dma_wait3A_596 = tpu.memref_squeeze %dma_wait3A_595 : memref<1x16x1024xf32, #tpu.memory_space<vmem>> -> memref<16x1024xf32, #tpu.memory_space<vmem>>
    %dma_wait3A_597 = arith.constant 0 : i32
    %dma_wait3A_598 = tpu.memref_slice %arg2[%add3A_364, %dma_wait3A_597] : memref<8192x1024xf32, #tpu.memory_space<hbm>> -> memref<16x1024xf32, #tpu.memory_space<hbm>>
    tpu.wait_dma2 semaphore(%arg11 : memref<!tpu.dma_semaphore, #tpu.memory_space<semaphore_mem>>) src(%dma_wait3A_598 : memref<16x1024xf32, #tpu.memory_space<hbm>>) dst(%dma_wait3A_596 : memref<16x1024xf32, #tpu.memory_space<vmem>>)
    %dma_start3A_599 = arith.constant 4 : i32
    %dma_start3A_600 = arith.constant 10 : i32
    %dma_start3A_601 = arith.constant 0 : i32
    %dma_start3A_602 = arith.constant 0 : i32
    %dma_start3A_603 = tpu.memref_slice %arg6[%dma_start3A_599, %dma_start3A_601, %dma_start3A_602] : memref<6x16x1024xf32, #tpu.memory_space<vmem>> -> memref<1x16x1024xf32, #tpu.memory_space<vmem>>
    %dma_start3A_604 = tpu.memref_squeeze %dma_start3A_603 : memref<1x16x1024xf32, #tpu.memory_space<vmem>> -> memref<16x1024xf32, #tpu.memory_space<vmem>>
    %dma_start3A_605 = arith.constant 0 : i32
    %dma_start3A_606 = tpu.memref_slice %arg5[%dma_start3A_600, %dma_start3A_605] : memref<16x16xi32, #tpu.memory_space<vmem>> -> memref<1x16xi32, #tpu.memory_space<vmem>>
    %dma_start3A_607 = tpu.memref_squeeze %dma_start3A_606 : memref<1x16xi32, #tpu.memory_space<vmem>> -> memref<16xi32, #tpu.memory_space<vmem>>
    %dma_start3A_608 = arith.constant 0 : i32
    %dma_start3A_609 = arith.constant 0 : i32
    %dma_start3A_610 = tpu.memref_slice %arg4[%dma_start3A_608, %dma_start3A_609] : memref<16384x1024xf32, #tpu.memory_space<hbm>> -> memref<16384x1024xf32, #tpu.memory_space<hbm>>
    tpu.enqueue_indirect_dma source(%dma_start3A_604 : memref<16x1024xf32, #tpu.memory_space<vmem>>) target(%dma_start3A_610 : memref<16384x1024xf32, #tpu.memory_space<hbm>>) offsets(%dma_start3A_607 : memref<16xi32, #tpu.memory_space<vmem>>) semaphore(%arg17 : memref<!tpu.dma_semaphore, #tpu.memory_space<semaphore_mem>>)
    %dma_wait3A_611 = arith.constant 3 : i32
    %dma_wait3A_612 = arith.constant 9 : i32
    %dma_wait3A_613 = arith.constant 0 : i32
    %dma_wait3A_614 = arith.constant 0 : i32
    %dma_wait3A_615 = tpu.memref_slice %arg6[%dma_wait3A_611, %dma_wait3A_613, %dma_wait3A_614] : memref<6x16x1024xf32, #tpu.memory_space<vmem>> -> memref<1x16x1024xf32, #tpu.memory_space<vmem>>
    %dma_wait3A_616 = tpu.memref_squeeze %dma_wait3A_615 : memref<1x16x1024xf32, #tpu.memory_space<vmem>> -> memref<16x1024xf32, #tpu.memory_space<vmem>>
    %dma_wait3A_617 = arith.constant 0 : i32
    %dma_wait3A_618 = tpu.memref_slice %arg5[%dma_wait3A_612, %dma_wait3A_617] : memref<16x16xi32, #tpu.memory_space<vmem>> -> memref<1x16xi32, #tpu.memory_space<vmem>>
    %dma_wait3A_619 = tpu.memref_squeeze %dma_wait3A_618 : memref<1x16xi32, #tpu.memory_space<vmem>> -> memref<16xi32, #tpu.memory_space<vmem>>
    %dma_wait3A_620 = arith.constant 0 : i32
    %dma_wait3A_621 = arith.constant 0 : i32
    %dma_wait3A_622 = tpu.memref_slice %arg4[%dma_wait3A_620, %dma_wait3A_621] : memref<16384x1024xf32, #tpu.memory_space<hbm>> -> memref<16384x1024xf32, #tpu.memory_space<hbm>>
    tpu.wait_indirect_dma semaphore(%arg16 : memref<!tpu.dma_semaphore, #tpu.memory_space<semaphore_mem>>) src(%dma_wait3A_616 : memref<16x1024xf32, #tpu.memory_space<vmem>>) dst(%dma_wait3A_622 : memref<16384x1024xf32, #tpu.memory_space<hbm>>)
    %add3A_623 = arith.constant 240 : i32
    %add3A_624 = arith.addi %mul3A_2, %add3A_623 : i32
    %dma_start3A_625 = arith.constant 3 : i32
    %dma_start3A_626 = arith.constant 0 : i32
    %dma_start3A_627 = arith.constant 0 : i32
    %dma_start3A_628 = tpu.memref_slice %arg6[%dma_start3A_625, %dma_start3A_626, %dma_start3A_627] : memref<6x16x1024xf32, #tpu.memory_space<vmem>> -> memref<1x16x1024xf32, #tpu.memory_space<vmem>>
    %dma_start3A_629 = tpu.memref_squeeze %dma_start3A_628 : memref<1x16x1024xf32, #tpu.memory_space<vmem>> -> memref<16x1024xf32, #tpu.memory_space<vmem>>
    %dma_start3A_630 = arith.constant 0 : i32
    %dma_start3A_631 = tpu.memref_slice %arg2[%add3A_624, %dma_start3A_630] : memref<8192x1024xf32, #tpu.memory_space<hbm>> -> memref<16x1024xf32, #tpu.memory_space<hbm>>
    %dma_start3A_632 = arith.constant 0 : i32
    %dma_start3A_633 = arith.constant 0 : i32
    %dma_start3A_634 = tpu.memref_slice %arg6[%dma_start3A_625, %dma_start3A_632, %dma_start3A_633] : memref<6x16x1024xf32, #tpu.memory_space<vmem>> -> memref<1x16x1024xf32, #tpu.memory_space<vmem>>
    %dma_start3A_635 = tpu.memref_squeeze %dma_start3A_634 : memref<1x16x1024xf32, #tpu.memory_space<vmem>> -> memref<16x1024xf32, #tpu.memory_space<vmem>>
    %dma_start3A_636 = arith.constant 0 : i32
    %dma_start3A_637 = tpu.memref_slice %arg2[%add3A_624, %dma_start3A_636] : memref<8192x1024xf32, #tpu.memory_space<hbm>> -> memref<16x1024xf32, #tpu.memory_space<hbm>>
    tpu.enqueue_dma source(%dma_start3A_637 : memref<16x1024xf32, #tpu.memory_space<hbm>>) target(%dma_start3A_635 : memref<16x1024xf32, #tpu.memory_space<vmem>>) target_semaphore(%arg10 : memref<!tpu.dma_semaphore, #tpu.memory_space<semaphore_mem>>)
    %dma_wait3A_638 = arith.constant 5 : i32
    %dma_wait3A_639 = arith.constant 0 : i32
    %dma_wait3A_640 = arith.constant 0 : i32
    %dma_wait3A_641 = tpu.memref_slice %arg6[%dma_wait3A_638, %dma_wait3A_639, %dma_wait3A_640] : memref<6x16x1024xf32, #tpu.memory_space<vmem>> -> memref<1x16x1024xf32, #tpu.memory_space<vmem>>
    %dma_wait3A_642 = tpu.memref_squeeze %dma_wait3A_641 : memref<1x16x1024xf32, #tpu.memory_space<vmem>> -> memref<16x1024xf32, #tpu.memory_space<vmem>>
    %dma_wait3A_643 = arith.constant 0 : i32
    %dma_wait3A_644 = tpu.memref_slice %arg2[%add3A_416, %dma_wait3A_643] : memref<8192x1024xf32, #tpu.memory_space<hbm>> -> memref<16x1024xf32, #tpu.memory_space<hbm>>
    %dma_wait3A_645 = arith.constant 0 : i32
    %dma_wait3A_646 = arith.constant 0 : i32
    %dma_wait3A_647 = tpu.memref_slice %arg6[%dma_wait3A_638, %dma_wait3A_645, %dma_wait3A_646] : memref<6x16x1024xf32, #tpu.memory_space<vmem>> -> memref<1x16x1024xf32, #tpu.memory_space<vmem>>
    %dma_wait3A_648 = tpu.memref_squeeze %dma_wait3A_647 : memref<1x16x1024xf32, #tpu.memory_space<vmem>> -> memref<16x1024xf32, #tpu.memory_space<vmem>>
    %dma_wait3A_649 = arith.constant 0 : i32
    %dma_wait3A_650 = tpu.memref_slice %arg2[%add3A_416, %dma_wait3A_649] : memref<8192x1024xf32, #tpu.memory_space<hbm>> -> memref<16x1024xf32, #tpu.memory_space<hbm>>
    tpu.wait_dma2 semaphore(%arg12 : memref<!tpu.dma_semaphore, #tpu.memory_space<semaphore_mem>>) src(%dma_wait3A_650 : memref<16x1024xf32, #tpu.memory_space<hbm>>) dst(%dma_wait3A_648 : memref<16x1024xf32, #tpu.memory_space<vmem>>)
    %dma_start3A_651 = arith.constant 5 : i32
    %dma_start3A_652 = arith.constant 11 : i32
    %dma_start3A_653 = arith.constant 0 : i32
    %dma_start3A_654 = arith.constant 0 : i32
    %dma_start3A_655 = tpu.memref_slice %arg6[%dma_start3A_651, %dma_start3A_653, %dma_start3A_654] : memref<6x16x1024xf32, #tpu.memory_space<vmem>> -> memref<1x16x1024xf32, #tpu.memory_space<vmem>>
    %dma_start3A_656 = tpu.memref_squeeze %dma_start3A_655 : memref<1x16x1024xf32, #tpu.memory_space<vmem>> -> memref<16x1024xf32, #tpu.memory_space<vmem>>
    %dma_start3A_657 = arith.constant 0 : i32
    %dma_start3A_658 = tpu.memref_slice %arg5[%dma_start3A_652, %dma_start3A_657] : memref<16x16xi32, #tpu.memory_space<vmem>> -> memref<1x16xi32, #tpu.memory_space<vmem>>
    %dma_start3A_659 = tpu.memref_squeeze %dma_start3A_658 : memref<1x16xi32, #tpu.memory_space<vmem>> -> memref<16xi32, #tpu.memory_space<vmem>>
    %dma_start3A_660 = arith.constant 0 : i32
    %dma_start3A_661 = arith.constant 0 : i32
    %dma_start3A_662 = tpu.memref_slice %arg4[%dma_start3A_660, %dma_start3A_661] : memref<16384x1024xf32, #tpu.memory_space<hbm>> -> memref<16384x1024xf32, #tpu.memory_space<hbm>>
    tpu.enqueue_indirect_dma source(%dma_start3A_656 : memref<16x1024xf32, #tpu.memory_space<vmem>>) target(%dma_start3A_662 : memref<16384x1024xf32, #tpu.memory_space<hbm>>) offsets(%dma_start3A_659 : memref<16xi32, #tpu.memory_space<vmem>>) semaphore(%arg18 : memref<!tpu.dma_semaphore, #tpu.memory_space<semaphore_mem>>)
    %dma_wait3A_663 = arith.constant 0 : i32
    %dma_wait3A_664 = arith.constant 0 : i32
    %dma_wait3A_665 = arith.constant 0 : i32
    %dma_wait3A_666 = tpu.memref_slice %arg6[%dma_wait3A_663, %dma_wait3A_664, %dma_wait3A_665] : memref<6x16x1024xf32, #tpu.memory_space<vmem>> -> memref<1x16x1024xf32, #tpu.memory_space<vmem>>
    %dma_wait3A_667 = tpu.memref_squeeze %dma_wait3A_666 : memref<1x16x1024xf32, #tpu.memory_space<vmem>> -> memref<16x1024xf32, #tpu.memory_space<vmem>>
    %dma_wait3A_668 = arith.constant 0 : i32
    %dma_wait3A_669 = tpu.memref_slice %arg2[%add3A_468, %dma_wait3A_668] : memref<8192x1024xf32, #tpu.memory_space<hbm>> -> memref<16x1024xf32, #tpu.memory_space<hbm>>
    %dma_wait3A_670 = arith.constant 0 : i32
    %dma_wait3A_671 = arith.constant 0 : i32
    %dma_wait3A_672 = tpu.memref_slice %arg6[%dma_wait3A_663, %dma_wait3A_670, %dma_wait3A_671] : memref<6x16x1024xf32, #tpu.memory_space<vmem>> -> memref<1x16x1024xf32, #tpu.memory_space<vmem>>
    %dma_wait3A_673 = tpu.memref_squeeze %dma_wait3A_672 : memref<1x16x1024xf32, #tpu.memory_space<vmem>> -> memref<16x1024xf32, #tpu.memory_space<vmem>>
    %dma_wait3A_674 = arith.constant 0 : i32
    %dma_wait3A_675 = tpu.memref_slice %arg2[%add3A_468, %dma_wait3A_674] : memref<8192x1024xf32, #tpu.memory_space<hbm>> -> memref<16x1024xf32, #tpu.memory_space<hbm>>
    tpu.wait_dma2 semaphore(%arg7 : memref<!tpu.dma_semaphore, #tpu.memory_space<semaphore_mem>>) src(%dma_wait3A_675 : memref<16x1024xf32, #tpu.memory_space<hbm>>) dst(%dma_wait3A_673 : memref<16x1024xf32, #tpu.memory_space<vmem>>)
    %dma_start3A_676 = arith.constant 0 : i32
    %dma_start3A_677 = arith.constant 12 : i32
    %dma_start3A_678 = arith.constant 0 : i32
    %dma_start3A_679 = arith.constant 0 : i32
    %dma_start3A_680 = tpu.memref_slice %arg6[%dma_start3A_676, %dma_start3A_678, %dma_start3A_679] : memref<6x16x1024xf32, #tpu.memory_space<vmem>> -> memref<1x16x1024xf32, #tpu.memory_space<vmem>>
    %dma_start3A_681 = tpu.memref_squeeze %dma_start3A_680 : memref<1x16x1024xf32, #tpu.memory_space<vmem>> -> memref<16x1024xf32, #tpu.memory_space<vmem>>
    %dma_start3A_682 = arith.constant 0 : i32
    %dma_start3A_683 = tpu.memref_slice %arg5[%dma_start3A_677, %dma_start3A_682] : memref<16x16xi32, #tpu.memory_space<vmem>> -> memref<1x16xi32, #tpu.memory_space<vmem>>
    %dma_start3A_684 = tpu.memref_squeeze %dma_start3A_683 : memref<1x16xi32, #tpu.memory_space<vmem>> -> memref<16xi32, #tpu.memory_space<vmem>>
    %dma_start3A_685 = arith.constant 0 : i32
    %dma_start3A_686 = arith.constant 0 : i32
    %dma_start3A_687 = tpu.memref_slice %arg4[%dma_start3A_685, %dma_start3A_686] : memref<16384x1024xf32, #tpu.memory_space<hbm>> -> memref<16384x1024xf32, #tpu.memory_space<hbm>>
    tpu.enqueue_indirect_dma source(%dma_start3A_681 : memref<16x1024xf32, #tpu.memory_space<vmem>>) target(%dma_start3A_687 : memref<16384x1024xf32, #tpu.memory_space<hbm>>) offsets(%dma_start3A_684 : memref<16xi32, #tpu.memory_space<vmem>>) semaphore(%arg13 : memref<!tpu.dma_semaphore, #tpu.memory_space<semaphore_mem>>)
    %dma_wait3A_688 = arith.constant 1 : i32
    %dma_wait3A_689 = arith.constant 0 : i32
    %dma_wait3A_690 = arith.constant 0 : i32
    %dma_wait3A_691 = tpu.memref_slice %arg6[%dma_wait3A_688, %dma_wait3A_689, %dma_wait3A_690] : memref<6x16x1024xf32, #tpu.memory_space<vmem>> -> memref<1x16x1024xf32, #tpu.memory_space<vmem>>
    %dma_wait3A_692 = tpu.memref_squeeze %dma_wait3A_691 : memref<1x16x1024xf32, #tpu.memory_space<vmem>> -> memref<16x1024xf32, #tpu.memory_space<vmem>>
    %dma_wait3A_693 = arith.constant 0 : i32
    %dma_wait3A_694 = tpu.memref_slice %arg2[%add3A_520, %dma_wait3A_693] : memref<8192x1024xf32, #tpu.memory_space<hbm>> -> memref<16x1024xf32, #tpu.memory_space<hbm>>
    %dma_wait3A_695 = arith.constant 0 : i32
    %dma_wait3A_696 = arith.constant 0 : i32
    %dma_wait3A_697 = tpu.memref_slice %arg6[%dma_wait3A_688, %dma_wait3A_695, %dma_wait3A_696] : memref<6x16x1024xf32, #tpu.memory_space<vmem>> -> memref<1x16x1024xf32, #tpu.memory_space<vmem>>
    %dma_wait3A_698 = tpu.memref_squeeze %dma_wait3A_697 : memref<1x16x1024xf32, #tpu.memory_space<vmem>> -> memref<16x1024xf32, #tpu.memory_space<vmem>>
    %dma_wait3A_699 = arith.constant 0 : i32
    %dma_wait3A_700 = tpu.memref_slice %arg2[%add3A_520, %dma_wait3A_699] : memref<8192x1024xf32, #tpu.memory_space<hbm>> -> memref<16x1024xf32, #tpu.memory_space<hbm>>
    tpu.wait_dma2 semaphore(%arg8 : memref<!tpu.dma_semaphore, #tpu.memory_space<semaphore_mem>>) src(%dma_wait3A_700 : memref<16x1024xf32, #tpu.memory_space<hbm>>) dst(%dma_wait3A_698 : memref<16x1024xf32, #tpu.memory_space<vmem>>)
    %dma_start3A_701 = arith.constant 1 : i32
    %dma_start3A_702 = arith.constant 13 : i32
    %dma_start3A_703 = arith.constant 0 : i32
    %dma_start3A_704 = arith.constant 0 : i32
    %dma_start3A_705 = tpu.memref_slice %arg6[%dma_start3A_701, %dma_start3A_703, %dma_start3A_704] : memref<6x16x1024xf32, #tpu.memory_space<vmem>> -> memref<1x16x1024xf32, #tpu.memory_space<vmem>>
    %dma_start3A_706 = tpu.memref_squeeze %dma_start3A_705 : memref<1x16x1024xf32, #tpu.memory_space<vmem>> -> memref<16x1024xf32, #tpu.memory_space<vmem>>
    %dma_start3A_707 = arith.constant 0 : i32
    %dma_start3A_708 = tpu.memref_slice %arg5[%dma_start3A_702, %dma_start3A_707] : memref<16x16xi32, #tpu.memory_space<vmem>> -> memref<1x16xi32, #tpu.memory_space<vmem>>
    %dma_start3A_709 = tpu.memref_squeeze %dma_start3A_708 : memref<1x16xi32, #tpu.memory_space<vmem>> -> memref<16xi32, #tpu.memory_space<vmem>>
    %dma_start3A_710 = arith.constant 0 : i32
    %dma_start3A_711 = arith.constant 0 : i32
    %dma_start3A_712 = tpu.memref_slice %arg4[%dma_start3A_710, %dma_start3A_711] : memref<16384x1024xf32, #tpu.memory_space<hbm>> -> memref<16384x1024xf32, #tpu.memory_space<hbm>>
    tpu.enqueue_indirect_dma source(%dma_start3A_706 : memref<16x1024xf32, #tpu.memory_space<vmem>>) target(%dma_start3A_712 : memref<16384x1024xf32, #tpu.memory_space<hbm>>) offsets(%dma_start3A_709 : memref<16xi32, #tpu.memory_space<vmem>>) semaphore(%arg14 : memref<!tpu.dma_semaphore, #tpu.memory_space<semaphore_mem>>)
    %dma_wait3A_713 = arith.constant 2 : i32
    %dma_wait3A_714 = arith.constant 0 : i32
    %dma_wait3A_715 = arith.constant 0 : i32
    %dma_wait3A_716 = tpu.memref_slice %arg6[%dma_wait3A_713, %dma_wait3A_714, %dma_wait3A_715] : memref<6x16x1024xf32, #tpu.memory_space<vmem>> -> memref<1x16x1024xf32, #tpu.memory_space<vmem>>
    %dma_wait3A_717 = tpu.memref_squeeze %dma_wait3A_716 : memref<1x16x1024xf32, #tpu.memory_space<vmem>> -> memref<16x1024xf32, #tpu.memory_space<vmem>>
    %dma_wait3A_718 = arith.constant 0 : i32
    %dma_wait3A_719 = tpu.memref_slice %arg2[%add3A_572, %dma_wait3A_718] : memref<8192x1024xf32, #tpu.memory_space<hbm>> -> memref<16x1024xf32, #tpu.memory_space<hbm>>
    %dma_wait3A_720 = arith.constant 0 : i32
    %dma_wait3A_721 = arith.constant 0 : i32
    %dma_wait3A_722 = tpu.memref_slice %arg6[%dma_wait3A_713, %dma_wait3A_720, %dma_wait3A_721] : memref<6x16x1024xf32, #tpu.memory_space<vmem>> -> memref<1x16x1024xf32, #tpu.memory_space<vmem>>
    %dma_wait3A_723 = tpu.memref_squeeze %dma_wait3A_722 : memref<1x16x1024xf32, #tpu.memory_space<vmem>> -> memref<16x1024xf32, #tpu.memory_space<vmem>>
    %dma_wait3A_724 = arith.constant 0 : i32
    %dma_wait3A_725 = tpu.memref_slice %arg2[%add3A_572, %dma_wait3A_724] : memref<8192x1024xf32, #tpu.memory_space<hbm>> -> memref<16x1024xf32, #tpu.memory_space<hbm>>
    tpu.wait_dma2 semaphore(%arg9 : memref<!tpu.dma_semaphore, #tpu.memory_space<semaphore_mem>>) src(%dma_wait3A_725 : memref<16x1024xf32, #tpu.memory_space<hbm>>) dst(%dma_wait3A_723 : memref<16x1024xf32, #tpu.memory_space<vmem>>)
    %dma_start3A_726 = arith.constant 2 : i32
    %dma_start3A_727 = arith.constant 14 : i32
    %dma_start3A_728 = arith.constant 0 : i32
    %dma_start3A_729 = arith.constant 0 : i32
    %dma_start3A_730 = tpu.memref_slice %arg6[%dma_start3A_726, %dma_start3A_728, %dma_start3A_729] : memref<6x16x1024xf32, #tpu.memory_space<vmem>> -> memref<1x16x1024xf32, #tpu.memory_space<vmem>>
    %dma_start3A_731 = tpu.memref_squeeze %dma_start3A_730 : memref<1x16x1024xf32, #tpu.memory_space<vmem>> -> memref<16x1024xf32, #tpu.memory_space<vmem>>
    %dma_start3A_732 = arith.constant 0 : i32
    %dma_start3A_733 = tpu.memref_slice %arg5[%dma_start3A_727, %dma_start3A_732] : memref<16x16xi32, #tpu.memory_space<vmem>> -> memref<1x16xi32, #tpu.memory_space<vmem>>
    %dma_start3A_734 = tpu.memref_squeeze %dma_start3A_733 : memref<1x16xi32, #tpu.memory_space<vmem>> -> memref<16xi32, #tpu.memory_space<vmem>>
    %dma_start3A_735 = arith.constant 0 : i32
    %dma_start3A_736 = arith.constant 0 : i32
    %dma_start3A_737 = tpu.memref_slice %arg4[%dma_start3A_735, %dma_start3A_736] : memref<16384x1024xf32, #tpu.memory_space<hbm>> -> memref<16384x1024xf32, #tpu.memory_space<hbm>>
    tpu.enqueue_indirect_dma source(%dma_start3A_731 : memref<16x1024xf32, #tpu.memory_space<vmem>>) target(%dma_start3A_737 : memref<16384x1024xf32, #tpu.memory_space<hbm>>) offsets(%dma_start3A_734 : memref<16xi32, #tpu.memory_space<vmem>>) semaphore(%arg15 : memref<!tpu.dma_semaphore, #tpu.memory_space<semaphore_mem>>)
    %dma_wait3A_738 = arith.constant 3 : i32
    %dma_wait3A_739 = arith.constant 0 : i32
    %dma_wait3A_740 = arith.constant 0 : i32
    %dma_wait3A_741 = tpu.memref_slice %arg6[%dma_wait3A_738, %dma_wait3A_739, %dma_wait3A_740] : memref<6x16x1024xf32, #tpu.memory_space<vmem>> -> memref<1x16x1024xf32, #tpu.memory_space<vmem>>
    %dma_wait3A_742 = tpu.memref_squeeze %dma_wait3A_741 : memref<1x16x1024xf32, #tpu.memory_space<vmem>> -> memref<16x1024xf32, #tpu.memory_space<vmem>>
    %dma_wait3A_743 = arith.constant 0 : i32
    %dma_wait3A_744 = tpu.memref_slice %arg2[%add3A_624, %dma_wait3A_743] : memref<8192x1024xf32, #tpu.memory_space<hbm>> -> memref<16x1024xf32, #tpu.memory_space<hbm>>
    %dma_wait3A_745 = arith.constant 0 : i32
    %dma_wait3A_746 = arith.constant 0 : i32
    %dma_wait3A_747 = tpu.memref_slice %arg6[%dma_wait3A_738, %dma_wait3A_745, %dma_wait3A_746] : memref<6x16x1024xf32, #tpu.memory_space<vmem>> -> memref<1x16x1024xf32, #tpu.memory_space<vmem>>
    %dma_wait3A_748 = tpu.memref_squeeze %dma_wait3A_747 : memref<1x16x1024xf32, #tpu.memory_space<vmem>> -> memref<16x1024xf32, #tpu.memory_space<vmem>>
    %dma_wait3A_749 = arith.constant 0 : i32
    %dma_wait3A_750 = tpu.memref_slice %arg2[%add3A_624, %dma_wait3A_749] : memref<8192x1024xf32, #tpu.memory_space<hbm>> -> memref<16x1024xf32, #tpu.memory_space<hbm>>
    tpu.wait_dma2 semaphore(%arg10 : memref<!tpu.dma_semaphore, #tpu.memory_space<semaphore_mem>>) src(%dma_wait3A_750 : memref<16x1024xf32, #tpu.memory_space<hbm>>) dst(%dma_wait3A_748 : memref<16x1024xf32, #tpu.memory_space<vmem>>)
    %dma_start3A_751 = arith.constant 3 : i32
    %dma_start3A_752 = arith.constant 15 : i32
    %dma_start3A_753 = arith.constant 0 : i32
    %dma_start3A_754 = arith.constant 0 : i32
    %dma_start3A_755 = tpu.memref_slice %arg6[%dma_start3A_751, %dma_start3A_753, %dma_start3A_754] : memref<6x16x1024xf32, #tpu.memory_space<vmem>> -> memref<1x16x1024xf32, #tpu.memory_space<vmem>>
    %dma_start3A_756 = tpu.memref_squeeze %dma_start3A_755 : memref<1x16x1024xf32, #tpu.memory_space<vmem>> -> memref<16x1024xf32, #tpu.memory_space<vmem>>
    %dma_start3A_757 = arith.constant 0 : i32
    %dma_start3A_758 = tpu.memref_slice %arg5[%dma_start3A_752, %dma_start3A_757] : memref<16x16xi32, #tpu.memory_space<vmem>> -> memref<1x16xi32, #tpu.memory_space<vmem>>
    %dma_start3A_759 = tpu.memref_squeeze %dma_start3A_758 : memref<1x16xi32, #tpu.memory_space<vmem>> -> memref<16xi32, #tpu.memory_space<vmem>>
    %dma_start3A_760 = arith.constant 0 : i32
    %dma_start3A_761 = arith.constant 0 : i32
    %dma_start3A_762 = tpu.memref_slice %arg4[%dma_start3A_760, %dma_start3A_761] : memref<16384x1024xf32, #tpu.memory_space<hbm>> -> memref<16384x1024xf32, #tpu.memory_space<hbm>>
    tpu.enqueue_indirect_dma source(%dma_start3A_756 : memref<16x1024xf32, #tpu.memory_space<vmem>>) target(%dma_start3A_762 : memref<16384x1024xf32, #tpu.memory_space<hbm>>) offsets(%dma_start3A_759 : memref<16xi32, #tpu.memory_space<vmem>>) semaphore(%arg16 : memref<!tpu.dma_semaphore, #tpu.memory_space<semaphore_mem>>)
    %dma_wait3A_763 = arith.constant 4 : i32
    %dma_wait3A_764 = arith.constant 10 : i32
    %dma_wait3A_765 = arith.constant 0 : i32
    %dma_wait3A_766 = arith.constant 0 : i32
    %dma_wait3A_767 = tpu.memref_slice %arg6[%dma_wait3A_763, %dma_wait3A_765, %dma_wait3A_766] : memref<6x16x1024xf32, #tpu.memory_space<vmem>> -> memref<1x16x1024xf32, #tpu.memory_space<vmem>>
    %dma_wait3A_768 = tpu.memref_squeeze %dma_wait3A_767 : memref<1x16x1024xf32, #tpu.memory_space<vmem>> -> memref<16x1024xf32, #tpu.memory_space<vmem>>
    %dma_wait3A_769 = arith.constant 0 : i32
    %dma_wait3A_770 = tpu.memref_slice %arg5[%dma_wait3A_764, %dma_wait3A_769] : memref<16x16xi32, #tpu.memory_space<vmem>> -> memref<1x16xi32, #tpu.memory_space<vmem>>
    %dma_wait3A_771 = tpu.memref_squeeze %dma_wait3A_770 : memref<1x16xi32, #tpu.memory_space<vmem>> -> memref<16xi32, #tpu.memory_space<vmem>>
    %dma_wait3A_772 = arith.constant 0 : i32
    %dma_wait3A_773 = arith.constant 0 : i32
    %dma_wait3A_774 = tpu.memref_slice %arg4[%dma_wait3A_772, %dma_wait3A_773] : memref<16384x1024xf32, #tpu.memory_space<hbm>> -> memref<16384x1024xf32, #tpu.memory_space<hbm>>
    tpu.wait_indirect_dma semaphore(%arg17 : memref<!tpu.dma_semaphore, #tpu.memory_space<semaphore_mem>>) src(%dma_wait3A_768 : memref<16x1024xf32, #tpu.memory_space<vmem>>) dst(%dma_wait3A_774 : memref<16384x1024xf32, #tpu.memory_space<hbm>>)
    %dma_wait3A_775 = arith.constant 5 : i32
    %dma_wait3A_776 = arith.constant 11 : i32
    %dma_wait3A_777 = arith.constant 0 : i32
    %dma_wait3A_778 = arith.constant 0 : i32
    %dma_wait3A_779 = tpu.memref_slice %arg6[%dma_wait3A_775, %dma_wait3A_777, %dma_wait3A_778] : memref<6x16x1024xf32, #tpu.memory_space<vmem>> -> memref<1x16x1024xf32, #tpu.memory_space<vmem>>
    %dma_wait3A_780 = tpu.memref_squeeze %dma_wait3A_779 : memref<1x16x1024xf32, #tpu.memory_space<vmem>> -> memref<16x1024xf32, #tpu.memory_space<vmem>>
    %dma_wait3A_781 = arith.constant 0 : i32
    %dma_wait3A_782 = tpu.memref_slice %arg5[%dma_wait3A_776, %dma_wait3A_781] : memref<16x16xi32, #tpu.memory_space<vmem>> -> memref<1x16xi32, #tpu.memory_space<vmem>>
    %dma_wait3A_783 = tpu.memref_squeeze %dma_wait3A_782 : memref<1x16xi32, #tpu.memory_space<vmem>> -> memref<16xi32, #tpu.memory_space<vmem>>
    %dma_wait3A_784 = arith.constant 0 : i32
    %dma_wait3A_785 = arith.constant 0 : i32
    %dma_wait3A_786 = tpu.memref_slice %arg4[%dma_wait3A_784, %dma_wait3A_785] : memref<16384x1024xf32, #tpu.memory_space<hbm>> -> memref<16384x1024xf32, #tpu.memory_space<hbm>>
    tpu.wait_indirect_dma semaphore(%arg18 : memref<!tpu.dma_semaphore, #tpu.memory_space<semaphore_mem>>) src(%dma_wait3A_780 : memref<16x1024xf32, #tpu.memory_space<vmem>>) dst(%dma_wait3A_786 : memref<16384x1024xf32, #tpu.memory_space<hbm>>)
    %dma_wait3A_787 = arith.constant 0 : i32
    %dma_wait3A_788 = arith.constant 12 : i32
    %dma_wait3A_789 = arith.constant 0 : i32
    %dma_wait3A_790 = arith.constant 0 : i32
    %dma_wait3A_791 = tpu.memref_slice %arg6[%dma_wait3A_787, %dma_wait3A_789, %dma_wait3A_790] : memref<6x16x1024xf32, #tpu.memory_space<vmem>> -> memref<1x16x1024xf32, #tpu.memory_space<vmem>>
    %dma_wait3A_792 = tpu.memref_squeeze %dma_wait3A_791 : memref<1x16x1024xf32, #tpu.memory_space<vmem>> -> memref<16x1024xf32, #tpu.memory_space<vmem>>
    %dma_wait3A_793 = arith.constant 0 : i32
    %dma_wait3A_794 = tpu.memref_slice %arg5[%dma_wait3A_788, %dma_wait3A_793] : memref<16x16xi32, #tpu.memory_space<vmem>> -> memref<1x16xi32, #tpu.memory_space<vmem>>
    %dma_wait3A_795 = tpu.memref_squeeze %dma_wait3A_794 : memref<1x16xi32, #tpu.memory_space<vmem>> -> memref<16xi32, #tpu.memory_space<vmem>>
    %dma_wait3A_796 = arith.constant 0 : i32
    %dma_wait3A_797 = arith.constant 0 : i32
    %dma_wait3A_798 = tpu.memref_slice %arg4[%dma_wait3A_796, %dma_wait3A_797] : memref<16384x1024xf32, #tpu.memory_space<hbm>> -> memref<16384x1024xf32, #tpu.memory_space<hbm>>
    tpu.wait_indirect_dma semaphore(%arg13 : memref<!tpu.dma_semaphore, #tpu.memory_space<semaphore_mem>>) src(%dma_wait3A_792 : memref<16x1024xf32, #tpu.memory_space<vmem>>) dst(%dma_wait3A_798 : memref<16384x1024xf32, #tpu.memory_space<hbm>>)
    %dma_wait3A_799 = arith.constant 1 : i32
    %dma_wait3A_800 = arith.constant 13 : i32
    %dma_wait3A_801 = arith.constant 0 : i32
    %dma_wait3A_802 = arith.constant 0 : i32
    %dma_wait3A_803 = tpu.memref_slice %arg6[%dma_wait3A_799, %dma_wait3A_801, %dma_wait3A_802] : memref<6x16x1024xf32, #tpu.memory_space<vmem>> -> memref<1x16x1024xf32, #tpu.memory_space<vmem>>
    %dma_wait3A_804 = tpu.memref_squeeze %dma_wait3A_803 : memref<1x16x1024xf32, #tpu.memory_space<vmem>> -> memref<16x1024xf32, #tpu.memory_space<vmem>>
    %dma_wait3A_805 = arith.constant 0 : i32
    %dma_wait3A_806 = tpu.memref_slice %arg5[%dma_wait3A_800, %dma_wait3A_805] : memref<16x16xi32, #tpu.memory_space<vmem>> -> memref<1x16xi32, #tpu.memory_space<vmem>>
    %dma_wait3A_807 = tpu.memref_squeeze %dma_wait3A_806 : memref<1x16xi32, #tpu.memory_space<vmem>> -> memref<16xi32, #tpu.memory_space<vmem>>
    %dma_wait3A_808 = arith.constant 0 : i32
    %dma_wait3A_809 = arith.constant 0 : i32
    %dma_wait3A_810 = tpu.memref_slice %arg4[%dma_wait3A_808, %dma_wait3A_809] : memref<16384x1024xf32, #tpu.memory_space<hbm>> -> memref<16384x1024xf32, #tpu.memory_space<hbm>>
    tpu.wait_indirect_dma semaphore(%arg14 : memref<!tpu.dma_semaphore, #tpu.memory_space<semaphore_mem>>) src(%dma_wait3A_804 : memref<16x1024xf32, #tpu.memory_space<vmem>>) dst(%dma_wait3A_810 : memref<16384x1024xf32, #tpu.memory_space<hbm>>)
    %dma_wait3A_811 = arith.constant 2 : i32
    %dma_wait3A_812 = arith.constant 14 : i32
    %dma_wait3A_813 = arith.constant 0 : i32
    %dma_wait3A_814 = arith.constant 0 : i32
    %dma_wait3A_815 = tpu.memref_slice %arg6[%dma_wait3A_811, %dma_wait3A_813, %dma_wait3A_814] : memref<6x16x1024xf32, #tpu.memory_space<vmem>> -> memref<1x16x1024xf32, #tpu.memory_space<vmem>>
    %dma_wait3A_816 = tpu.memref_squeeze %dma_wait3A_815 : memref<1x16x1024xf32, #tpu.memory_space<vmem>> -> memref<16x1024xf32, #tpu.memory_space<vmem>>
    %dma_wait3A_817 = arith.constant 0 : i32
    %dma_wait3A_818 = tpu.memref_slice %arg5[%dma_wait3A_812, %dma_wait3A_817] : memref<16x16xi32, #tpu.memory_space<vmem>> -> memref<1x16xi32, #tpu.memory_space<vmem>>
    %dma_wait3A_819 = tpu.memref_squeeze %dma_wait3A_818 : memref<1x16xi32, #tpu.memory_space<vmem>> -> memref<16xi32, #tpu.memory_space<vmem>>
    %dma_wait3A_820 = arith.constant 0 : i32
    %dma_wait3A_821 = arith.constant 0 : i32
    %dma_wait3A_822 = tpu.memref_slice %arg4[%dma_wait3A_820, %dma_wait3A_821] : memref<16384x1024xf32, #tpu.memory_space<hbm>> -> memref<16384x1024xf32, #tpu.memory_space<hbm>>
    tpu.wait_indirect_dma semaphore(%arg15 : memref<!tpu.dma_semaphore, #tpu.memory_space<semaphore_mem>>) src(%dma_wait3A_816 : memref<16x1024xf32, #tpu.memory_space<vmem>>) dst(%dma_wait3A_822 : memref<16384x1024xf32, #tpu.memory_space<hbm>>)
    %dma_wait3A_823 = arith.constant 3 : i32
    %dma_wait3A_824 = arith.constant 15 : i32
    %dma_wait3A_825 = arith.constant 0 : i32
    %dma_wait3A_826 = arith.constant 0 : i32
    %dma_wait3A_827 = tpu.memref_slice %arg6[%dma_wait3A_823, %dma_wait3A_825, %dma_wait3A_826] : memref<6x16x1024xf32, #tpu.memory_space<vmem>> -> memref<1x16x1024xf32, #tpu.memory_space<vmem>>
    %dma_wait3A_828 = tpu.memref_squeeze %dma_wait3A_827 : memref<1x16x1024xf32, #tpu.memory_space<vmem>> -> memref<16x1024xf32, #tpu.memory_space<vmem>>
    %dma_wait3A_829 = arith.constant 0 : i32
    %dma_wait3A_830 = tpu.memref_slice %arg5[%dma_wait3A_824, %dma_wait3A_829] : memref<16x16xi32, #tpu.memory_space<vmem>> -> memref<1x16xi32, #tpu.memory_space<vmem>>
    %dma_wait3A_831 = tpu.memref_squeeze %dma_wait3A_830 : memref<1x16xi32, #tpu.memory_space<vmem>> -> memref<16xi32, #tpu.memory_space<vmem>>
    %dma_wait3A_832 = arith.constant 0 : i32
    %dma_wait3A_833 = arith.constant 0 : i32
    %dma_wait3A_834 = tpu.memref_slice %arg4[%dma_wait3A_832, %dma_wait3A_833] : memref<16384x1024xf32, #tpu.memory_space<hbm>> -> memref<16384x1024xf32, #tpu.memory_space<hbm>>
    tpu.wait_indirect_dma semaphore(%arg16 : memref<!tpu.dma_semaphore, #tpu.memory_space<semaphore_mem>>) src(%dma_wait3A_828 : memref<16x1024xf32, #tpu.memory_space<vmem>>) dst(%dma_wait3A_834 : memref<16384x1024xf32, #tpu.memory_space<hbm>>)
    return
  }
}

module attributes {stable_mosaic.version = 14 : i64} {
  func.func @_routing_kernel(%arg0: memref<8192x16xf32, #tpu.memory_space<vmem>>, %arg1: memref<8192x1xi32, #tpu.memory_space<vmem>>, %arg2: memref<32x1xi32, #tpu.memory_space<vmem>>, %arg3: memref<32x1xi32, #tpu.memory_space<vmem>>) attributes {dimension_semantics = [], scalar_prefetch = 0 : i64, scratch_operands = 0 : i64, tpu.core_type = #tpu.core_type<tc>} {
    %get3A = arith.constant 0 : index
    %get3A_0 = arith.constant 0 : index
    %get3A_1 = vector.load %arg0[%get3A, %get3A_0] : memref<8192x16xf32, #tpu.memory_space<vmem>>, vector<8192x16xf32>
    %iota3A = tpu.iota {dimensions = array<i32: 1>} : vector<8192x16xi32>
    %reduce_max3A = arith.constant dense<0xFF800000> : vector<8192xf32>
    %reduce_max3A_2 = vector.multi_reduction <maximumf>, %get3A_1, %reduce_max3A [1] : vector<8192x16xf32> to vector<8192xf32>
    %broadcast_in_dim3A = vector.shape_cast %reduce_max3A_2 : vector<8192xf32> to vector<8192x1xf32>
    %eq3A = vector.broadcast %broadcast_in_dim3A : vector<8192x1xf32> to vector<8192x16xf32>
    %eq3A_3 = arith.cmpf oeq, %get3A_1, %eq3A : vector<8192x16xf32>
    %jit3A = arith.constant 16 : i32
    %broadcast_in_dim3A_4 = vector.broadcast %jit3A : i32 to vector<8192x16xi32>
    %select_n3A = arith.select %eq3A_3, %iota3A, %broadcast_in_dim3A_4 : vector<8192x16xi1>, vector<8192x16xi32>
    %reduce_min3A = arith.constant dense<2147483647> : vector<8192xi32>
    %reduce_min3A_5 = vector.multi_reduction <minsi>, %select_n3A, %reduce_min3A [1] : vector<8192x16xi32> to vector<8192xi32>
    %broadcast_in_dim3A_6 = vector.shape_cast %reduce_min3A_5 : vector<8192xi32> to vector<8192x1xi32>
    %eq3A_7 = vector.broadcast %broadcast_in_dim3A_6 : vector<8192x1xi32> to vector<8192x16xi32>
    %eq3A_8 = arith.cmpi eq, %iota3A, %eq3A_7 : vector<8192x16xi32>
    %convert_element_type3A = arith.extui %eq3A_8 : vector<8192x16xi1> to vector<8192x16xi32>
    %convert_element_type3A_9 = arith.sitofp %convert_element_type3A : vector<8192x16xi32> to vector<8192x16xf32>
    %broadcast_in_dim3A_10 = arith.constant 0.000000e+00 : f32
    %broadcast_in_dim3A_11 = vector.broadcast %broadcast_in_dim3A_10 : f32 to vector<1x16xf32>
    %slice3A = vector.extract_strided_slice %convert_element_type3A_9 {offsets = [0, 0], sizes = [8191, 16], strides = [1, 1]} : vector<8192x16xf32> to vector<8191x16xf32>
    %concatenate3A = tpu.concatenate %broadcast_in_dim3A_11, %slice3A in 0 : vector<1x16xf32>, vector<8191x16xf32> -> vector<8192x16xf32>
    %add3A = arith.addf %convert_element_type3A_9, %concatenate3A : vector<8192x16xf32>
    %broadcast_in_dim3A_12 = arith.constant 0.000000e+00 : f32
    %broadcast_in_dim3A_13 = vector.broadcast %broadcast_in_dim3A_12 : f32 to vector<2x16xf32>
    %slice3A_14 = vector.extract_strided_slice %add3A {offsets = [0, 0], sizes = [8190, 16], strides = [1, 1]} : vector<8192x16xf32> to vector<8190x16xf32>
    %concatenate3A_15 = tpu.concatenate %broadcast_in_dim3A_13, %slice3A_14 in 0 : vector<2x16xf32>, vector<8190x16xf32> -> vector<8192x16xf32>
    %add3A_16 = arith.addf %add3A, %concatenate3A_15 : vector<8192x16xf32>
    %broadcast_in_dim3A_17 = arith.constant 0.000000e+00 : f32
    %broadcast_in_dim3A_18 = vector.broadcast %broadcast_in_dim3A_17 : f32 to vector<4x16xf32>
    %slice3A_19 = vector.extract_strided_slice %add3A_16 {offsets = [0, 0], sizes = [8188, 16], strides = [1, 1]} : vector<8192x16xf32> to vector<8188x16xf32>
    %concatenate3A_20 = tpu.concatenate %broadcast_in_dim3A_18, %slice3A_19 in 0 : vector<4x16xf32>, vector<8188x16xf32> -> vector<8192x16xf32>
    %add3A_21 = arith.addf %add3A_16, %concatenate3A_20 : vector<8192x16xf32>
    %broadcast_in_dim3A_22 = arith.constant 0.000000e+00 : f32
    %broadcast_in_dim3A_23 = vector.broadcast %broadcast_in_dim3A_22 : f32 to vector<8x16xf32>
    %slice3A_24 = vector.extract_strided_slice %add3A_21 {offsets = [0, 0], sizes = [8184, 16], strides = [1, 1]} : vector<8192x16xf32> to vector<8184x16xf32>
    %concatenate3A_25 = tpu.concatenate %broadcast_in_dim3A_23, %slice3A_24 in 0 : vector<8x16xf32>, vector<8184x16xf32> -> vector<8192x16xf32>
    %add3A_26 = arith.addf %add3A_21, %concatenate3A_25 : vector<8192x16xf32>
    %broadcast_in_dim3A_27 = arith.constant 0.000000e+00 : f32
    %broadcast_in_dim3A_28 = vector.broadcast %broadcast_in_dim3A_27 : f32 to vector<16x16xf32>
    %slice3A_29 = vector.extract_strided_slice %add3A_26 {offsets = [0, 0], sizes = [8176, 16], strides = [1, 1]} : vector<8192x16xf32> to vector<8176x16xf32>
    %concatenate3A_30 = tpu.concatenate %broadcast_in_dim3A_28, %slice3A_29 in 0 : vector<16x16xf32>, vector<8176x16xf32> -> vector<8192x16xf32>
    %add3A_31 = arith.addf %add3A_26, %concatenate3A_30 : vector<8192x16xf32>
    %broadcast_in_dim3A_32 = arith.constant 0.000000e+00 : f32
    %broadcast_in_dim3A_33 = vector.broadcast %broadcast_in_dim3A_32 : f32 to vector<32x16xf32>
    %slice3A_34 = vector.extract_strided_slice %add3A_31 {offsets = [0, 0], sizes = [8160, 16], strides = [1, 1]} : vector<8192x16xf32> to vector<8160x16xf32>
    %concatenate3A_35 = tpu.concatenate %broadcast_in_dim3A_33, %slice3A_34 in 0 : vector<32x16xf32>, vector<8160x16xf32> -> vector<8192x16xf32>
    %add3A_36 = arith.addf %add3A_31, %concatenate3A_35 : vector<8192x16xf32>
    %broadcast_in_dim3A_37 = arith.constant 0.000000e+00 : f32
    %broadcast_in_dim3A_38 = vector.broadcast %broadcast_in_dim3A_37 : f32 to vector<64x16xf32>
    %slice3A_39 = vector.extract_strided_slice %add3A_36 {offsets = [0, 0], sizes = [8128, 16], strides = [1, 1]} : vector<8192x16xf32> to vector<8128x16xf32>
    %concatenate3A_40 = tpu.concatenate %broadcast_in_dim3A_38, %slice3A_39 in 0 : vector<64x16xf32>, vector<8128x16xf32> -> vector<8192x16xf32>
    %add3A_41 = arith.addf %add3A_36, %concatenate3A_40 : vector<8192x16xf32>
    %broadcast_in_dim3A_42 = arith.constant 0.000000e+00 : f32
    %broadcast_in_dim3A_43 = vector.broadcast %broadcast_in_dim3A_42 : f32 to vector<128x16xf32>
    %slice3A_44 = vector.extract_strided_slice %add3A_41 {offsets = [0, 0], sizes = [8064, 16], strides = [1, 1]} : vector<8192x16xf32> to vector<8064x16xf32>
    %concatenate3A_45 = tpu.concatenate %broadcast_in_dim3A_43, %slice3A_44 in 0 : vector<128x16xf32>, vector<8064x16xf32> -> vector<8192x16xf32>
    %add3A_46 = arith.addf %add3A_41, %concatenate3A_45 : vector<8192x16xf32>
    %broadcast_in_dim3A_47 = arith.constant 0.000000e+00 : f32
    %broadcast_in_dim3A_48 = vector.broadcast %broadcast_in_dim3A_47 : f32 to vector<256x16xf32>
    %slice3A_49 = vector.extract_strided_slice %add3A_46 {offsets = [0, 0], sizes = [7936, 16], strides = [1, 1]} : vector<8192x16xf32> to vector<7936x16xf32>
    %concatenate3A_50 = tpu.concatenate %broadcast_in_dim3A_48, %slice3A_49 in 0 : vector<256x16xf32>, vector<7936x16xf32> -> vector<8192x16xf32>
    %add3A_51 = arith.addf %add3A_46, %concatenate3A_50 : vector<8192x16xf32>
    %broadcast_in_dim3A_52 = arith.constant 0.000000e+00 : f32
    %broadcast_in_dim3A_53 = vector.broadcast %broadcast_in_dim3A_52 : f32 to vector<512x16xf32>
    %slice3A_54 = vector.extract_strided_slice %add3A_51 {offsets = [0, 0], sizes = [7680, 16], strides = [1, 1]} : vector<8192x16xf32> to vector<7680x16xf32>
    %concatenate3A_55 = tpu.concatenate %broadcast_in_dim3A_53, %slice3A_54 in 0 : vector<512x16xf32>, vector<7680x16xf32> -> vector<8192x16xf32>
    %add3A_56 = arith.addf %add3A_51, %concatenate3A_55 : vector<8192x16xf32>
    %broadcast_in_dim3A_57 = arith.constant 0.000000e+00 : f32
    %broadcast_in_dim3A_58 = vector.broadcast %broadcast_in_dim3A_57 : f32 to vector<1024x16xf32>
    %slice3A_59 = vector.extract_strided_slice %add3A_56 {offsets = [0, 0], sizes = [7168, 16], strides = [1, 1]} : vector<8192x16xf32> to vector<7168x16xf32>
    %concatenate3A_60 = tpu.concatenate %broadcast_in_dim3A_58, %slice3A_59 in 0 : vector<1024x16xf32>, vector<7168x16xf32> -> vector<8192x16xf32>
    %add3A_61 = arith.addf %add3A_56, %concatenate3A_60 : vector<8192x16xf32>
    %broadcast_in_dim3A_62 = arith.constant 0.000000e+00 : f32
    %broadcast_in_dim3A_63 = vector.broadcast %broadcast_in_dim3A_62 : f32 to vector<2048x16xf32>
    %slice3A_64 = vector.extract_strided_slice %add3A_61 {offsets = [0, 0], sizes = [6144, 16], strides = [1, 1]} : vector<8192x16xf32> to vector<6144x16xf32>
    %concatenate3A_65 = tpu.concatenate %broadcast_in_dim3A_63, %slice3A_64 in 0 : vector<2048x16xf32>, vector<6144x16xf32> -> vector<8192x16xf32>
    %add3A_66 = arith.addf %add3A_61, %concatenate3A_65 : vector<8192x16xf32>
    %broadcast_in_dim3A_67 = arith.constant 0.000000e+00 : f32
    %broadcast_in_dim3A_68 = vector.broadcast %broadcast_in_dim3A_67 : f32 to vector<4096x16xf32>
    %slice3A_69 = vector.extract_strided_slice %add3A_66 {offsets = [0, 0], sizes = [4096, 16], strides = [1, 1]} : vector<8192x16xf32> to vector<4096x16xf32>
    %concatenate3A_70 = tpu.concatenate %broadcast_in_dim3A_68, %slice3A_69 in 0 : vector<4096x16xf32>, vector<4096x16xf32> -> vector<8192x16xf32>
    %add3A_71 = arith.addf %add3A_66, %concatenate3A_70 : vector<8192x16xf32>
    %mul3A = arith.mulf %convert_element_type3A_9, %add3A_71 : vector<8192x16xf32>
    %reduce_sum3A = arith.constant dense<0.000000e+00> : vector<8192xf32>
    %reduce_sum3A_72 = vector.multi_reduction <add>, %mul3A, %reduce_sum3A [1] : vector<8192x16xf32> to vector<8192xf32>
    %broadcast_in_dim3A_73 = vector.shape_cast %reduce_sum3A_72 : vector<8192xf32> to vector<8192x1xf32>
    %sub3A = arith.constant 1.000000e+00 : f32
    %sub3A_74 = vector.broadcast %sub3A : f32 to vector<8192x1xf32>
    %sub3A_75 = arith.subf %broadcast_in_dim3A_73, %sub3A_74 : vector<8192x1xf32>
    %slice3A_76 = vector.extract_strided_slice %add3A_71 {offsets = [8191, 0], sizes = [1, 16], strides = [1, 1]} : vector<8192x16xf32> to vector<1x16xf32>
    %convert_element_type3A_77 = arith.fptosi %slice3A_76 : vector<1x16xf32> to vector<1x16xi32>
    %add3A_78 = arith.constant 511 : i32
    %add3A_79 = vector.broadcast %add3A_78 : i32 to vector<1x16xi32>
    %add3A_80 = arith.addi %convert_element_type3A_77, %add3A_79 : vector<1x16xi32>
    %jit3A_81 = arith.constant 512 : i32
    %div3A = vector.broadcast %jit3A_81 : i32 to vector<1x16xi32>
    %div3A_82 = arith.divsi %add3A_80, %div3A : vector<1x16xi32>
    %sign3A = arith.constant 0 : i32
    %sign3A_83 = vector.broadcast %sign3A : i32 to vector<1x16xi32>
    %sign3A_84 = arith.cmpi sgt, %add3A_80, %sign3A_83 : vector<1x16xi32>
    %sign3A_85 = arith.extui %sign3A_84 : vector<1x16xi1> to vector<1x16xi32>
    %sign3A_86 = arith.constant 0 : i32
    %sign3A_87 = vector.broadcast %sign3A_86 : i32 to vector<1x16xi32>
    %sign3A_88 = arith.cmpi slt, %add3A_80, %sign3A_87 : vector<1x16xi32>
    %sign3A_89 = arith.extui %sign3A_88 : vector<1x16xi1> to vector<1x16xi32>
    %sign3A_90 = arith.subi %sign3A_85, %sign3A_89 : vector<1x16xi32>
    %sign3A_91 = arith.constant 0 : i32
    %sign3A_92 = arith.cmpi sgt, %jit3A_81, %sign3A_91 : i32
    %sign3A_93 = arith.extui %sign3A_92 : i1 to i32
    %sign3A_94 = arith.constant 0 : i32
    %sign3A_95 = arith.cmpi slt, %jit3A_81, %sign3A_94 : i32
    %sign3A_96 = arith.extui %sign3A_95 : i1 to i32
    %sign3A_97 = arith.subi %sign3A_93, %sign3A_96 : i32
    %ne3A = vector.broadcast %sign3A_97 : i32 to vector<1x16xi32>
    %ne3A_98 = arith.cmpi ne, %sign3A_90, %ne3A : vector<1x16xi32>
    %rem3A = vector.broadcast %jit3A_81 : i32 to vector<1x16xi32>
    %rem3A_99 = arith.remsi %add3A_80, %rem3A : vector<1x16xi32>
    %ne3A_100 = arith.constant 0 : i32
    %ne3A_101 = vector.broadcast %ne3A_100 : i32 to vector<1x16xi32>
    %ne3A_102 = arith.cmpi ne, %rem3A_99, %ne3A_101 : vector<1x16xi32>
    %and3A = arith.andi %ne3A_98, %ne3A_102 : vector<1x16xi1>
    %sub3A_103 = arith.constant 1 : i32
    %sub3A_104 = vector.broadcast %sub3A_103 : i32 to vector<1x16xi32>
    %sub3A_105 = arith.subi %div3A_82, %sub3A_104 : vector<1x16xi32>
    %select_n3A_106 = arith.select %and3A, %sub3A_105, %div3A_82 : vector<1x16xi1>, vector<1x16xi32>
    %broadcast_in_dim3A_107 = vector.shape_cast %select_n3A_106 : vector<1x16xi32> to vector<1x16xi32>
    %broadcast_in_dim3A_108 = vector.broadcast %broadcast_in_dim3A_107 : vector<1x16xi32> to vector<16x16xi32>
    %iota3A_109 = tpu.iota {dimensions = array<i32: 0>} : vector<16x16xi32>
    %iota3A_110 = tpu.iota {dimensions = array<i32: 1>} : vector<16x16xi32>
    %lt3A = arith.cmpi slt, %iota3A_110, %iota3A_109 : vector<16x16xi32>
    %jit3A_111 = arith.constant 0 : i32
    %broadcast_in_dim3A_112 = vector.broadcast %jit3A_111 : i32 to vector<16x16xi32>
    %select_n3A_113 = arith.select %lt3A, %broadcast_in_dim3A_108, %broadcast_in_dim3A_112 : vector<16x16xi1>, vector<16x16xi32>
    %reduce_sum3A_114 = arith.constant dense<0> : vector<16xi32>
    %reduce_sum3A_115 = vector.multi_reduction <add>, %select_n3A_113, %reduce_sum3A_114 [1] : vector<16x16xi32> to vector<16xi32>
    %broadcast_in_dim3A_116 = vector.shape_cast %reduce_sum3A_115 : vector<16xi32> to vector<16x1xi32>
    %eq3A_117 = arith.cmpi eq, %iota3A_109, %iota3A_110 : vector<16x16xi32>
    %broadcast_in_dim3A_118 = vector.shape_cast %broadcast_in_dim3A_116 : vector<16x1xi32> to vector<16x1xi32>
    %broadcast_in_dim3A_119 = vector.broadcast %broadcast_in_dim3A_118 : vector<16x1xi32> to vector<16x16xi32>
    %jit3A_120 = arith.constant 0 : i32
    %broadcast_in_dim3A_121 = vector.broadcast %jit3A_120 : i32 to vector<16x16xi32>
    %select_n3A_122 = arith.select %eq3A_117, %broadcast_in_dim3A_119, %broadcast_in_dim3A_121 : vector<16x16xi1>, vector<16x16xi32>
    %reduce_sum3A_123 = arith.constant dense<0> : vector<16xi32>
    %reduce_sum3A_124 = vector.multi_reduction <add>, %select_n3A_122, %reduce_sum3A_123 [0] : vector<16x16xi32> to vector<16xi32>
    %broadcast_in_dim3A_125 = vector.shape_cast %reduce_sum3A_124 : vector<16xi32> to vector<1x16xi32>
    %convert_element_type3A_126 = arith.sitofp %broadcast_in_dim3A_125 : vector<1x16xi32> to vector<1x16xf32>
    %mul3A_127 = vector.broadcast %convert_element_type3A_126 : vector<1x16xf32> to vector<8192x16xf32>
    %mul3A_128 = arith.mulf %convert_element_type3A_9, %mul3A_127 : vector<8192x16xf32>
    %reduce_sum3A_129 = arith.constant dense<0.000000e+00> : vector<8192xf32>
    %reduce_sum3A_130 = vector.multi_reduction <add>, %mul3A_128, %reduce_sum3A_129 [1] : vector<8192x16xf32> to vector<8192xf32>
    %broadcast_in_dim3A_131 = vector.shape_cast %reduce_sum3A_130 : vector<8192xf32> to vector<8192x1xf32>
    %mul3A_132 = arith.constant 5.120000e+02 : f32
    %mul3A_133 = vector.broadcast %mul3A_132 : f32 to vector<8192x1xf32>
    %mul3A_134 = arith.mulf %broadcast_in_dim3A_131, %mul3A_133 : vector<8192x1xf32>
    %add3A_135 = arith.addf %mul3A_134, %sub3A_75 : vector<8192x1xf32>
    %convert_element_type3A_136 = arith.fptosi %add3A_135 : vector<8192x1xf32> to vector<8192x1xi32>
    %swap3A = arith.constant 0 : index
    %swap3A_137 = arith.constant 0 : index
    %swap3A_138 = vector.load %arg1[%swap3A, %swap3A_137] : memref<8192x1xi32, #tpu.memory_space<vmem>>, vector<8192x1xi32>
    tpu.vector_store %arg1[%swap3A, %swap3A_137], %convert_element_type3A_136 {strides = array<i32>} : memref<8192x1xi32, #tpu.memory_space<vmem>>, vector<8192x1xi32>,
    %reduce_sum3A_139 = arith.constant dense<0> : vector<1xi32>
    %reduce_sum3A_140 = vector.multi_reduction <add>, %select_n3A_106, %reduce_sum3A_139 [1] : vector<1x16xi32> to vector<1xi32>
    %broadcast_in_dim3A_141 = vector.shape_cast %reduce_sum3A_140 : vector<1xi32> to vector<1x1xi32>
    %iota3A_142 = tpu.iota {dimensions = array<i32: 0>} : vector<32x16xi32>
    %sub3A_143 = arith.constant 1 : i32
    %sub3A_144 = vector.broadcast %sub3A_143 : i32 to vector<1x1xi32>
    %sub3A_145 = arith.subi %broadcast_in_dim3A_141, %sub3A_144 : vector<1x1xi32>
    %min3A = vector.broadcast %sub3A_145 : vector<1x1xi32> to vector<32x16xi32>
    %min3A_146 = arith.minsi %iota3A_142, %min3A : vector<32x16xi32>
    %broadcast_in_dim3A_147 = vector.shape_cast %broadcast_in_dim3A_125 : vector<1x16xi32> to vector<1x16xi32>
    %broadcast_in_dim3A_148 = vector.broadcast %broadcast_in_dim3A_147 : vector<1x16xi32> to vector<32x16xi32>
    %le3A = arith.cmpi sle, %broadcast_in_dim3A_148, %min3A_146 : vector<32x16xi32>
    %jit3A_149 = arith.constant 1 : i32
    %jit3A_150 = arith.constant 0 : i32
    %broadcast_in_dim3A_151 = vector.broadcast %jit3A_149 : i32 to vector<32x16xi32>
    %broadcast_in_dim3A_152 = vector.broadcast %jit3A_150 : i32 to vector<32x16xi32>
    %select_n3A_153 = arith.select %le3A, %broadcast_in_dim3A_151, %broadcast_in_dim3A_152 : vector<32x16xi1>, vector<32x16xi32>
    %reduce_sum3A_154 = arith.constant dense<0> : vector<32xi32>
    %reduce_sum3A_155 = vector.multi_reduction <add>, %select_n3A_153, %reduce_sum3A_154 [1] : vector<32x16xi32> to vector<32xi32>
    %broadcast_in_dim3A_156 = vector.shape_cast %reduce_sum3A_155 : vector<32xi32> to vector<32x1xi32>
    %sub3A_157 = arith.constant 1 : i32
    %sub3A_158 = vector.broadcast %sub3A_157 : i32 to vector<32x1xi32>
    %sub3A_159 = arith.subi %broadcast_in_dim3A_156, %sub3A_158 : vector<32x1xi32>
    %swap3A_160 = arith.constant 0 : index
    %swap3A_161 = arith.constant 0 : index
    %swap3A_162 = vector.load %arg2[%swap3A_160, %swap3A_161] : memref<32x1xi32, #tpu.memory_space<vmem>>, vector<32x1xi32>
    tpu.vector_store %arg2[%swap3A_160, %swap3A_161], %sub3A_159 {strides = array<i32>} : memref<32x1xi32, #tpu.memory_space<vmem>>, vector<32x1xi32>,
    %iota3A_163 = tpu.iota {dimensions = array<i32: 0>} : vector<32x1xi32>
    %lt3A_164 = vector.broadcast %broadcast_in_dim3A_141 : vector<1x1xi32> to vector<32x1xi32>
    %lt3A_165 = arith.cmpi slt, %iota3A_163, %lt3A_164 : vector<32x1xi32>
    %convert_element_type3A_166 = arith.extui %lt3A_165 : vector<32x1xi1> to vector<32x1xi32>
    %swap3A_167 = arith.constant 0 : index
    %swap3A_168 = arith.constant 0 : index
    %swap3A_169 = vector.load %arg3[%swap3A_167, %swap3A_168] : memref<32x1xi32, #tpu.memory_space<vmem>>, vector<32x1xi32>
    tpu.vector_store %arg3[%swap3A_167, %swap3A_168], %convert_element_type3A_166 {strides = array<i32>} : memref<32x1xi32, #tpu.memory_space<vmem>>, vector<32x1xi32>,
    return
  }
}

module attributes {stable_mosaic.version = 14 : i64} {
  func.func @_mlp_kernel(%arg0: i32, %arg1: memref<32xi32, #tpu.memory_space<smem>>, %arg2: memref<32xi32, #tpu.memory_space<smem>>, %arg3: memref<512x1024xf32, #tpu.memory_space<vmem>>, %arg4: memref<1x1024x2048xf32, #tpu.memory_space<vmem>>, %arg5: memref<1x1x2048xf32, #tpu.memory_space<vmem>>, %arg6: memref<1x2048x16xf32, #tpu.memory_space<vmem>>, %arg7: memref<1x1x16xf32, #tpu.memory_space<vmem>>, %arg8: memref<512x128xf32, #tpu.memory_space<vmem>>) attributes {dimension_semantics = [#tpu.dimension_semantics<arbitrary>], iteration_bounds = array<i64: 32>, scalar_prefetch = 2 : i64, scratch_operands = 0 : i64, tpu.core_type = #tpu.core_type<tc>, window_params = [{transform_indices = @transform_0, window_bounds = array<i64: 512, 1024>}, {transform_indices = @transform_1, window_bounds = array<i64: 1, 1024, 2048>}, {transform_indices = @transform_2, window_bounds = array<i64: 1, 1, 2048>}, {transform_indices = @transform_3, window_bounds = array<i64: 1, 2048, 16>}, {transform_indices = @transform_4, window_bounds = array<i64: 1, 1, 16>}, {transform_indices = @transform_5, window_bounds = array<i64: 512, 128>}]} {
    %get3A = arith.index_cast %arg0 : i32 to index
    %get3A_0 = memref.load %arg2[%get3A] : memref<32xi32, #tpu.memory_space<smem>>
    %eq3A = arith.constant 1 : i32
    %eq3A_1 = arith.cmpi eq, %get3A_0, %eq3A : i32
    %convert_element_type3A = arith.extui %eq3A_1 : i1 to i32
    %cond3A = arith.constant 0 : i32
    %cond3A_2 = arith.cmpi ne, %convert_element_type3A, %cond3A : i32
    scf.if %cond3A_2 {
      %get3A_3 = arith.constant 0 : index
      %get3A_4 = arith.constant 0 : index
      %get3A_5 = vector.load %arg3[%get3A_3, %get3A_4] : memref<512x1024xf32, #tpu.memory_space<vmem>>, vector<512x1024xf32>
      %get3A_6 = arith.constant 0 : index
      %get3A_7 = arith.constant 0 : index
      %get3A_8 = arith.constant 0 : index
      %get3A_9 = vector.load %arg4[%get3A_6, %get3A_7, %get3A_8] : memref<1x1024x2048xf32, #tpu.memory_space<vmem>>, vector<1x1024x2048xf32>
      %get3A_10 = vector.shape_cast %get3A_9 : vector<1x1024x2048xf32> to vector<1024x2048xf32>
      %dot_general3A = arith.constant dense<0.000000e+00> : vector<512x2048xf32>
      %dot_general3A_11 = tpu.matmul %get3A_5, %get3A_10, %dot_general3A {dimension_numbers = #tpu.dot_dimension_numbers<[1], [0], [0], [1], [0, 0, 1, 1], [], []>, transpose_lhs_hint = false} : vector<512x1024xf32>, vector<1024x2048xf32>, vector<512x2048xf32> -> vector<512x2048xf32>
      %get3A_12 = arith.constant 0 : index
      %get3A_13 = arith.constant 0 : index
      %get3A_14 = arith.constant 0 : index
      %get3A_15 = vector.load %arg5[%get3A_12, %get3A_13, %get3A_14] : memref<1x1x2048xf32, #tpu.memory_space<vmem>>, vector<1x1x2048xf32>
      %get3A_16 = vector.shape_cast %get3A_15 : vector<1x1x2048xf32> to vector<1x2048xf32>
      %add3A = vector.broadcast %get3A_16 : vector<1x2048xf32> to vector<512x2048xf32>
      %add3A_17 = arith.addf %dot_general3A_11, %add3A : vector<512x2048xf32>
      %max3A = arith.constant 0.000000e+00 : f32
      %max3A_18 = vector.broadcast %max3A : f32 to vector<512x2048xf32>
      %max3A_19 = arith.maximumf %add3A_17, %max3A_18 : vector<512x2048xf32>
      %get3A_20 = arith.constant 0 : index
      %get3A_21 = arith.constant 0 : index
      %get3A_22 = arith.constant 0 : index
      %get3A_23 = vector.load %arg6[%get3A_20, %get3A_21, %get3A_22] : memref<1x2048x16xf32, #tpu.memory_space<vmem>>, vector<1x2048x16xf32>
      %get3A_24 = vector.shape_cast %get3A_23 : vector<1x2048x16xf32> to vector<2048x16xf32>
      %dot_general3A_25 = arith.constant dense<0.000000e+00> : vector<512x16xf32>
      %dot_general3A_26 = tpu.matmul %max3A_19, %get3A_24, %dot_general3A_25 {dimension_numbers = #tpu.dot_dimension_numbers<[1], [0], [0], [1], [0, 0, 1, 1], [], []>, transpose_lhs_hint = false} : vector<512x2048xf32>, vector<2048x16xf32>, vector<512x16xf32> -> vector<512x16xf32>
      %get3A_27 = arith.constant 0 : index
      %get3A_28 = arith.constant 0 : index
      %get3A_29 = arith.constant 0 : index
      %get3A_30 = vector.load %arg7[%get3A_27, %get3A_28, %get3A_29] : memref<1x1x16xf32, #tpu.memory_space<vmem>>, vector<1x1x16xf32>
      %get3A_31 = vector.shape_cast %get3A_30 : vector<1x1x16xf32> to vector<1x16xf32>
      %add3A_32 = vector.broadcast %get3A_31 : vector<1x16xf32> to vector<512x16xf32>
      %add3A_33 = arith.addf %dot_general3A_26, %add3A_32 : vector<512x16xf32>
      %swap3A = arith.constant 0 : index
      %swap3A_34 = arith.constant 0 : index
      %swap3A_35 = vector.load %arg8[%swap3A, %swap3A_34] : memref<512x128xf32, #tpu.memory_space<vmem>>, vector<512x16xf32>
      tpu.vector_store %arg8[%swap3A, %swap3A_34], %add3A_33 {strides = array<i32>} : memref<512x128xf32, #tpu.memory_space<vmem>>, vector<512x16xf32>,
    } else {
    }
    return
  }
  func.func @transform_0(%arg0: i32, %arg1: memref<32xi32, #tpu.memory_space<smem>>, %arg2: memref<32xi32, #tpu.memory_space<smem>>) -> (i32, i32) {
    %get3A = arith.index_cast %arg0 : i32 to index
    %get3A_0 = memref.load %arg2[%get3A] : memref<32xi32, #tpu.memory_space<smem>>
    %mul3A = arith.muli %arg0, %get3A_0 : i32
    %c0_i32 = arith.constant 0 : i32
    %c0_i32_1 = arith.constant 0 : i32
    return %mul3A, %c0_i32 : i32, i32
  }
  func.func @transform_1(%arg0: i32, %arg1: memref<32xi32, #tpu.memory_space<smem>>, %arg2: memref<32xi32, #tpu.memory_space<smem>>) -> (i32, i32, i32) {
    %get3A = arith.index_cast %arg0 : i32 to index
    %get3A_0 = memref.load %arg1[%get3A] : memref<32xi32, #tpu.memory_space<smem>>
    %c0_i32 = arith.constant 0 : i32
    %c0_i32_1 = arith.constant 0 : i32
    %c0_i32_2 = arith.constant 0 : i32
    return %get3A_0, %c0_i32, %c0_i32_1 : i32, i32, i32
  }
  func.func @transform_2(%arg0: i32, %arg1: memref<32xi32, #tpu.memory_space<smem>>, %arg2: memref<32xi32, #tpu.memory_space<smem>>) -> (i32, i32, i32) {
    %get3A = arith.index_cast %arg0 : i32 to index
    %get3A_0 = memref.load %arg1[%get3A] : memref<32xi32, #tpu.memory_space<smem>>
    %c0_i32 = arith.constant 0 : i32
    %c0_i32_1 = arith.constant 0 : i32
    %c0_i32_2 = arith.constant 0 : i32
    return %get3A_0, %c0_i32, %c0_i32_1 : i32, i32, i32
  }
  func.func @transform_3(%arg0: i32, %arg1: memref<32xi32, #tpu.memory_space<smem>>, %arg2: memref<32xi32, #tpu.memory_space<smem>>) -> (i32, i32, i32) {
    %get3A = arith.index_cast %arg0 : i32 to index
    %get3A_0 = memref.load %arg1[%get3A] : memref<32xi32, #tpu.memory_space<smem>>
    %c0_i32 = arith.constant 0 : i32
    %c0_i32_1 = arith.constant 0 : i32
    %c0_i32_2 = arith.constant 0 : i32
    return %get3A_0, %c0_i32, %c0_i32_1 : i32, i32, i32
  }
  func.func @transform_4(%arg0: i32, %arg1: memref<32xi32, #tpu.memory_space<smem>>, %arg2: memref<32xi32, #tpu.memory_space<smem>>) -> (i32, i32, i32) {
    %get3A = arith.index_cast %arg0 : i32 to index
    %get3A_0 = memref.load %arg1[%get3A] : memref<32xi32, #tpu.memory_space<smem>>
    %c0_i32 = arith.constant 0 : i32
    %c0_i32_1 = arith.constant 0 : i32
    %c0_i32_2 = arith.constant 0 : i32
    return %get3A_0, %c0_i32, %c0_i32_1 : i32, i32, i32
  }
  func.func @transform_5(%arg0: i32, %arg1: memref<32xi32, #tpu.memory_space<smem>>, %arg2: memref<32xi32, #tpu.memory_space<smem>>) -> (i32, i32) {
    %c0_i32 = arith.constant 0 : i32
    %c0_i32_0 = arith.constant 0 : i32
    return %arg0, %c0_i32 : i32, i32
  }
}

</mosaic_0001>

<sc_bundles>
// kernel: kernel.6.cloned.1.call-start
scs
__scs_entry_jumppad:
0x0: {  	(pc) =	sbr.rel $0x88, $3  }
0x1: {  	(tag) =	ssettag $0x0;
	lr =	simm.s32 $0x1  }
0x2: {  	[smem:$0x3F9B] =	sst lr;
	_ =	strace $0xD0000000  }
0x3: {  	_ = 	snop  }
0x4: {  	_ = 	snop  }
0x5: {  	_ = 	snop  }
0x6: {  	_ = 	snop  }
0x7: {  	_ = 	snop  }
__scs_overlays_trampoline_lowered:
0x8: {  	[smem:$0x3FAA] =	sst s0  }
0x9: {  	[smem:$0x3FAB] =	sst s1  }
0xa: {  	[smem:$0x3FAC] =	sst s2  }
0xb: {  	[smem:$0x3FAD] =	sst s3  }
0xc: {  	[smem:$0x3FAE] =	sst s4  }
0xd: {  	[smem:$0x3FAF] =	sst s5  }
0xe: {  	[smem:$0x3FB0] =	sst s6  }
0xf: {  	[smem:$0x3FB1] =	sst s7  }
0x10: {  	[smem:$0x3FB2] =	sst s8  }
0x11: {  	[smem:$0x3FB3] =	sst s9;
	s0 =	simm.s32 @!p0 $0x0  }
0x12: {  	s1 =	sld [smem:$0x3F99];
	s0 =	simm.s32 @p0 $0x1  }
0x13: {  	[smem:$0x3FB4] =	sst s0;
	s0 =	simm.s32 @!p1 $0x0  }
0x14: {  	s2 =	sld [smem:$0x3F98];
	s0 =	simm.s32 @p1 $0x1  }
0x15: {  	[smem:$0x3FB5] =	sst s0;
	s0 =	simm.s32 @!p2 $0x0  }
0x16: {  	s3 =	sld [smem:$0x3FDB];
	s0 =	simm.s32 @p2 $0x1  }
0x17: {  	s4 =	simm.s32 $0x1BF5;
	[smem:$0x3FB7] =	sst s0  }
0x18: {  	s0 =	sld [smem:$0x3F9A];
	_ =	swait.ge [sflag:s4], $0x0  }
0x19: {  	s7 =	sld [smem:$0x3F9B]  }
0x1a: {  	s8 =	sadd.s32 $0xFFFFE003, lr  }
0x1b: {  	s9 =	sadd.s32 $0xFFFFFEF7, lr;
	s5 =	simm.s32 $0xFFFFFFFF;
	p2 =	slt.u32 s8, $0xFFFFF086  }
0x1c: {  	p1 =	slt.u32 s9, $0xF7A;
	s5 =	simm.s32 @!p2 $0x0  }
0x1d: {  	s5 =	simm.s32 @p1 $0x1;
	p0 =	seq.s32 s7, s2  }
0x1e: {  	s7 =	smul.u32 @!p0 $0xF7A, s2;
	p2 =	seq.s32 @!p0 s5, $0x0  }
0x1f: {  	s9 =	smul.u32 $0xF7A, s1;
	s8 =	simm.s32 @!p0 $0x1BF5;
	p2 =	por !p2, p0  }
0x20: {  	[sflag:s8] =	ssyncset.s32 @!p0 $0xFFFFF086;
	s6 =	sadd.s32 @!p0 s3, s7;
	s7 =	simm.s32 @!p0 $0x108  }
0x21: {  	s3 =	sadd.s32 s3, s9;
	s6 =	sadd.s32 @!p0 $0x88, s6;
	s7 =	simm.s32 @p2 $0x1082  }
0x22: {  	[simem:s7], [sflag:s8] =	dma.local @!p0 [hbm:s6], $0xF7A  }
0x23: {  	s9 =	sor.u32 $0xD0000000, s2;
	s6 =	simm.s32 $0x108;
	_ =	swait.ge @!p0 [sflag:s8], $0x0  }
0x24: {  	s3 =	sadd.s32 $0x88, s3;
	s6 =	simm.s32 @!p1 $0x1082;
	[sflag:s4] =	ssyncset.s32 $0xFFFFF086  }
0x25: {  	[simem:s6], [sflag:s4] =	dma.local [hbm:s3], $0xF7A  }
0x26: {  	[smem:$0x3F9B] =	sst s1;
	(tag) =	ssettag s2;
	_ =	strace s9  }
0x27: {  	s1 =	sld [smem:$0x3FAB]  }
0x28: {  	s2 =	sld [smem:$0x3FAC]  }
0x29: {  	s4 =	sld [smem:$0x3FAE]  }
0x2a: {  	p0 =	seq.s32 s5, $0x0;
	s5 =	sld [smem:$0x3FAF]  }
0x2b: {  	s6 =	sld [smem:$0x3FB0]  }
0x2c: {  	s7 =	sld [smem:$0x3FB1]  }
0x2d: {  	s3 =	simm.s32 $0x108;
	s8 =	sld [smem:$0x3FB2]  }
0x2e: {  	s3 =	simm.s32 @!p0 $0x1082;
	s9 =	sld [smem:$0x3FB3]  }
0x2f: {  	lr =	sadd.s32 s0, s3;
	s0 =	sld [smem:$0x3FAA]  }
0x30: {  	s3 =	sld [smem:$0x3FAD]  }
0x31: {  	[smem:$0x3FB6] =	sst s10  }
0x32: {  	s10 =	sld [smem:$0x3FB4];
	_ =	sdelay $0x3  }
0x33: {  	p0 =	seq.s32 s10, $0x1;
	s10 =	sld [smem:$0x3FB6];
	_ =	sdelay $0x3  }
0x34: {  	[smem:$0x3FB6] =	sst s10  }
0x35: {  	s10 =	sld [smem:$0x3FB5];
	_ =	sdelay $0x3  }
0x36: {  	p1 =	seq.s32 s10, $0x1;
	s10 =	sld [smem:$0x3FB6];
	_ =	sdelay $0x3  }
0x37: {  	[smem:$0x3FB6] =	sst s10  }
0x38: {  	s10 =	sld [smem:$0x3FB7]  }
0x39: {  	_ = 	snop;
	(pc) =	sbr.ind lr, $3  }
0x3a: {  	_ = 	snop  }
0x3b: {  	_ = 	snop  }
0x3c: {  	p2 =	seq.s32 s10, $0x1;
	s10 =	sld [smem:$0x3FB6]  }
0x3d: {  	_ =	shalt  }
0x3e: {  	_ =	shalt  }
0x3f: {  	_ =	shalt  }
0x40: {  	_ =	shalt  }
0x41: {  	_ =	shalt  }
0x42: {  	_ =	shalt  }
0x43: {  	_ =	shalt  }
0x44: {  	_ =	shalt  }
0x45: {  	_ =	shalt  }
0x46: {  	_ =	shalt  }
0x47: {  	_ =	shalt  }
0x48: {  	_ =	shalt  }
0x49: {  	_ =	shalt  }
0x4a: {  	_ =	shalt  }
0x4b: {  	_ =	shalt  }
0x4c: {  	_ =	shalt  }
0x4d: {  	_ =	shalt  }
0x4e: {  	_ =	shalt  }
0x4f: {  	_ =	shalt  }
0x50: {  	_ =	shalt  }
0x51: {  	_ =	shalt  }
0x52: {  	_ =	shalt  }
0x53: {  	_ =	shalt  }
0x54: {  	_ =	shalt  }
0x55: {  	_ =	shalt  }
0x56: {  	_ =	shalt  }
0x57: {  	_ =	shalt  }
0x58: {  	_ =	shalt  }
0x59: {  	_ =	shalt  }
0x5a: {  	_ =	shalt  }
0x5b: {  	_ =	shalt  }
0x5c: {  	_ =	shalt  }
0x5d: {  	_ =	shalt  }
0x5e: {  	_ =	shalt  }
0x5f: {  	_ =	shalt  }
0x60: {  	_ =	shalt  }
0x61: {  	_ =	shalt  }
0x62: {  	_ =	shalt  }
0x63: {  	_ =	shalt  }
0x64: {  	_ =	shalt  }
0x65: {  	_ =	shalt  }
0x66: {  	_ =	shalt  }
0x67: {  	_ =	shalt  }
0x68: {  	_ =	shalt  }
0x69: {  	_ =	shalt  }
0x6a: {  	_ =	shalt  }
0x6b: {  	_ =	shalt  }
0x6c: {  	_ =	shalt  }
0x6d: {  	_ =	shalt  }
0x6e: {  	_ =	shalt  }
0x6f: {  	_ =	shalt  }
0x70: {  	_ =	shalt  }
0x71: {  	_ =	shalt  }
0x72: {  	_ =	shalt  }
0x73: {  	_ =	shalt  }
0x74: {  	_ =	shalt  }
0x75: {  	_ =	shalt  }
0x76: {  	_ =	shalt  }
0x77: {  	_ =	shalt  }
0x78: {  	_ =	shalt  }
0x79: {  	_ =	shalt  }
0x7a: {  	_ =	shalt  }
0x7b: {  	_ =	shalt  }
0x7c: {  	_ =	shalt  }
0x7d: {  	_ =	shalt  }
0x7e: {  	_ =	shalt  }
0x7f: {  	_ =	shalt  }
0x80: {  	_ =	shalt  }
0x81: {  	_ =	shalt  }
0x82: {  	_ =	shalt  }
0x83: {  	_ =	shalt  }
0x84: {  	_ =	shalt  }
0x85: {  	_ =	shalt  }
0x86: {  	_ =	shalt  }
0x87: {  	_ =	shalt  }
.Lfunc_end0:
.L_simem_size_0:
called_computation_lowered:
.L_overlay_start_0:
0x88: {  	s2 =	sld [smem:$0x3FD9]  }
0x89: {  	s3 =	sld [smem:$0x3FFE];
	_ =	sdelay $0x1  }
0x8a: {  	s1 =	srdreg.scid  }
0x8b: {  	s0 =	sand.u32 $0x1, s1  }
0x8c: {  	s17 =	sshll.u32 s0, $0xA;
	s2 =	sadd.s32 s3, s2  }
0x8d: {  	s2 =	sadd.s32 s2, s17  }
0x8e: {  	[smem:$0x3FC2] =	sst s2  }
0x8f: {  	_ = 	snop  }
0x90: {  	s2 =	sld [smem:$0x3FC9]  }
0x91: {  	s18 =	sld [smem:$0x3FD0];
	(tm) =	ssettm $0x1  }
0x92: {  	s4 =	sld [smem:$0x3FFB];
	_ =	sdelay $0x3  }
0x93: {  	_ =	strace s4  }
0x94: {  	s4 =	sld [smem:$0x3FFC];
	_ =	sdelay $0x3  }
0x95: {  	_ =	strace s4  }
0x96: {  	s4 =	sld [smem:$0x3FFD];
	_ =	sdelay $0x3  }
0x97: {  	_ =	strace s4  }
0x98: {  	_ =	strace $0x8FFFFFFF  }
0x99: {  	s19 =	sld [smem:$0x3FDB];
	_ =	sdelay $0x1  }
0x9a: {  	s5 =	simm.s32 $_scs_section_size  }
0x9b: {  	s6 =	simm.s32 $_size__tile_overlayer_lowered;
	s7 =	simm.s32 $_tile_overlayer_lowered  }
0x9c: {  	s22 =	simm.s32 $0x1BFF;
	s21 =	sshll.u32 s7, $0x1;
	s4 =	sadd.s32 s5, s19  }
0x9d: {  	s8 =	simm.s32 $0x0;
	s20 =	sshll.u32 s6, $0x1;
	s6 =	sadd.s32 s21, s4  }
0x9e: {  	[timem:s8], [sflag:s22] =	dma.local [hbm:s6], s20  }
0x9f: {  	_ =	swait.ge [sflag:s22], s20  }
0xa0: {  	s5 =	ssub.s32 $0x0, s20;
	[sflag:s22] =	ssyncset.done $0x0  }
0xa1: {  	[sflag:s22] =	ssyncadd.s32 s5;
	_ =	sdelay $0x1  }
0xa2: {  	s23 =	simm.s32 $0x1B8B  }
0xa3: {  	_ =	swait.ge [sflag:s23], $0x1  }
0xa4: {  	[sflag:s23] =	ssyncset.done $0x0  }
0xa5: {  	s25 =	simm.s32 $0x1B8E;
	s24 =	sld [smem:$0x3FFE];
	[sflag:s23] =	ssyncadd.s32 $0xFFFFFFFF  }
0xa6: {  	s26 =	simm.s32 $execute0_lowered;
	[smem:$0x3FD2] =	sst s25  }
0xa7: {  	s6 =	sshll.u32 s26, $0x1;
	_ =	strace $0x80000046;
	[dreg:$0x1] =	wrdreg $0xFFFFFFFF  }
0xa8: {  	s28 =	simm.s32 $_size_execute0_lowered;
	s4 =	sadd.s32 s4, s6;
	[dreg:$0x0] =	wrdreg $0x0  }
0xa9: {  	s6 =	sshll.u32 s28, $0x1;
	[dreg:$0x2] =	wrdreg s4  }
0xaa: {  	[dreg:$0x3] =	wrdreg s6  }
0xab: {  	[dreg:$0x4] =	wrdreg $0xC0  }
0xac: {  	_ =	task [dreg:s8], $0x5FFFF  }
0xad: {  	[dreg:$0x1] =	wrdreg $0xFFFFFFFF  }
0xae: {  	[dreg:$0x0] =	wrdreg $0x60  }
0xaf: {  	[dreg:$0x2] =	wrdreg s2  }
0xb0: {  	[dreg:$0x3] =	wrdreg s18  }
0xb1: {  	[dreg:$0x4] =	wrdreg s24  }
0xb2: {  	[dreg:$0x5] =	wrdreg $0x9  }
0xb3: {  	_ =	task.clear_ibuf [dreg:s8], $0x6FFFF;
	_ =	strace $0x90000046  }
0xb4: {  	s29 =	simm.s32 $0x9;
	_ =	strace $0x80000048  }
0xb5: {  	_ =	swait.ge [sflag:s29], $0x1  }
0xb6: {  	[sflag:s29] =	ssyncadd.s32 $0xFFFFFFFF  }
0xb7: {  	_ =	strace $0x90000048  }
0xb8: {  	_ =	sfence  }
0xb9: {  	s30 =	sld [smem:$0x0];
	_ =	sdelay $0x2  }
0xba: {  	s31 =	sshll.u32 s1, $0xD;
	s1 =	sshrl.u32 s1, $0x2  }
0xbb: {  	s3 =	sand.u32 $0x4000, s31;
	s1 =	sadd.s32 s1, s30  }
0xbc: {  	s0 =	sor.u32 s3, s0;
	s1 =	sshll.u32 s1, $0x11  }
0xbd: {  	s0 =	sor.u32 s1, s0  }
0xbe: {  	s0 =	sadd.s32 $0x8F2B, s0  }
0xbf: {  	[sflag:s0] =	ssyncadd.remote.s32 $0x1  }
0xc0: {  	_ =	sfence.sel $0xFFFF  }
0xc1: {  	[dreg:$0x0] =	wrdreg $0xFFFFFFFF;
	(pc) =	sbr.abs _section_cstart, $3  }
0xc2: {  	[dreg:$0x1] =	wrdreg $0xFFFFFFFF  }
0xc3: {  	_ =	task.clear_ibuf [dreg:s8], $0x2FFFF;
	_ =	strace $0x9FFFFFFF  }
0xc4: {  	(tm) =	ssettm $0x7FFFFFFF  }
0xc5: {  	_ =	shalt  }
tec
execute0_lowered:
.L_overlay_start_1:
0x0: {  	(tag) =	ssettag $0x1  }
0x1: {  	s2 =	srdreg.scid;
	s4 =	stileid.u32  }
0x2: {  	s0 =	rddreg [dreg:$0x0];
	s5 =	sand.u32 $0x1, s2;
	s4 =	sshll.u32 s4, $0x1  }
0x3: {  	s1 =	rddreg [dreg:$0x1];
	s4 =	sor.u32 s5, s4  }
0x4: {  	s3 =	rddreg [dreg:$0x2];
	s2 =	simm.s32 $0x0;
	s6 =	sshll.u32 s4, $0x8  }
0x5: {  	[smem:$0x7FF] =	sst s2;
	s4 =	sshll.u32 s4, $0xF;
	s1 =	sadd.s32 s1, s6  }
0x6: {  	_ =	strace $0x80000047;
	s8 =	sadd.s32 s0, s4;
	[dreg:$0x4] =	wrdreg s1  }
0x7: {  	s0 =	sadd.s32 $0x800, s8;
	[dreg:$0x14] =	wrdreg s8  }
0x8: {  	s13 =	sadd.s32 $0x1000, s8;
	[dreg:$0x5] =	wrdreg s0  }
0x9: {  	s11 =	simm.s32 $0x800;
	s14 =	sadd.s32 $0x1800, s8;
	[dreg:$0x6] =	wrdreg s13  }
0xa: {  	s12 =	simm.s32 $0x4800;
	s15 =	sadd.s32 $0x2000, s8;
	[dreg:$0x7] =	wrdreg s14  }
0xb: {  	s29 =	simm.s32 $0x12800;
	s16 =	sadd.s32 $0x2800, s8;
	[dreg:$0x8] =	wrdreg s15  }
0xc: {  	s30 =	simm.s32 $0x13000;
	s17 =	sadd.s32 $0x3000, s8;
	[dreg:$0x9] =	wrdreg s16  }
0xd: {  	s31 =	simm.s32 $0x13800;
	s18 =	sadd.s32 $0x3800, s8;
	[dreg:$0xa] =	wrdreg s17  }
0xe: {  	s7 =	sadd.s32 $0xB00, s3;
	s19 =	sadd.s32 $0x4000, s8;
	[dreg:$0xb] =	wrdreg s18  }
0xf: {  	s21 =	ssub.s32 $0x2, s5;
	s20 =	sadd.s32 $0x4800, s8;
	[dreg:$0xc] =	wrdreg s19  }
0x10: {  	s5 =	sshrl.u32 s21, $0x1;
	s22 =	sadd.s32 $0x5000, s8;
	[dreg:$0xd] =	wrdreg s20  }
0x11: {  	s4 =	sadd.s32 $0x800, s3;
	s23 =	sadd.s32 $0x5800, s8;
	[dreg:$0xe] =	wrdreg s22  }
0x12: {  	s6 =	sadd.s32 $0xA00, s3;
	s24 =	sadd.s32 $0x6000, s8;
	[dreg:$0xf] =	wrdreg s23  }
0x13: {  	s1 =	ssub.s32 s21, s5;
	s25 =	sadd.s32 $0x6800, s8;
	[dreg:$0x10] =	wrdreg s24  }
0x14: {  	s5 =	sadd.s32 $0x900, s3;
	s26 =	sadd.s32 $0x7000, s8;
	[dreg:$0x11] =	wrdreg s25  }
0x15: {  	s28 =	sadd.s32 $0x7800, s8;
	s3 =	simm.s32 $0x3;
	[dreg:$0x12] =	wrdreg s26  }
0x16: {  	s21 =	simm.s32 $0x6;
	[dreg:$0x13] =	wrdreg s28;
	s8 =	smax.u32 s1, $0x1  }
0x17: {  	s14 =	simm.s32 $0x1;
	s24 =	simm.s32 $0x2;
	s0 =	simm.s32 $0x7  }
0x18: {  	v2 =	vlaneseq.u32;
	s22 =	simm.s32 $0x8;
	s25 =	simm.s32 $0x4;
	s16 =	simm.s32 $0x9  }
0x19: {  	vm0 =	vmmov $0xffff;
	v1 =	vshrl.u32 v2, $0x3;
	s18 =	simm.s32 $0xA;
	s13 =	simm.s32 $0x8800;
	s23 =	simm.s32 $0x10800  }
0x1a: {  	v0 =	vand.u32 $0x7, v2;
	v2 =	vor.u32 $0x8, v2;
	v1 =	vmul.u32 $0x8, v1;
	s17 =	simm.s32 $0x12000;
	s20 =	simm.s32 $0x14000;
	s15 =	simm.s32 $0xB  }
.LBB2_1:
0x1b: {  	s26 =	rddreg [dreg:$0x4];
	s28 =	simm.s32 $0xD  }
0x1c: {  	[tilespmem:s2], [sflag:$0xD] =	stream.linear.gather [hbm4b:s26+s2], $0x800, $0x38;
	[tilespmem:$0x18800] =	vst v63  }
0x1d: {  	_ =	swait.ge [sflag:s28], $0x800  }
0x1e: {  	[sflag:s28] =	ssyncset.done $0x0  }
0x1f: {  	[sflag:s28] =	ssyncadd.s32 $0xFFFFF800;
	s28 =	rddreg [dreg:$0x14]  }
0x20: {  	[tilespmem:s11], [sflag:$0x1] =	stream.linear.gather [hbm4b:s28+s2], $0x4000, $0x38;
	[tilespmem:$0x18800] =	vst v63  }
0x21: {  	s1 =	rddreg [dreg:$0x5]  }
0x22: {  	[tilespmem:s12], [sflag:$0x2] =	stream.linear.gather [hbm4b:s1+s2], $0x4000, $0x38;
	[tilespmem:$0x18800] =	vst v63  }
0x23: {  	s9 =	rddreg [dreg:$0x6]  }
0x24: {  	[tilespmem:s13], [sflag:$0x3] =	stream.linear.gather [hbm4b:s9+s2], $0x4000, $0x38;
	[tilespmem:$0x18800] =	vst v63  }
0x25: {  	s10 =	rddreg [dreg:$0x7];
	s1 =	simm.s32 $0xC800  }
0x26: {  	[tilespmem:s1], [sflag:$0x4] =	stream.linear.gather [hbm4b:s10+s2], $0x4000, $0x38;
	[tilespmem:$0x18800] =	vst v63  }
0x27: {  	s19 =	rddreg [dreg:$0x8]  }
0x28: {  	[tilespmem:s23], [sflag:$0x5] =	stream.linear.gather [hbm4b:s19+s2], $0x4000, $0x38;
	[tilespmem:$0x18800] =	vst v63  }
0x29: {  	_ =	swait.ge [sflag:s14], $0x4000  }
0x2a: {  	[sflag:s14] =	ssyncset.done $0x0  }
0x2b: {  	[sflag:s14] =	ssyncadd.s32 $0xFFFFC000  }
0x2c: {  	v3 =	vld [tilespmem:$0x0];
	_ =	sdelay $0x4  }
0x2d: {  	v4 =	vshll.u32 v3, $0x3  }
0x2e: {  	v3 =	vand.u32 $0x7, v3;
	v4 =	vand.u32 $0xFFFFFFC0, v4  }
0x2f: {  	v3 =	vor.u32 v3, v4  }
0x30: {  	v4 =	vperm.xlane v3, v0;
	_ =	sdelay $0x1  }
0x31: {  	v4 =	vadd.s32 v1, v4;
	_ =	sdelay $0x4  }
0x32: {  	[hbm4b:s4+s2] =	stream.indirect_vreg.scatter [tilespmem:s11], [sflag:$0x7], $0x80, v4, vm0, $0xb8;
	[tilespmem:$0x18800] =	vst v63  }
0x33: {  	s9 =	simm.s32 $0x1000;
	v3 =	vperm.xlane v3, v2  }
0x34: {  	[hbm4b:s5+s2] =	stream.indirect_vreg.scatter [tilespmem:s9], [sflag:$0x7], $0x80, v4, vm0, $0xb8;
	[tilespmem:$0x18800] =	vst v63  }
0x35: {  	s26 =	simm.s32 $0x1800;
	v3 =	vadd.s32 v1, v3  }
0x36: {  	[hbm4b:s6+s2] =	stream.indirect_vreg.scatter [tilespmem:s26], [sflag:$0x7], $0x80, v4, vm0, $0xb8;
	[tilespmem:$0x18800] =	vst v63  }
0x37: {  	s28 =	simm.s32 $0x2000  }
0x38: {  	[hbm4b:s7+s2] =	stream.indirect_vreg.scatter [tilespmem:s28], [sflag:$0x7], $0x80, v4, vm0, $0xb8;
	[tilespmem:$0x18800] =	vst v63  }
0x39: {  	s10 =	simm.s32 $0x2800  }
0x3a: {  	[hbm4b:s4+s2] =	stream.indirect_vreg.scatter [tilespmem:s10], [sflag:$0x7], $0x80, v3, vm0, $0xb8;
	[tilespmem:$0x18800] =	vst v63  }
0x3b: {  	s19 =	simm.s32 $0x3000  }
0x3c: {  	[hbm4b:s5+s2] =	stream.indirect_vreg.scatter [tilespmem:s19], [sflag:$0x7], $0x80, v3, vm0, $0xb8;
	[tilespmem:$0x18800] =	vst v63  }
0x3d: {  	s26 =	simm.s32 $0x3800  }
0x3e: {  	[hbm4b:s6+s2] =	stream.indirect_vreg.scatter [tilespmem:s26], [sflag:$0x7], $0x80, v3, vm0, $0xb8;
	[tilespmem:$0x18800] =	vst v63  }
0x3f: {  	s19 =	simm.s32 $0x4000  }
0x40: {  	[hbm4b:s7+s2] =	stream.indirect_vreg.scatter [tilespmem:s19], [sflag:$0x7], $0x80, v3, vm0, $0xb8;
	[tilespmem:$0x18800] =	vst v63  }
0x41: {  	s28 =	rddreg [dreg:$0x9];
	s10 =	simm.s32 $0x14800  }
0x42: {  	[tilespmem:s10], [sflag:$0x6] =	stream.linear.gather [hbm4b:s28+s2], $0x4000, $0x38;
	[tilespmem:$0x18800] =	vst v63  }
0x43: {  	_ =	swait.ge [sflag:s24], $0x4000  }
0x44: {  	[sflag:s24] =	ssyncset.done $0x0  }
0x45: {  	[sflag:s24] =	ssyncadd.s32 $0xFFFFC000  }
0x46: {  	v3 =	vld [tilespmem:$0x80];
	_ =	sdelay $0x4  }
0x47: {  	v49 =	vshll.u32 v3, $0x3  }
0x48: {  	v3 =	vand.u32 $0x7, v3;
	v4 =	vand.u32 $0xFFFFFFC0, v49  }
0x49: {  	v3 =	vor.u32 v3, v4  }
0x4a: {  	v4 =	vperm.xlane v3, v0;
	_ =	sdelay $0x1  }
0x4b: {  	v4 =	vadd.s32 v1, v4;
	_ =	sdelay $0x4  }
0x4c: {  	[hbm4b:s4+s2] =	stream.indirect_vreg.scatter [tilespmem:s12], [sflag:$0x8], $0x80, v4, vm0, $0xb8;
	[tilespmem:$0x18800] =	vst v63  }
0x4d: {  	s28 =	simm.s32 $0x5000;
	v3 =	vperm.xlane v3, v2  }
0x4e: {  	[hbm4b:s5+s2] =	stream.indirect_vreg.scatter [tilespmem:s28], [sflag:$0x8], $0x80, v4, vm0, $0xb8;
	[tilespmem:$0x18800] =	vst v63  }
0x4f: {  	s19 =	simm.s32 $0x5800;
	v3 =	vadd.s32 v1, v3  }
0x50: {  	[hbm4b:s6+s2] =	stream.indirect_vreg.scatter [tilespmem:s19], [sflag:$0x8], $0x80, v4, vm0, $0xb8;
	[tilespmem:$0x18800] =	vst v63  }
0x51: {  	s26 =	simm.s32 $0x6000  }
0x52: {  	[hbm4b:s7+s2] =	stream.indirect_vreg.scatter [tilespmem:s26], [sflag:$0x8], $0x80, v4, vm0, $0xb8;
	[tilespmem:$0x18800] =	vst v63  }
0x53: {  	s28 =	simm.s32 $0x6800  }
0x54: {  	[hbm4b:s4+s2] =	stream.indirect_vreg.scatter [tilespmem:s28], [sflag:$0x8], $0x80, v3, vm0, $0xb8;
	[tilespmem:$0x18800] =	vst v63  }
0x55: {  	s19 =	simm.s32 $0x7000  }
0x56: {  	[hbm4b:s5+s2] =	stream.indirect_vreg.scatter [tilespmem:s19], [sflag:$0x8], $0x80, v3, vm0, $0xb8;
	[tilespmem:$0x18800] =	vst v63  }
0x57: {  	s26 =	simm.s32 $0x7800  }
0x58: {  	[hbm4b:s6+s2] =	stream.indirect_vreg.scatter [tilespmem:s26], [sflag:$0x8], $0x80, v3, vm0, $0xb8;
	[tilespmem:$0x18800] =	vst v63  }
0x59: {  	s28 =	simm.s32 $0x8000  }
0x5a: {  	[hbm4b:s7+s2] =	stream.indirect_vreg.scatter [tilespmem:s28], [sflag:$0x8], $0x80, v3, vm0, $0xb8;
	[tilespmem:$0x18800] =	vst v63  }
0x5b: {  	_ =	swait.ge [sflag:s0], $0x4000  }
0x5c: {  	[sflag:s0] =	ssyncset.done $0x0  }
0x5d: {  	s19 =	rddreg [dreg:$0xa];
	[sflag:s0] =	ssyncadd.s32 $0xFFFFC000  }
0x5e: {  	[tilespmem:s11], [sflag:$0x1] =	stream.linear.gather [hbm4b:s19+s2], $0x4000, $0x38;
	[tilespmem:$0x18800] =	vst v63  }
0x5f: {  	_ =	swait.ge [sflag:s3], $0x4000  }
0x60: {  	[sflag:s3] =	ssyncset.done $0x0  }
0x61: {  	[sflag:s3] =	ssyncadd.s32 $0xFFFFC000  }
0x62: {  	v3 =	vld [tilespmem:$0x100];
	_ =	sdelay $0x4  }
0x63: {  	v50 =	vshll.u32 v3, $0x3  }
0x64: {  	v3 =	vand.u32 $0x7, v3;
	v4 =	vand.u32 $0xFFFFFFC0, v50  }
0x65: {  	v3 =	vor.u32 v3, v4  }
0x66: {  	v4 =	vperm.xlane v3, v0;
	_ =	sdelay $0x1  }
0x67: {  	v4 =	vadd.s32 v1, v4;
	_ =	sdelay $0x4  }
0x68: {  	[hbm4b:s4+s2] =	stream.indirect_vreg.scatter [tilespmem:s13], [sflag:$0x9], $0x80, v4, vm0, $0xb8;
	[tilespmem:$0x18800] =	vst v63  }
0x69: {  	s28 =	simm.s32 $0x9000;
	v3 =	vperm.xlane v3, v2  }
0x6a: {  	[hbm4b:s5+s2] =	stream.indirect_vreg.scatter [tilespmem:s28], [sflag:$0x9], $0x80, v4, vm0, $0xb8;
	[tilespmem:$0x18800] =	vst v63  }
0x6b: {  	s19 =	simm.s32 $0x9800;
	v3 =	vadd.s32 v1, v3  }
0x6c: {  	[hbm4b:s6+s2] =	stream.indirect_vreg.scatter [tilespmem:s19], [sflag:$0x9], $0x80, v4, vm0, $0xb8;
	[tilespmem:$0x18800] =	vst v63  }
0x6d: {  	s26 =	simm.s32 $0xA000  }
0x6e: {  	[hbm4b:s7+s2] =	stream.indirect_vreg.scatter [tilespmem:s26], [sflag:$0x9], $0x80, v4, vm0, $0xb8;
	[tilespmem:$0x18800] =	vst v63  }
0x6f: {  	s28 =	simm.s32 $0xA800  }
0x70: {  	[hbm4b:s4+s2] =	stream.indirect_vreg.scatter [tilespmem:s28], [sflag:$0x9], $0x80, v3, vm0, $0xb8;
	[tilespmem:$0x18800] =	vst v63  }
0x71: {  	s19 =	simm.s32 $0xB000  }
0x72: {  	[hbm4b:s5+s2] =	stream.indirect_vreg.scatter [tilespmem:s19], [sflag:$0x9], $0x80, v3, vm0, $0xb8;
	[tilespmem:$0x18800] =	vst v63  }
0x73: {  	s26 =	simm.s32 $0xB800  }
0x74: {  	[hbm4b:s6+s2] =	stream.indirect_vreg.scatter [tilespmem:s26], [sflag:$0x9], $0x80, v3, vm0, $0xb8;
	[tilespmem:$0x18800] =	vst v63  }
0x75: {  	s28 =	simm.s32 $0xC000  }
0x76: {  	[hbm4b:s7+s2] =	stream.indirect_vreg.scatter [tilespmem:s28], [sflag:$0x9], $0x80, v3, vm0, $0xb8;
	[tilespmem:$0x18800] =	vst v63  }
0x77: {  	_ =	swait.ge [sflag:s22], $0x4000  }
0x78: {  	[sflag:s22] =	ssyncset.done $0x0  }
0x79: {  	s19 =	rddreg [dreg:$0xb];
	[sflag:s22] =	ssyncadd.s32 $0xFFFFC000  }
0x7a: {  	[tilespmem:s12], [sflag:$0x2] =	stream.linear.gather [hbm4b:s19+s2], $0x4000, $0x38;
	[tilespmem:$0x18800] =	vst v63  }
0x7b: {  	_ =	swait.ge [sflag:s25], $0x4000  }
0x7c: {  	[sflag:s25] =	ssyncset.done $0x0  }
0x7d: {  	[sflag:s25] =	ssyncadd.s32 $0xFFFFC000  }
0x7e: {  	v3 =	vld [tilespmem:$0x180];
	_ =	sdelay $0x4  }
0x7f: {  	v51 =	vshll.u32 v3, $0x3  }
0x80: {  	v3 =	vand.u32 $0x7, v3;
	v4 =	vand.u32 $0xFFFFFFC0, v51  }
0x81: {  	v3 =	vor.u32 v3, v4  }
0x82: {  	v4 =	vperm.xlane v3, v0;
	_ =	sdelay $0x1  }
0x83: {  	v4 =	vadd.s32 v1, v4;
	_ =	sdelay $0x4  }
0x84: {  	[hbm4b:s4+s2] =	stream.indirect_vreg.scatter [tilespmem:s1], [sflag:$0xA], $0x80, v4, vm0, $0xb8;
	[tilespmem:$0x18800] =	vst v63  }
0x85: {  	s28 =	simm.s32 $0xD000;
	v3 =	vperm.xlane v3, v2  }
0x86: {  	[hbm4b:s5+s2] =	stream.indirect_vreg.scatter [tilespmem:s28], [sflag:$0xA], $0x80, v4, vm0, $0xb8;
	[tilespmem:$0x18800] =	vst v63  }
0x87: {  	s19 =	simm.s32 $0xD800;
	v3 =	vadd.s32 v1, v3  }
0x88: {  	[hbm4b:s6+s2] =	stream.indirect_vreg.scatter [tilespmem:s19], [sflag:$0xA], $0x80, v4, vm0, $0xb8;
	[tilespmem:$0x18800] =	vst v63  }
0x89: {  	s26 =	simm.s32 $0xE000  }
0x8a: {  	[hbm4b:s7+s2] =	stream.indirect_vreg.scatter [tilespmem:s26], [sflag:$0xA], $0x80, v4, vm0, $0xb8;
	[tilespmem:$0x18800] =	vst v63  }
0x8b: {  	s28 =	simm.s32 $0xE800  }
0x8c: {  	[hbm4b:s4+s2] =	stream.indirect_vreg.scatter [tilespmem:s28], [sflag:$0xA], $0x80, v3, vm0, $0xb8;
	[tilespmem:$0x18800] =	vst v63  }
0x8d: {  	s19 =	simm.s32 $0xF000  }
0x8e: {  	[hbm4b:s5+s2] =	stream.indirect_vreg.scatter [tilespmem:s19], [sflag:$0xA], $0x80, v3, vm0, $0xb8;
	[tilespmem:$0x18800] =	vst v63  }
0x8f: {  	s26 =	simm.s32 $0xF800  }
0x90: {  	[hbm4b:s6+s2] =	stream.indirect_vreg.scatter [tilespmem:s26], [sflag:$0xA], $0x80, v3, vm0, $0xb8;
	[tilespmem:$0x18800] =	vst v63  }
0x91: {  	s28 =	simm.s32 $0x10000  }
0x92: {  	[hbm4b:s7+s2] =	stream.indirect_vreg.scatter [tilespmem:s28], [sflag:$0xA], $0x80, v3, vm0, $0xb8;
	[tilespmem:$0x18800] =	vst v63  }
0x93: {  	_ =	swait.ge [sflag:s16], $0x4000  }
0x94: {  	[sflag:s16] =	ssyncset.done $0x0  }
0x95: {  	s19 =	rddreg [dreg:$0xc];
	[sflag:s16] =	ssyncadd.s32 $0xFFFFC000  }
0x96: {  	[tilespmem:s13], [sflag:$0x3] =	stream.linear.gather [hbm4b:s19+s2], $0x4000, $0x38;
	[tilespmem:$0x18800] =	vst v63  }
0x97: {  	s19 =	simm.s32 $0x5  }
0x98: {  	_ =	swait.ge [sflag:s19], $0x4000  }
0x99: {  	[sflag:s19] =	ssyncset.done $0x0  }
0x9a: {  	[sflag:s19] =	ssyncadd.s32 $0xFFFFC000  }
0x9b: {  	v3 =	vld [tilespmem:$0x200];
	_ =	sdelay $0x4  }
0x9c: {  	v52 =	vshll.u32 v3, $0x3  }
0x9d: {  	v3 =	vand.u32 $0x7, v3;
	v4 =	vand.u32 $0xFFFFFFC0, v52  }
0x9e: {  	v3 =	vor.u32 v3, v4  }
0x9f: {  	v4 =	vperm.xlane v3, v0;
	_ =	sdelay $0x1  }
0xa0: {  	v4 =	vadd.s32 v1, v4;
	_ =	sdelay $0x4  }
0xa1: {  	[hbm4b:s4+s2] =	stream.indirect_vreg.scatter [tilespmem:s23], [sflag:$0xB], $0x80, v4, vm0, $0xb8;
	[tilespmem:$0x18800] =	vst v63  }
0xa2: {  	s26 =	simm.s32 $0x11000;
	v3 =	vperm.xlane v3, v2  }
0xa3: {  	[hbm4b:s5+s2] =	stream.indirect_vreg.scatter [tilespmem:s26], [sflag:$0xB], $0x80, v4, vm0, $0xb8;
	[tilespmem:$0x18800] =	vst v63  }
0xa4: {  	s28 =	simm.s32 $0x11800;
	v3 =	vadd.s32 v1, v3  }
0xa5: {  	[hbm4b:s6+s2] =	stream.indirect_vreg.scatter [tilespmem:s28], [sflag:$0xB], $0x80, v4, vm0, $0xb8;
	[tilespmem:$0x18800] =	vst v63  }
0xa6: {  	_ = 	snop  }
0xa7: {  	[hbm4b:s7+s2] =	stream.indirect_vreg.scatter [tilespmem:s17], [sflag:$0xB], $0x80, v4, vm0, $0xb8;
	[tilespmem:$0x18800] =	vst v63  }
0xa8: {  	_ = 	snop  }
0xa9: {  	[hbm4b:s4+s2] =	stream.indirect_vreg.scatter [tilespmem:s29], [sflag:$0xB], $0x80, v3, vm0, $0xb8;
	[tilespmem:$0x18800] =	vst v63  }
0xaa: {  	_ = 	snop  }
0xab: {  	[hbm4b:s5+s2] =	stream.indirect_vreg.scatter [tilespmem:s30], [sflag:$0xB], $0x80, v3, vm0, $0xb8;
	[tilespmem:$0x18800] =	vst v63  }
0xac: {  	_ = 	snop  }
0xad: {  	[hbm4b:s6+s2] =	stream.indirect_vreg.scatter [tilespmem:s31], [sflag:$0xB], $0x80, v3, vm0, $0xb8;
	[tilespmem:$0x18800] =	vst v63  }
0xae: {  	_ = 	snop  }
0xaf: {  	[hbm4b:s7+s2] =	stream.indirect_vreg.scatter [tilespmem:s20], [sflag:$0xB], $0x80, v3, vm0, $0xb8;
	[tilespmem:$0x18800] =	vst v63  }
0xb0: {  	_ =	swait.ge [sflag:s18], $0x4000  }
0xb1: {  	[sflag:s18] =	ssyncset.done $0x0  }
0xb2: {  	s9 =	rddreg [dreg:$0xd];
	[sflag:s18] =	ssyncadd.s32 $0xFFFFC000  }
0xb3: {  	[tilespmem:s1], [sflag:$0x4] =	stream.linear.gather [hbm4b:s9+s2], $0x4000, $0x38;
	[tilespmem:$0x18800] =	vst v63  }
0xb4: {  	_ =	swait.ge [sflag:s21], $0x4000  }
0xb5: {  	[sflag:s21] =	ssyncset.done $0x0  }
0xb6: {  	[sflag:s21] =	ssyncadd.s32 $0xFFFFC000  }
0xb7: {  	v3 =	vld [tilespmem:$0x280];
	_ =	sdelay $0x4  }
0xb8: {  	v53 =	vshll.u32 v3, $0x3  }
0xb9: {  	v3 =	vand.u32 $0x7, v3;
	v4 =	vand.u32 $0xFFFFFFC0, v53  }
0xba: {  	v3 =	vor.u32 v3, v4  }
0xbb: {  	v4 =	vperm.xlane v3, v0;
	_ =	sdelay $0x1  }
0xbc: {  	v4 =	vadd.s32 v1, v4;
	_ =	sdelay $0x4  }
0xbd: {  	[hbm4b:s4+s2] =	stream.indirect_vreg.scatter [tilespmem:s10], [sflag:$0xC], $0x80, v4, vm0, $0xb8;
	[tilespmem:$0x18800] =	vst v63  }
0xbe: {  	s28 =	simm.s32 $0x15000;
	v3 =	vperm.xlane v3, v2  }
0xbf: {  	[hbm4b:s5+s2] =	stream.indirect_vreg.scatter [tilespmem:s28], [sflag:$0xC], $0x80, v4, vm0, $0xb8;
	[tilespmem:$0x18800] =	vst v63  }
0xc0: {  	s26 =	simm.s32 $0x15800;
	v3 =	vadd.s32 v1, v3  }
0xc1: {  	[hbm4b:s6+s2] =	stream.indirect_vreg.scatter [tilespmem:s26], [sflag:$0xC], $0x80, v4, vm0, $0xb8;
	[tilespmem:$0x18800] =	vst v63  }
0xc2: {  	s26 =	simm.s32 $0x16000  }
0xc3: {  	[hbm4b:s7+s2] =	stream.indirect_vreg.scatter [tilespmem:s26], [sflag:$0xC], $0x80, v4, vm0, $0xb8;
	[tilespmem:$0x18800] =	vst v63  }
0xc4: {  	s26 =	simm.s32 $0x16800  }
0xc5: {  	[hbm4b:s4+s2] =	stream.indirect_vreg.scatter [tilespmem:s26], [sflag:$0xC], $0x80, v3, vm0, $0xb8;
	[tilespmem:$0x18800] =	vst v63  }
0xc6: {  	s26 =	simm.s32 $0x17000  }
0xc7: {  	[hbm4b:s5+s2] =	stream.indirect_vreg.scatter [tilespmem:s26], [sflag:$0xC], $0x80, v3, vm0, $0xb8;
	[tilespmem:$0x18800] =	vst v63  }
0xc8: {  	s26 =	simm.s32 $0x17800  }
0xc9: {  	[hbm4b:s6+s2] =	stream.indirect_vreg.scatter [tilespmem:s26], [sflag:$0xC], $0x80, v3, vm0, $0xb8;
	[tilespmem:$0x18800] =	vst v63  }
0xca: {  	s26 =	simm.s32 $0x18000  }
0xcb: {  	[hbm4b:s7+s2] =	stream.indirect_vreg.scatter [tilespmem:s26], [sflag:$0xC], $0x80, v3, vm0, $0xb8;
	[tilespmem:$0x18800] =	vst v63  }
0xcc: {  	_ =	swait.ge [sflag:s15], $0x4000  }
0xcd: {  	[sflag:s15] =	ssyncset.done $0x0  }
0xce: {  	s9 =	rddreg [dreg:$0xe];
	[sflag:s15] =	ssyncadd.s32 $0xFFFFC000  }
0xcf: {  	[tilespmem:s23], [sflag:$0x5] =	stream.linear.gather [hbm4b:s9+s2], $0x4000, $0x38;
	[tilespmem:$0x18800] =	vst v63  }
0xd0: {  	_ =	swait.ge [sflag:s14], $0x4000  }
0xd1: {  	[sflag:s14] =	ssyncset.done $0x0  }
0xd2: {  	[sflag:s14] =	ssyncadd.s32 $0xFFFFC000  }
0xd3: {  	v3 =	vld [tilespmem:$0x300];
	_ =	sdelay $0x4  }
0xd4: {  	v54 =	vshll.u32 v3, $0x3  }
0xd5: {  	v3 =	vand.u32 $0x7, v3;
	v4 =	vand.u32 $0xFFFFFFC0, v54  }
0xd6: {  	v3 =	vor.u32 v3, v4  }
0xd7: {  	v4 =	vperm.xlane v3, v0;
	_ =	sdelay $0x1  }
0xd8: {  	v4 =	vadd.s32 v1, v4;
	_ =	sdelay $0x4  }
0xd9: {  	[hbm4b:s4+s2] =	stream.indirect_vreg.scatter [tilespmem:s11], [sflag:$0x7], $0x80, v4, vm0, $0xb8;
	[tilespmem:$0x18800] =	vst v63  }
0xda: {  	s26 =	simm.s32 $0x1000;
	v3 =	vperm.xlane v3, v2  }
0xdb: {  	[hbm4b:s5+s2] =	stream.indirect_vreg.scatter [tilespmem:s26], [sflag:$0x7], $0x80, v4, vm0, $0xb8;
	[tilespmem:$0x18800] =	vst v63  }
0xdc: {  	v3 =	vadd.s32 v1, v3;
	s26 =	simm.s32 $0x1800  }
0xdd: {  	[hbm4b:s6+s2] =	stream.indirect_vreg.scatter [tilespmem:s26], [sflag:$0x7], $0x80, v4, vm0, $0xb8;
	[tilespmem:$0x18800] =	vst v63  }
0xde: {  	s26 =	simm.s32 $0x2000  }
0xdf: {  	[hbm4b:s7+s2] =	stream.indirect_vreg.scatter [tilespmem:s26], [sflag:$0x7], $0x80, v4, vm0, $0xb8;
	[tilespmem:$0x18800] =	vst v63  }
0xe0: {  	s26 =	simm.s32 $0x2800  }
0xe1: {  	[hbm4b:s4+s2] =	stream.indirect_vreg.scatter [tilespmem:s26], [sflag:$0x7], $0x80, v3, vm0, $0xb8;
	[tilespmem:$0x18800] =	vst v63  }
0xe2: {  	s26 =	simm.s32 $0x3000  }
0xe3: {  	[hbm4b:s5+s2] =	stream.indirect_vreg.scatter [tilespmem:s26], [sflag:$0x7], $0x80, v3, vm0, $0xb8;
	[tilespmem:$0x18800] =	vst v63  }
0xe4: {  	s26 =	simm.s32 $0x3800  }
0xe5: {  	[hbm4b:s6+s2] =	stream.indirect_vreg.scatter [tilespmem:s26], [sflag:$0x7], $0x80, v3, vm0, $0xb8;
	[tilespmem:$0x18800] =	vst v63  }
0xe6: {  	s9 =	simm.s32 $0xC;
	s26 =	simm.s32 $0x4000  }
0xe7: {  	[hbm4b:s7+s2] =	stream.indirect_vreg.scatter [tilespmem:s26], [sflag:$0x7], $0x80, v3, vm0, $0xb8;
	[tilespmem:$0x18800] =	vst v63  }
0xe8: {  	_ =	swait.ge [sflag:s9], $0x4000  }
0xe9: {  	[sflag:s9] =	ssyncset.done $0x0  }
0xea: {  	s26 =	rddreg [dreg:$0xf];
	[sflag:s9] =	ssyncadd.s32 $0xFFFFC000  }
0xeb: {  	[tilespmem:s10], [sflag:$0x6] =	stream.linear.gather [hbm4b:s26+s2], $0x4000, $0x38;
	[tilespmem:$0x18800] =	vst v63  }
0xec: {  	_ =	swait.ge [sflag:s24], $0x4000  }
0xed: {  	[sflag:s24] =	ssyncset.done $0x0  }
0xee: {  	[sflag:s24] =	ssyncadd.s32 $0xFFFFC000  }
0xef: {  	v3 =	vld [tilespmem:$0x380];
	_ =	sdelay $0x4  }
0xf0: {  	v55 =	vshll.u32 v3, $0x3  }
0xf1: {  	v3 =	vand.u32 $0x7, v3;
	v4 =	vand.u32 $0xFFFFFFC0, v55  }
0xf2: {  	v3 =	vor.u32 v3, v4  }
0xf3: {  	v4 =	vperm.xlane v3, v0;
	_ =	sdelay $0x1  }
0xf4: {  	v4 =	vadd.s32 v1, v4;
	_ =	sdelay $0x4  }
0xf5: {  	[hbm4b:s4+s2] =	stream.indirect_vreg.scatter [tilespmem:s12], [sflag:$0x8], $0x80, v4, vm0, $0xb8;
	[tilespmem:$0x18800] =	vst v63  }
0xf6: {  	s26 =	simm.s32 $0x5000;
	v3 =	vperm.xlane v3, v2  }
0xf7: {  	[hbm4b:s5+s2] =	stream.indirect_vreg.scatter [tilespmem:s26], [sflag:$0x8], $0x80, v4, vm0, $0xb8;
	[tilespmem:$0x18800] =	vst v63  }
0xf8: {  	v3 =	vadd.s32 v1, v3;
	s26 =	simm.s32 $0x5800  }
0xf9: {  	[hbm4b:s6+s2] =	stream.indirect_vreg.scatter [tilespmem:s26], [sflag:$0x8], $0x80, v4, vm0, $0xb8;
	[tilespmem:$0x18800] =	vst v63  }
0xfa: {  	s26 =	simm.s32 $0x6000  }
0xfb: {  	[hbm4b:s7+s2] =	stream.indirect_vreg.scatter [tilespmem:s26], [sflag:$0x8], $0x80, v4, vm0, $0xb8;
	[tilespmem:$0x18800] =	vst v63  }
0xfc: {  	s26 =	simm.s32 $0x6800  }
0xfd: {  	[hbm4b:s4+s2] =	stream.indirect_vreg.scatter [tilespmem:s26], [sflag:$0x8], $0x80, v3, vm0, $0xb8;
	[tilespmem:$0x18800] =	vst v63  }
0xfe: {  	s26 =	simm.s32 $0x7000  }
0xff: {  	[hbm4b:s5+s2] =	stream.indirect_vreg.scatter [tilespmem:s26], [sflag:$0x8], $0x80, v3, vm0, $0xb8;
	[tilespmem:$0x18800] =	vst v63  }
0x100: {  	s26 =	simm.s32 $0x7800  }
0x101: {  	[hbm4b:s6+s2] =	stream.indirect_vreg.scatter [tilespmem:s26], [sflag:$0x8], $0x80, v3, vm0, $0xb8;
	[tilespmem:$0x18800] =	vst v63  }
0x102: {  	s26 =	simm.s32 $0x8000  }
0x103: {  	[hbm4b:s7+s2] =	stream.indirect_vreg.scatter [tilespmem:s26], [sflag:$0x8], $0x80, v3, vm0, $0xb8;
	[tilespmem:$0x18800] =	vst v63  }
0x104: {  	_ =	swait.ge [sflag:s0], $0x4000  }
0x105: {  	[sflag:s0] =	ssyncset.done $0x0  }
0x106: {  	s26 =	rddreg [dreg:$0x10];
	[sflag:s0] =	ssyncadd.s32 $0xFFFFC000  }
0x107: {  	[tilespmem:s11], [sflag:$0x1] =	stream.linear.gather [hbm4b:s26+s2], $0x4000, $0x38;
	[tilespmem:$0x18800] =	vst v63  }
0x108: {  	_ =	swait.ge [sflag:s3], $0x4000  }
0x109: {  	[sflag:s3] =	ssyncset.done $0x0  }
0x10a: {  	[sflag:s3] =	ssyncadd.s32 $0xFFFFC000  }
0x10b: {  	v3 =	vld [tilespmem:$0x400];
	_ =	sdelay $0x4  }
0x10c: {  	v56 =	vshll.u32 v3, $0x3  }
0x10d: {  	v3 =	vand.u32 $0x7, v3;
	v4 =	vand.u32 $0xFFFFFFC0, v56  }
0x10e: {  	v3 =	vor.u32 v3, v4  }
0x10f: {  	v4 =	vperm.xlane v3, v0;
	_ =	sdelay $0x1  }
0x110: {  	v4 =	vadd.s32 v1, v4;
	_ =	sdelay $0x4  }
0x111: {  	[hbm4b:s4+s2] =	stream.indirect_vreg.scatter [tilespmem:s13], [sflag:$0x9], $0x80, v4, vm0, $0xb8;
	[tilespmem:$0x18800] =	vst v63  }
0x112: {  	s26 =	simm.s32 $0x9000;
	v3 =	vperm.xlane v3, v2  }
0x113: {  	[hbm4b:s5+s2] =	stream.indirect_vreg.scatter [tilespmem:s26], [sflag:$0x9], $0x80, v4, vm0, $0xb8;
	[tilespmem:$0x18800] =	vst v63  }
0x114: {  	v3 =	vadd.s32 v1, v3;
	s26 =	simm.s32 $0x9800  }
0x115: {  	[hbm4b:s6+s2] =	stream.indirect_vreg.scatter [tilespmem:s26], [sflag:$0x9], $0x80, v4, vm0, $0xb8;
	[tilespmem:$0x18800] =	vst v63  }
0x116: {  	s26 =	simm.s32 $0xA000  }
0x117: {  	[hbm4b:s7+s2] =	stream.indirect_vreg.scatter [tilespmem:s26], [sflag:$0x9], $0x80, v4, vm0, $0xb8;
	[tilespmem:$0x18800] =	vst v63  }
0x118: {  	s26 =	simm.s32 $0xA800  }
0x119: {  	[hbm4b:s4+s2] =	stream.indirect_vreg.scatter [tilespmem:s26], [sflag:$0x9], $0x80, v3, vm0, $0xb8;
	[tilespmem:$0x18800] =	vst v63  }
0x11a: {  	s26 =	simm.s32 $0xB000  }
0x11b: {  	[hbm4b:s5+s2] =	stream.indirect_vreg.scatter [tilespmem:s26], [sflag:$0x9], $0x80, v3, vm0, $0xb8;
	[tilespmem:$0x18800] =	vst v63  }
0x11c: {  	s26 =	simm.s32 $0xB800  }
0x11d: {  	[hbm4b:s6+s2] =	stream.indirect_vreg.scatter [tilespmem:s26], [sflag:$0x9], $0x80, v3, vm0, $0xb8;
	[tilespmem:$0x18800] =	vst v63  }
0x11e: {  	s26 =	simm.s32 $0xC000  }
0x11f: {  	[hbm4b:s7+s2] =	stream.indirect_vreg.scatter [tilespmem:s26], [sflag:$0x9], $0x80, v3, vm0, $0xb8;
	[tilespmem:$0x18800] =	vst v63  }
0x120: {  	_ =	swait.ge [sflag:s22], $0x4000  }
0x121: {  	[sflag:s22] =	ssyncset.done $0x0  }
0x122: {  	s26 =	rddreg [dreg:$0x11];
	[sflag:s22] =	ssyncadd.s32 $0xFFFFC000  }
0x123: {  	[tilespmem:s12], [sflag:$0x2] =	stream.linear.gather [hbm4b:s26+s2], $0x4000, $0x38;
	[tilespmem:$0x18800] =	vst v63  }
0x124: {  	_ =	swait.ge [sflag:s25], $0x4000  }
0x125: {  	[sflag:s25] =	ssyncset.done $0x0  }
0x126: {  	[sflag:s25] =	ssyncadd.s32 $0xFFFFC000  }
0x127: {  	v3 =	vld [tilespmem:$0x480];
	_ =	sdelay $0x4  }
0x128: {  	v57 =	vshll.u32 v3, $0x3  }
0x129: {  	v3 =	vand.u32 $0x7, v3;
	v4 =	vand.u32 $0xFFFFFFC0, v57  }
0x12a: {  	v3 =	vor.u32 v3, v4  }
0x12b: {  	v4 =	vperm.xlane v3, v0;
	_ =	sdelay $0x1  }
0x12c: {  	v4 =	vadd.s32 v1, v4;
	_ =	sdelay $0x4  }
0x12d: {  	[hbm4b:s4+s2] =	stream.indirect_vreg.scatter [tilespmem:s1], [sflag:$0xA], $0x80, v4, vm0, $0xb8;
	[tilespmem:$0x18800] =	vst v63  }
0x12e: {  	s26 =	simm.s32 $0xD000;
	v3 =	vperm.xlane v3, v2  }
0x12f: {  	[hbm4b:s5+s2] =	stream.indirect_vreg.scatter [tilespmem:s26], [sflag:$0xA], $0x80, v4, vm0, $0xb8;
	[tilespmem:$0x18800] =	vst v63  }
0x130: {  	v3 =	vadd.s32 v1, v3;
	s26 =	simm.s32 $0xD800  }
0x131: {  	[hbm4b:s6+s2] =	stream.indirect_vreg.scatter [tilespmem:s26], [sflag:$0xA], $0x80, v4, vm0, $0xb8;
	[tilespmem:$0x18800] =	vst v63  }
0x132: {  	s26 =	simm.s32 $0xE000  }
0x133: {  	[hbm4b:s7+s2] =	stream.indirect_vreg.scatter [tilespmem:s26], [sflag:$0xA], $0x80, v4, vm0, $0xb8;
	[tilespmem:$0x18800] =	vst v63  }
0x134: {  	s26 =	simm.s32 $0xE800  }
0x135: {  	[hbm4b:s4+s2] =	stream.indirect_vreg.scatter [tilespmem:s26], [sflag:$0xA], $0x80, v3, vm0, $0xb8;
	[tilespmem:$0x18800] =	vst v63  }
0x136: {  	s26 =	simm.s32 $0xF000  }
0x137: {  	[hbm4b:s5+s2] =	stream.indirect_vreg.scatter [tilespmem:s26], [sflag:$0xA], $0x80, v3, vm0, $0xb8;
	[tilespmem:$0x18800] =	vst v63  }
0x138: {  	s26 =	simm.s32 $0xF800  }
0x139: {  	[hbm4b:s6+s2] =	stream.indirect_vreg.scatter [tilespmem:s26], [sflag:$0xA], $0x80, v3, vm0, $0xb8;
	[tilespmem:$0x18800] =	vst v63  }
0x13a: {  	s26 =	simm.s32 $0x10000  }
0x13b: {  	[hbm4b:s7+s2] =	stream.indirect_vreg.scatter [tilespmem:s26], [sflag:$0xA], $0x80, v3, vm0, $0xb8;
	[tilespmem:$0x18800] =	vst v63  }
0x13c: {  	_ =	swait.ge [sflag:s16], $0x4000  }
0x13d: {  	[sflag:s16] =	ssyncset.done $0x0  }
0x13e: {  	s26 =	rddreg [dreg:$0x12];
	[sflag:s16] =	ssyncadd.s32 $0xFFFFC000  }
0x13f: {  	[tilespmem:s13], [sflag:$0x3] =	stream.linear.gather [hbm4b:s26+s2], $0x4000, $0x38;
	[tilespmem:$0x18800] =	vst v63  }
0x140: {  	_ =	swait.ge [sflag:s19], $0x4000  }
0x141: {  	[sflag:s19] =	ssyncset.done $0x0  }
0x142: {  	[sflag:s19] =	ssyncadd.s32 $0xFFFFC000  }
0x143: {  	v3 =	vld [tilespmem:$0x500];
	_ =	sdelay $0x4  }
0x144: {  	v58 =	vshll.u32 v3, $0x3  }
0x145: {  	v3 =	vand.u32 $0x7, v3;
	v4 =	vand.u32 $0xFFFFFFC0, v58  }
0x146: {  	v3 =	vor.u32 v3, v4  }
0x147: {  	v4 =	vperm.xlane v3, v0;
	_ =	sdelay $0x1  }
0x148: {  	v4 =	vadd.s32 v1, v4;
	_ =	sdelay $0x4  }
0x149: {  	[hbm4b:s4+s2] =	stream.indirect_vreg.scatter [tilespmem:s23], [sflag:$0xB], $0x80, v4, vm0, $0xb8;
	[tilespmem:$0x18800] =	vst v63  }
0x14a: {  	s26 =	simm.s32 $0x11000;
	v3 =	vperm.xlane v3, v2  }
0x14b: {  	[hbm4b:s5+s2] =	stream.indirect_vreg.scatter [tilespmem:s26], [sflag:$0xB], $0x80, v4, vm0, $0xb8;
	[tilespmem:$0x18800] =	vst v63  }
0x14c: {  	v3 =	vadd.s32 v1, v3;
	s26 =	simm.s32 $0x11800  }
0x14d: {  	[hbm4b:s6+s2] =	stream.indirect_vreg.scatter [tilespmem:s26], [sflag:$0xB], $0x80, v4, vm0, $0xb8;
	[tilespmem:$0x18800] =	vst v63  }
0x14e: {  	_ = 	snop  }
0x14f: {  	[hbm4b:s7+s2] =	stream.indirect_vreg.scatter [tilespmem:s17], [sflag:$0xB], $0x80, v4, vm0, $0xb8;
	[tilespmem:$0x18800] =	vst v63  }
0x150: {  	_ = 	snop  }
0x151: {  	[hbm4b:s4+s2] =	stream.indirect_vreg.scatter [tilespmem:s29], [sflag:$0xB], $0x80, v3, vm0, $0xb8;
	[tilespmem:$0x18800] =	vst v63  }
0x152: {  	_ = 	snop  }
0x153: {  	[hbm4b:s5+s2] =	stream.indirect_vreg.scatter [tilespmem:s30], [sflag:$0xB], $0x80, v3, vm0, $0xb8;
	[tilespmem:$0x18800] =	vst v63  }
0x154: {  	_ = 	snop  }
0x155: {  	[hbm4b:s6+s2] =	stream.indirect_vreg.scatter [tilespmem:s31], [sflag:$0xB], $0x80, v3, vm0, $0xb8;
	[tilespmem:$0x18800] =	vst v63  }
0x156: {  	_ = 	snop  }
0x157: {  	[hbm4b:s7+s2] =	stream.indirect_vreg.scatter [tilespmem:s20], [sflag:$0xB], $0x80, v3, vm0, $0xb8;
	[tilespmem:$0x18800] =	vst v63  }
0x158: {  	_ =	swait.ge [sflag:s18], $0x4000  }
0x159: {  	[sflag:s18] =	ssyncset.done $0x0  }
0x15a: {  	s19 =	rddreg [dreg:$0x13];
	[sflag:s18] =	ssyncadd.s32 $0xFFFFC000  }
0x15b: {  	[tilespmem:s1], [sflag:$0x4] =	stream.linear.gather [hbm4b:s19+s2], $0x4000, $0x38;
	[tilespmem:$0x18800] =	vst v63  }
0x15c: {  	_ =	swait.ge [sflag:s21], $0x4000  }
0x15d: {  	[sflag:s21] =	ssyncset.done $0x0  }
0x15e: {  	[sflag:s21] =	ssyncadd.s32 $0xFFFFC000  }
0x15f: {  	v3 =	vld [tilespmem:$0x580];
	_ =	sdelay $0x4  }
0x160: {  	v59 =	vshll.u32 v3, $0x3  }
0x161: {  	v3 =	vand.u32 $0x7, v3;
	v4 =	vand.u32 $0xFFFFFFC0, v59  }
0x162: {  	v3 =	vor.u32 v3, v4  }
0x163: {  	v4 =	vperm.xlane v3, v0;
	_ =	sdelay $0x1  }
0x164: {  	v4 =	vadd.s32 v1, v4;
	_ =	sdelay $0x4  }
0x165: {  	[hbm4b:s4+s2] =	stream.indirect_vreg.scatter [tilespmem:s10], [sflag:$0xC], $0x80, v4, vm0, $0xb8;
	[tilespmem:$0x18800] =	vst v63  }
0x166: {  	v3 =	vperm.xlane v3, v2  }
0x167: {  	[hbm4b:s5+s2] =	stream.indirect_vreg.scatter [tilespmem:s28], [sflag:$0xC], $0x80, v4, vm0, $0xb8;
	[tilespmem:$0x18800] =	vst v63  }
0x168: {  	s19 =	simm.s32 $0x15800;
	v3 =	vadd.s32 v1, v3  }
0x169: {  	[hbm4b:s6+s2] =	stream.indirect_vreg.scatter [tilespmem:s19], [sflag:$0xC], $0x80, v4, vm0, $0xb8;
	[tilespmem:$0x18800] =	vst v63  }
0x16a: {  	s26 =	simm.s32 $0x16000  }
0x16b: {  	[hbm4b:s7+s2] =	stream.indirect_vreg.scatter [tilespmem:s26], [sflag:$0xC], $0x80, v4, vm0, $0xb8;
	[tilespmem:$0x18800] =	vst v63  }
0x16c: {  	s28 =	simm.s32 $0x16800  }
0x16d: {  	[hbm4b:s4+s2] =	stream.indirect_vreg.scatter [tilespmem:s28], [sflag:$0xC], $0x80, v3, vm0, $0xb8;
	[tilespmem:$0x18800] =	vst v63  }
0x16e: {  	s19 =	simm.s32 $0x17000  }
0x16f: {  	[hbm4b:s5+s2] =	stream.indirect_vreg.scatter [tilespmem:s19], [sflag:$0xC], $0x80, v3, vm0, $0xb8;
	[tilespmem:$0x18800] =	vst v63  }
0x170: {  	s26 =	simm.s32 $0x17800  }
0x171: {  	[hbm4b:s6+s2] =	stream.indirect_vreg.scatter [tilespmem:s26], [sflag:$0xC], $0x80, v3, vm0, $0xb8;
	[tilespmem:$0x18800] =	vst v63  }
0x172: {  	s28 =	simm.s32 $0x18000  }
0x173: {  	[hbm4b:s7+s2] =	stream.indirect_vreg.scatter [tilespmem:s28], [sflag:$0xC], $0x80, v3, vm0, $0xb8;
	[tilespmem:$0x18800] =	vst v63  }
0x174: {  	_ =	swait.ge [sflag:s14], $0x4000  }
0x175: {  	[sflag:s14] =	ssyncset.done $0x0  }
0x176: {  	[sflag:s14] =	ssyncadd.s32 $0xFFFFC000  }
0x177: {  	v3 =	vld [tilespmem:$0x600];
	_ =	sdelay $0x4  }
0x178: {  	v60 =	vshll.u32 v3, $0x3  }
0x179: {  	v3 =	vand.u32 $0x7, v3;
	v4 =	vand.u32 $0xFFFFFFC0, v60  }
0x17a: {  	v3 =	vor.u32 v3, v4  }
0x17b: {  	v4 =	vperm.xlane v3, v0;
	_ =	sdelay $0x1  }
0x17c: {  	v4 =	vadd.s32 v1, v4;
	_ =	sdelay $0x4  }
0x17d: {  	[hbm4b:s4+s2] =	stream.indirect_vreg.scatter [tilespmem:s11], [sflag:$0x7], $0x80, v4, vm0, $0xb8;
	[tilespmem:$0x18800] =	vst v63  }
0x17e: {  	s19 =	simm.s32 $0x1000;
	v3 =	vperm.xlane v3, v2  }
0x17f: {  	[hbm4b:s5+s2] =	stream.indirect_vreg.scatter [tilespmem:s19], [sflag:$0x7], $0x80, v4, vm0, $0xb8;
	[tilespmem:$0x18800] =	vst v63  }
0x180: {  	s26 =	simm.s32 $0x1800;
	v3 =	vadd.s32 v1, v3  }
0x181: {  	[hbm4b:s6+s2] =	stream.indirect_vreg.scatter [tilespmem:s26], [sflag:$0x7], $0x80, v4, vm0, $0xb8;
	[tilespmem:$0x18800] =	vst v63  }
0x182: {  	s28 =	simm.s32 $0x2000  }
0x183: {  	[hbm4b:s7+s2] =	stream.indirect_vreg.scatter [tilespmem:s28], [sflag:$0x7], $0x80, v4, vm0, $0xb8;
	[tilespmem:$0x18800] =	vst v63  }
0x184: {  	s19 =	simm.s32 $0x2800  }
0x185: {  	[hbm4b:s4+s2] =	stream.indirect_vreg.scatter [tilespmem:s19], [sflag:$0x7], $0x80, v3, vm0, $0xb8;
	[tilespmem:$0x18800] =	vst v63  }
0x186: {  	s26 =	simm.s32 $0x3000  }
0x187: {  	[hbm4b:s5+s2] =	stream.indirect_vreg.scatter [tilespmem:s26], [sflag:$0x7], $0x80, v3, vm0, $0xb8;
	[tilespmem:$0x18800] =	vst v63  }
0x188: {  	s28 =	simm.s32 $0x3800  }
0x189: {  	[hbm4b:s6+s2] =	stream.indirect_vreg.scatter [tilespmem:s28], [sflag:$0x7], $0x80, v3, vm0, $0xb8;
	[tilespmem:$0x18800] =	vst v63  }
0x18a: {  	s19 =	simm.s32 $0x4000  }
0x18b: {  	[hbm4b:s7+s2] =	stream.indirect_vreg.scatter [tilespmem:s19], [sflag:$0x7], $0x80, v3, vm0, $0xb8;
	[tilespmem:$0x18800] =	vst v63  }
0x18c: {  	_ =	swait.ge [sflag:s24], $0x4000  }
0x18d: {  	[sflag:s24] =	ssyncset.done $0x0  }
0x18e: {  	[sflag:s24] =	ssyncadd.s32 $0xFFFFC000  }
0x18f: {  	v3 =	vld [tilespmem:$0x680];
	_ =	sdelay $0x4  }
0x190: {  	v61 =	vshll.u32 v3, $0x3  }
0x191: {  	v3 =	vand.u32 $0x7, v3;
	v4 =	vand.u32 $0xFFFFFFC0, v61  }
0x192: {  	v3 =	vor.u32 v3, v4  }
0x193: {  	v4 =	vperm.xlane v3, v0;
	_ =	sdelay $0x1  }
0x194: {  	v4 =	vadd.s32 v1, v4;
	_ =	sdelay $0x4  }
0x195: {  	[hbm4b:s4+s2] =	stream.indirect_vreg.scatter [tilespmem:s12], [sflag:$0x8], $0x80, v4, vm0, $0xb8;
	[tilespmem:$0x18800] =	vst v63  }
0x196: {  	s26 =	simm.s32 $0x5000;
	v3 =	vperm.xlane v3, v2  }
0x197: {  	[hbm4b:s5+s2] =	stream.indirect_vreg.scatter [tilespmem:s26], [sflag:$0x8], $0x80, v4, vm0, $0xb8;
	[tilespmem:$0x18800] =	vst v63  }
0x198: {  	s28 =	simm.s32 $0x5800;
	v3 =	vadd.s32 v1, v3  }
0x199: {  	[hbm4b:s6+s2] =	stream.indirect_vreg.scatter [tilespmem:s28], [sflag:$0x8], $0x80, v4, vm0, $0xb8;
	[tilespmem:$0x18800] =	vst v63  }
0x19a: {  	s19 =	simm.s32 $0x6000  }
0x19b: {  	[hbm4b:s7+s2] =	stream.indirect_vreg.scatter [tilespmem:s19], [sflag:$0x8], $0x80, v4, vm0, $0xb8;
	[tilespmem:$0x18800] =	vst v63  }
0x19c: {  	s26 =	simm.s32 $0x6800  }
0x19d: {  	[hbm4b:s4+s2] =	stream.indirect_vreg.scatter [tilespmem:s26], [sflag:$0x8], $0x80, v3, vm0, $0xb8;
	[tilespmem:$0x18800] =	vst v63  }
0x19e: {  	s28 =	simm.s32 $0x7000  }
0x19f: {  	[hbm4b:s5+s2] =	stream.indirect_vreg.scatter [tilespmem:s28], [sflag:$0x8], $0x80, v3, vm0, $0xb8;
	[tilespmem:$0x18800] =	vst v63  }
0x1a0: {  	s19 =	simm.s32 $0x7800  }
0x1a1: {  	[hbm4b:s6+s2] =	stream.indirect_vreg.scatter [tilespmem:s19], [sflag:$0x8], $0x80, v3, vm0, $0xb8;
	[tilespmem:$0x18800] =	vst v63  }
0x1a2: {  	s26 =	simm.s32 $0x8000  }
0x1a3: {  	[hbm4b:s7+s2] =	stream.indirect_vreg.scatter [tilespmem:s26], [sflag:$0x8], $0x80, v3, vm0, $0xb8;
	[tilespmem:$0x18800] =	vst v63  }
0x1a4: {  	_ =	swait.ge [sflag:s3], $0x4000  }
0x1a5: {  	[sflag:s3] =	ssyncset.done $0x0  }
0x1a6: {  	[sflag:s3] =	ssyncadd.s32 $0xFFFFC000  }
0x1a7: {  	v3 =	vld [tilespmem:$0x700];
	_ =	sdelay $0x4  }
0x1a8: {  	v62 =	vshll.u32 v3, $0x3  }
0x1a9: {  	v3 =	vand.u32 $0x7, v3;
	v4 =	vand.u32 $0xFFFFFFC0, v62  }
0x1aa: {  	v3 =	vor.u32 v3, v4  }
0x1ab: {  	v4 =	vperm.xlane v3, v0;
	_ =	sdelay $0x1  }
0x1ac: {  	v4 =	vadd.s32 v1, v4;
	_ =	sdelay $0x4  }
0x1ad: {  	[hbm4b:s4+s2] =	stream.indirect_vreg.scatter [tilespmem:s13], [sflag:$0x9], $0x80, v4, vm0, $0xb8;
	[tilespmem:$0x18800] =	vst v63  }
0x1ae: {  	s28 =	simm.s32 $0x9000;
	v3 =	vperm.xlane v3, v2  }
0x1af: {  	[hbm4b:s5+s2] =	stream.indirect_vreg.scatter [tilespmem:s28], [sflag:$0x9], $0x80, v4, vm0, $0xb8;
	[tilespmem:$0x18800] =	vst v63  }
0x1b0: {  	s19 =	simm.s32 $0x9800;
	v3 =	vadd.s32 v1, v3  }
0x1b1: {  	[hbm4b:s6+s2] =	stream.indirect_vreg.scatter [tilespmem:s19], [sflag:$0x9], $0x80, v4, vm0, $0xb8;
	[tilespmem:$0x18800] =	vst v63  }
0x1b2: {  	s26 =	simm.s32 $0xA000  }
0x1b3: {  	[hbm4b:s7+s2] =	stream.indirect_vreg.scatter [tilespmem:s26], [sflag:$0x9], $0x80, v4, vm0, $0xb8;
	[tilespmem:$0x18800] =	vst v63  }
0x1b4: {  	s28 =	simm.s32 $0xA800  }
0x1b5: {  	[hbm4b:s4+s2] =	stream.indirect_vreg.scatter [tilespmem:s28], [sflag:$0x9], $0x80, v3, vm0, $0xb8;
	[tilespmem:$0x18800] =	vst v63  }
0x1b6: {  	s19 =	simm.s32 $0xB000  }
0x1b7: {  	[hbm4b:s5+s2] =	stream.indirect_vreg.scatter [tilespmem:s19], [sflag:$0x9], $0x80, v3, vm0, $0xb8;
	[tilespmem:$0x18800] =	vst v63  }
0x1b8: {  	s26 =	simm.s32 $0xB800  }
0x1b9: {  	[hbm4b:s6+s2] =	stream.indirect_vreg.scatter [tilespmem:s26], [sflag:$0x9], $0x80, v3, vm0, $0xb8;
	[tilespmem:$0x18800] =	vst v63  }
0x1ba: {  	s28 =	simm.s32 $0xC000  }
0x1bb: {  	[hbm4b:s7+s2] =	stream.indirect_vreg.scatter [tilespmem:s28], [sflag:$0x9], $0x80, v3, vm0, $0xb8;
	[tilespmem:$0x18800] =	vst v63  }
0x1bc: {  	_ =	swait.ge [sflag:s25], $0x4000  }
0x1bd: {  	[sflag:s25] =	ssyncset.done $0x0  }
0x1be: {  	[sflag:s25] =	ssyncadd.s32 $0xFFFFC000  }
0x1bf: {  	v3 =	vld [tilespmem:$0x780];
	_ =	sdelay $0x4  }
0x1c0: {  	v63 =	vshll.u32 v3, $0x3  }
0x1c1: {  	v3 =	vand.u32 $0x7, v3;
	v4 =	vand.u32 $0xFFFFFFC0, v63  }
0x1c2: {  	v3 =	vor.u32 v3, v4  }
0x1c3: {  	v4 =	vperm.xlane v3, v0;
	_ =	sdelay $0x1  }
0x1c4: {  	v4 =	vadd.s32 v1, v4;
	_ =	sdelay $0x4  }
0x1c5: {  	[hbm4b:s4+s2] =	stream.indirect_vreg.scatter [tilespmem:s1], [sflag:$0xA], $0x80, v4, vm0, $0xb8;
	[tilespmem:$0x18800] =	vst v63  }
0x1c6: {  	s19 =	simm.s32 $0xD000;
	v3 =	vperm.xlane v3, v2  }
0x1c7: {  	[hbm4b:s5+s2] =	stream.indirect_vreg.scatter [tilespmem:s19], [sflag:$0xA], $0x80, v4, vm0, $0xb8;
	[tilespmem:$0x18800] =	vst v63  }
0x1c8: {  	s26 =	simm.s32 $0xD800;
	v3 =	vadd.s32 v1, v3  }
0x1c9: {  	[hbm4b:s6+s2] =	stream.indirect_vreg.scatter [tilespmem:s26], [sflag:$0xA], $0x80, v4, vm0, $0xb8;
	[tilespmem:$0x18800] =	vst v63  }
0x1ca: {  	s28 =	simm.s32 $0xE000  }
0x1cb: {  	[hbm4b:s7+s2] =	stream.indirect_vreg.scatter [tilespmem:s28], [sflag:$0xA], $0x80, v4, vm0, $0xb8;
	[tilespmem:$0x18800] =	vst v63  }
0x1cc: {  	s10 =	simm.s32 $0xE800  }
0x1cd: {  	[hbm4b:s4+s2] =	stream.indirect_vreg.scatter [tilespmem:s10], [sflag:$0xA], $0x80, v3, vm0, $0xb8;
	[tilespmem:$0x18800] =	vst v63  }
0x1ce: {  	s19 =	simm.s32 $0xF000  }
0x1cf: {  	[hbm4b:s5+s2] =	stream.indirect_vreg.scatter [tilespmem:s19], [sflag:$0xA], $0x80, v3, vm0, $0xb8;
	[tilespmem:$0x18800] =	vst v63  }
0x1d0: {  	s26 =	simm.s32 $0xF800  }
0x1d1: {  	[hbm4b:s6+s2] =	stream.indirect_vreg.scatter [tilespmem:s26], [sflag:$0xA], $0x80, v3, vm0, $0xb8;
	[tilespmem:$0x18800] =	vst v63  }
0x1d2: {  	s28 =	simm.s32 $0x10000  }
0x1d3: {  	[hbm4b:s7+s2] =	stream.indirect_vreg.scatter [tilespmem:s28], [sflag:$0xA], $0x80, v3, vm0, $0xb8;
	[tilespmem:$0x18800] =	vst v63  }
0x1d4: {  	_ =	swait.ge [sflag:s15], $0x4000  }
0x1d5: {  	[sflag:s15] =	ssyncset.done $0x0  }
0x1d6: {  	[sflag:s15] =	ssyncadd.s32 $0xFFFFC000  }
0x1d7: {  	_ =	swait.ge [sflag:s9], $0x4000  }
0x1d8: {  	[sflag:s9] =	ssyncset.done $0x0  }
0x1d9: {  	[sflag:s9] =	ssyncadd.s32 $0xFFFFC000  }
0x1da: {  	_ =	swait.ge [sflag:s0], $0x4000  }
0x1db: {  	[sflag:s0] =	ssyncset.done $0x0  }
0x1dc: {  	[sflag:s0] =	ssyncadd.s32 $0xFFFFC000  }
0x1dd: {  	_ =	swait.ge [sflag:s22], $0x4000  }
0x1de: {  	[sflag:s22] =	ssyncset.done $0x0  }
0x1df: {  	[sflag:s22] =	ssyncadd.s32 $0xFFFFC000  }
0x1e0: {  	p0 =	sne.s32 s8, $0x1;
	_ =	swait.ge [sflag:s16], $0x4000  }
.Ltmp0:
0x1e1: {  	[sflag:s16] =	ssyncset.done $0x0;
	(pc) =	sbr.rel @p0 .LBB2_1-.Ltmp0, $4  }
0x1e2: {  	[sflag:s16] =	ssyncadd.s32 $0xFFFFC000  }
0x1e3: {  	_ =	swait.ge [sflag:s18], $0x4000  }
0x1e4: {  	[sflag:s18] =	ssyncset.done $0x0  }
0x1e5: {  	s8 =	sadd.s32 $0xFFFFFFFF, s8;
	[sflag:s18] =	ssyncadd.s32 $0xFFFFC000  }
0x1e6: {  	_ =	sfence.sel $0x180000  }
0x1e7: {  	[bflag:$0x0] =	sbarrier.arrive $0xFFFF  }
0x1e8: {  	_ =	strace $0x90000047  }
0x1e9: {  	s0 =	stileid.u32;
	[bflag:$0x2] =	sbarrier.arrive $0xFFFF  }
0x1ea: {  	p0 =	sne.s32 s0, $0x0;
	s0 =	rddreg [dreg:$0x3]  }
0x1eb: {  	s0 =	sadd.s32 @!p0 $0x100000, s0  }
0x1ec: {  	[sflag:s0] =	ssyncadd.tile.s32 @!p0 $0x1;
	_ =	shalt  }
.Lfunc_end2:
_tile_overlayer_lowered:
.L_overlay_start_2:
0x1ed: {  	(tag) =	ssettag $0x2  }
0x1ee: {  	s0 =	rddreg [dreg:$0x0];
	s2 =	stileid.u32  }
0x1ef: {  	s1 =	rddreg [dreg:$0x1];
	p0 =	sne.s32 s2, $0x0  }
0x1f0: {  	s3 =	rddreg [dreg:$0x2];
	[bflag:$0x3] =	sbarrier.arrive $0xFFFF;
	s2 =	simm.s32 @!p0 $0x1C0D  }
0x1f1: {  	[timem:s3], [sflag:s2] =	dma.local @!p0 [hbm:s0], s1  }
0x1f2: {  	s0 =	simm.s32 @!p0 $0xD  }
0x1f3: {  	_ =	swait.ge @!p0 [sflag:s0], s1  }
0x1f4: {  	s1 =	ssub.s32 @!p0 $0x0, s1;
	[sflag:s0] =	ssyncset.done @!p0 $0x0  }
0x1f5: {  	[sflag:s0] =	ssyncadd.s32 @!p0 s1  }
0x1f6: {  	[bflag:$0x3] =	sbarrier.arrive $0xFFFF  }
0x1f7: {  	_ =	shalt  }

// kernel: kernel.9.cloned.1.call-start
scs
__scs_entry_jumppad:
0x0: {  	(pc) =	sbr.rel $0x88, $3  }
0x1: {  	(tag) =	ssettag $0x0;
	lr =	simm.s32 $0x1  }
0x2: {  	[smem:$0x3F9B] =	sst lr;
	_ =	strace $0xD0000000  }
0x3: {  	_ = 	snop  }
0x4: {  	_ = 	snop  }
0x5: {  	_ = 	snop  }
0x6: {  	_ = 	snop  }
0x7: {  	_ = 	snop  }
__scs_overlays_trampoline_lowered:
0x8: {  	[smem:$0x3FAA] =	sst s0  }
0x9: {  	[smem:$0x3FAB] =	sst s1  }
0xa: {  	[smem:$0x3FAC] =	sst s2  }
0xb: {  	[smem:$0x3FAD] =	sst s3  }
0xc: {  	[smem:$0x3FAE] =	sst s4  }
0xd: {  	[smem:$0x3FAF] =	sst s5  }
0xe: {  	[smem:$0x3FB0] =	sst s6  }
0xf: {  	[smem:$0x3FB1] =	sst s7  }
0x10: {  	[smem:$0x3FB2] =	sst s8  }
0x11: {  	[smem:$0x3FB3] =	sst s9;
	s0 =	simm.s32 @!p0 $0x0  }
0x12: {  	s1 =	sld [smem:$0x3F99];
	s0 =	simm.s32 @p0 $0x1  }
0x13: {  	[smem:$0x3FB4] =	sst s0;
	s0 =	simm.s32 @!p1 $0x0  }
0x14: {  	s2 =	sld [smem:$0x3F98];
	s0 =	simm.s32 @p1 $0x1  }
0x15: {  	[smem:$0x3FB5] =	sst s0;
	s0 =	simm.s32 @!p2 $0x0  }
0x16: {  	s3 =	sld [smem:$0x3FDB];
	s0 =	simm.s32 @p2 $0x1  }
0x17: {  	s4 =	simm.s32 $0x1BF5;
	[smem:$0x3FB7] =	sst s0  }
0x18: {  	s0 =	sld [smem:$0x3F9A];
	_ =	swait.ge [sflag:s4], $0x0  }
0x19: {  	s7 =	sld [smem:$0x3F9B]  }
0x1a: {  	s8 =	sadd.s32 $0xFFFFE003, lr  }
0x1b: {  	s9 =	sadd.s32 $0xFFFFFEF7, lr;
	s5 =	simm.s32 $0xFFFFFFFF;
	p2 =	slt.u32 s8, $0xFFFFF086  }
0x1c: {  	p1 =	slt.u32 s9, $0xF7A;
	s5 =	simm.s32 @!p2 $0x0  }
0x1d: {  	s5 =	simm.s32 @p1 $0x1;
	p0 =	seq.s32 s7, s2  }
0x1e: {  	s7 =	smul.u32 @!p0 $0xF7A, s2;
	p2 =	seq.s32 @!p0 s5, $0x0  }
0x1f: {  	s9 =	smul.u32 $0xF7A, s1;
	s8 =	simm.s32 @!p0 $0x1BF5;
	p2 =	por !p2, p0  }
0x20: {  	[sflag:s8] =	ssyncset.s32 @!p0 $0xFFFFF086;
	s6 =	sadd.s32 @!p0 s3, s7;
	s7 =	simm.s32 @!p0 $0x108  }
0x21: {  	s3 =	sadd.s32 s3, s9;
	s6 =	sadd.s32 @!p0 $0x88, s6;
	s7 =	simm.s32 @p2 $0x1082  }
0x22: {  	[simem:s7], [sflag:s8] =	dma.local @!p0 [hbm:s6], $0xF7A  }
0x23: {  	s9 =	sor.u32 $0xD0000000, s2;
	s6 =	simm.s32 $0x108;
	_ =	swait.ge @!p0 [sflag:s8], $0x0  }
0x24: {  	s3 =	sadd.s32 $0x88, s3;
	s6 =	simm.s32 @!p1 $0x1082;
	[sflag:s4] =	ssyncset.s32 $0xFFFFF086  }
0x25: {  	[simem:s6], [sflag:s4] =	dma.local [hbm:s3], $0xF7A  }
0x26: {  	[smem:$0x3F9B] =	sst s1;
	(tag) =	ssettag s2;
	_ =	strace s9  }
0x27: {  	s1 =	sld [smem:$0x3FAB]  }
0x28: {  	s2 =	sld [smem:$0x3FAC]  }
0x29: {  	s4 =	sld [smem:$0x3FAE]  }
0x2a: {  	p0 =	seq.s32 s5, $0x0;
	s5 =	sld [smem:$0x3FAF]  }
0x2b: {  	s6 =	sld [smem:$0x3FB0]  }
0x2c: {  	s7 =	sld [smem:$0x3FB1]  }
0x2d: {  	s3 =	simm.s32 $0x108;
	s8 =	sld [smem:$0x3FB2]  }
0x2e: {  	s3 =	simm.s32 @!p0 $0x1082;
	s9 =	sld [smem:$0x3FB3]  }
0x2f: {  	lr =	sadd.s32 s0, s3;
	s0 =	sld [smem:$0x3FAA]  }
0x30: {  	s3 =	sld [smem:$0x3FAD]  }
0x31: {  	[smem:$0x3FB6] =	sst s10  }
0x32: {  	s10 =	sld [smem:$0x3FB4];
	_ =	sdelay $0x3  }
0x33: {  	p0 =	seq.s32 s10, $0x1;
	s10 =	sld [smem:$0x3FB6];
	_ =	sdelay $0x3  }
0x34: {  	[smem:$0x3FB6] =	sst s10  }
0x35: {  	s10 =	sld [smem:$0x3FB5];
	_ =	sdelay $0x3  }
0x36: {  	p1 =	seq.s32 s10, $0x1;
	s10 =	sld [smem:$0x3FB6];
	_ =	sdelay $0x3  }
0x37: {  	[smem:$0x3FB6] =	sst s10  }
0x38: {  	s10 =	sld [smem:$0x3FB7]  }
0x39: {  	_ = 	snop;
	(pc) =	sbr.ind lr, $3  }
0x3a: {  	_ = 	snop  }
0x3b: {  	_ = 	snop  }
0x3c: {  	p2 =	seq.s32 s10, $0x1;
	s10 =	sld [smem:$0x3FB6]  }
0x3d: {  	_ =	shalt  }
0x3e: {  	_ =	shalt  }
0x3f: {  	_ =	shalt  }
0x40: {  	_ =	shalt  }
0x41: {  	_ =	shalt  }
0x42: {  	_ =	shalt  }
0x43: {  	_ =	shalt  }
0x44: {  	_ =	shalt  }
0x45: {  	_ =	shalt  }
0x46: {  	_ =	shalt  }
0x47: {  	_ =	shalt  }
0x48: {  	_ =	shalt  }
0x49: {  	_ =	shalt  }
0x4a: {  	_ =	shalt  }
0x4b: {  	_ =	shalt  }
0x4c: {  	_ =	shalt  }
0x4d: {  	_ =	shalt  }
0x4e: {  	_ =	shalt  }
0x4f: {  	_ =	shalt  }
0x50: {  	_ =	shalt  }
0x51: {  	_ =	shalt  }
0x52: {  	_ =	shalt  }
0x53: {  	_ =	shalt  }
0x54: {  	_ =	shalt  }
0x55: {  	_ =	shalt  }
0x56: {  	_ =	shalt  }
0x57: {  	_ =	shalt  }
0x58: {  	_ =	shalt  }
0x59: {  	_ =	shalt  }
0x5a: {  	_ =	shalt  }
0x5b: {  	_ =	shalt  }
0x5c: {  	_ =	shalt  }
0x5d: {  	_ =	shalt  }
0x5e: {  	_ =	shalt  }
0x5f: {  	_ =	shalt  }
0x60: {  	_ =	shalt  }
0x61: {  	_ =	shalt  }
0x62: {  	_ =	shalt  }
0x63: {  	_ =	shalt  }
0x64: {  	_ =	shalt  }
0x65: {  	_ =	shalt  }
0x66: {  	_ =	shalt  }
0x67: {  	_ =	shalt  }
0x68: {  	_ =	shalt  }
0x69: {  	_ =	shalt  }
0x6a: {  	_ =	shalt  }
0x6b: {  	_ =	shalt  }
0x6c: {  	_ =	shalt  }
0x6d: {  	_ =	shalt  }
0x6e: {  	_ =	shalt  }
0x6f: {  	_ =	shalt  }
0x70: {  	_ =	shalt  }
0x71: {  	_ =	shalt  }
0x72: {  	_ =	shalt  }
0x73: {  	_ =	shalt  }
0x74: {  	_ =	shalt  }
0x75: {  	_ =	shalt  }
0x76: {  	_ =	shalt  }
0x77: {  	_ =	shalt  }
0x78: {  	_ =	shalt  }
0x79: {  	_ =	shalt  }
0x7a: {  	_ =	shalt  }
0x7b: {  	_ =	shalt  }
0x7c: {  	_ =	shalt  }
0x7d: {  	_ =	shalt  }
0x7e: {  	_ =	shalt  }
0x7f: {  	_ =	shalt  }
0x80: {  	_ =	shalt  }
0x81: {  	_ =	shalt  }
0x82: {  	_ =	shalt  }
0x83: {  	_ =	shalt  }
0x84: {  	_ =	shalt  }
0x85: {  	_ =	shalt  }
0x86: {  	_ =	shalt  }
0x87: {  	_ =	shalt  }
.Lfunc_end0:
.L_simem_size_0:
called_computation.1_lowered:
.L_overlay_start_0:
0x88: {  	s2 =	sld [smem:$0x3FD9]  }
0x89: {  	s3 =	sld [smem:$0x3FFE];
	_ =	sdelay $0x1  }
0x8a: {  	s1 =	srdreg.scid  }
0x8b: {  	s0 =	sand.u32 $0x1, s1  }
0x8c: {  	s16 =	sshll.u32 s0, $0xA;
	s2 =	sadd.s32 s3, s2  }
0x8d: {  	s2 =	sadd.s32 s2, s16  }
0x8e: {  	[smem:$0x3FC2] =	sst s2  }
0x8f: {  	_ = 	snop  }
0x90: {  	(tm) =	ssettm $0x1  }
0x91: {  	s17 =	sld [smem:$0x3FFB];
	_ =	sdelay $0x3  }
0x92: {  	_ =	strace s17  }
0x93: {  	s2 =	sld [smem:$0x3FFC];
	_ =	sdelay $0x3  }
0x94: {  	_ =	strace s2  }
0x95: {  	s2 =	sld [smem:$0x3FFD];
	_ =	sdelay $0x3  }
0x96: {  	_ =	strace s2  }
0x97: {  	_ =	strace $0x8FFFFFFF  }
0x98: {  	s18 =	sld [smem:$0x3FDB];
	_ =	sdelay $0x1  }
0x99: {  	s19 =	simm.s32 $_scs_section_size  }
0x9a: {  	s4 =	simm.s32 $_size__tile_overlayer_lowered;
	s5 =	simm.s32 $_tile_overlayer_lowered  }
0x9b: {  	s22 =	simm.s32 $0x1BFF;
	s21 =	sshll.u32 s5, $0x1;
	s2 =	sadd.s32 s19, s18  }
0x9c: {  	s6 =	simm.s32 $0x0;
	s20 =	sshll.u32 s4, $0x1;
	s4 =	sadd.s32 s21, s2  }
0x9d: {  	[timem:s6], [sflag:s22] =	dma.local [hbm:s4], s20  }
0x9e: {  	_ =	swait.ge [sflag:s22], s20  }
0x9f: {  	s3 =	ssub.s32 $0x0, s20;
	[sflag:s22] =	ssyncset.done $0x0  }
0xa0: {  	[sflag:s22] =	ssyncadd.s32 s3;
	_ =	sdelay $0x1  }
0xa1: {  	s23 =	simm.s32 $0x1B8B  }
0xa2: {  	_ =	swait.ge [sflag:s23], $0x1  }
0xa3: {  	[sflag:s23] =	ssyncset.done $0x0  }
0xa4: {  	s25 =	simm.s32 $0x1B8E;
	s24 =	sld [smem:$0x3FFE];
	[sflag:s23] =	ssyncadd.s32 $0xFFFFFFFF  }
0xa5: {  	s26 =	simm.s32 $execute0_lowered;
	[smem:$0x3FD2] =	sst s25  }
0xa6: {  	s4 =	sshll.u32 s26, $0x1;
	_ =	strace $0x80000049;
	[dreg:$0x1] =	wrdreg $0xFFFFFFFF  }
0xa7: {  	s28 =	simm.s32 $_size_execute0_lowered;
	s2 =	sadd.s32 s2, s4;
	[dreg:$0x0] =	wrdreg $0x0  }
0xa8: {  	s4 =	sshll.u32 s28, $0x1;
	[dreg:$0x2] =	wrdreg s2  }
0xa9: {  	[dreg:$0x3] =	wrdreg s4  }
0xaa: {  	[dreg:$0x4] =	wrdreg $0xC0  }
0xab: {  	_ =	task [dreg:s6], $0x5FFFF  }
0xac: {  	[dreg:$0x1] =	wrdreg $0xFFFFFFFF  }
0xad: {  	[dreg:$0x0] =	wrdreg $0x60  }
0xae: {  	[dreg:$0x2] =	wrdreg s24  }
0xaf: {  	[dreg:$0x3] =	wrdreg $0x9  }
0xb0: {  	_ =	task.clear_ibuf [dreg:s6], $0x4FFFF;
	_ =	strace $0x90000049  }
0xb1: {  	s29 =	simm.s32 $0x9;
	_ =	strace $0x8000004B  }
0xb2: {  	_ =	swait.ge [sflag:s29], $0x1  }
0xb3: {  	[sflag:s29] =	ssyncadd.s32 $0xFFFFFFFF  }
0xb4: {  	_ =	strace $0x9000004B  }
0xb5: {  	_ =	sfence  }
0xb6: {  	s30 =	sld [smem:$0x0];
	_ =	sdelay $0x2  }
0xb7: {  	s31 =	sshll.u32 s1, $0xD;
	s1 =	sshrl.u32 s1, $0x2  }
0xb8: {  	s3 =	sand.u32 $0x4000, s31;
	s1 =	sadd.s32 s1, s30  }
0xb9: {  	s0 =	sor.u32 s3, s0;
	s1 =	sshll.u32 s1, $0x11  }
0xba: {  	s0 =	sor.u32 s1, s0  }
0xbb: {  	s0 =	sadd.s32 $0x8F2B, s0  }
0xbc: {  	[sflag:s0] =	ssyncadd.remote.s32 $0x1  }
0xbd: {  	_ =	sfence.sel $0xFFFF  }
0xbe: {  	[dreg:$0x0] =	wrdreg $0xFFFFFFFF;
	(pc) =	sbr.abs _section_cstart, $3  }
0xbf: {  	[dreg:$0x1] =	wrdreg $0xFFFFFFFF  }
0xc0: {  	_ =	task.clear_ibuf [dreg:s6], $0x2FFFF;
	_ =	strace $0x9FFFFFFF  }
0xc1: {  	(tm) =	ssettm $0x7FFFFFFF  }
tec
execute0_lowered:
.L_overlay_start_1:
0x0: {  	(tag) =	ssettag $0x1  }
0x1: {  	s1 =	srdreg.scid;
	s0 =	stileid.u32  }
0x2: {  	s11 =	sand.u32 $0x1, s1;
	s31 =	sshll.u32 s0, $0x1  }
0x3: {  	s10 =	rddreg [dreg:$0x0];
	s12 =	sor.u32 s11, s31  }
0x4: {  	s2 =	simm.s32 $0x0;
	s1 =	rddreg [dreg:$0x1];
	s3 =	sshll.u32 s12, $0x5  }
0x5: {  	[smem:$0x7FF] =	sst s2;
	s3 =	sadd.s32 s3, s10  }
0x6: {  	_ =	strace $0x8000004A;
	s4 =	sadd.s32 $0x400, s3;
	s3 =	simm.s32 $0x3  }
0x7: {  	[tilespmem:s2], [sflag:$0x3] =	stream.linear.gather [hbm4b:s4+s2], $0x100, $0x38;
	[tilespmem:$0x8100] =	vst v63  }
0x8: {  	_ =	swait.ge [sflag:s3], $0x100  }
0x9: {  	s6 =	simm.s32 $0x80;
	[sflag:s3] =	ssyncset.done $0x0  }
0xa: {  	s7 =	simm.s32 $0x100;
	s5 =	sadd.s32 $0x800, s10;
	[sflag:s3] =	ssyncadd.s32 $0xFFFFFF00  }
0xb: {  	[tilespmem:s7], [sflag:$0x1] =	stream.indirect.gather [hbm4b:s5+s6], $0x80, s2, s6, $0xb8;
	[tilespmem:$0x8100] =	vst v63  }
0xc: {  	s8 =	simm.s32 $0x4100;
	s9 =	simm.s32 $0x1  }
0xd: {  	[tilespmem:s8], [sflag:$0x2] =	stream.indirect.gather [hbm4b:s5+s6], $0x80, s6, s6, $0xb8;
	[tilespmem:$0x8100] =	vst v63  }
0xe: {  	s12 =	sshll.u32 s12, $0xC;
	_ =	swait.ge [sflag:s9], $0x4000  }
0xf: {  	s12 =	sadd.s32 s12, s10;
	[sflag:s9] =	ssyncset.done $0x0  }
0x10: {  	s13 =	ssub.s32 $0x2, s11;
	s10 =	sadd.s32 $0x40800, s12;
	[sflag:s9] =	ssyncadd.s32 $0xFFFFC000  }
0x11: {  	[hbm4b:s10+s2] =	stream.linear.scatter [tilespmem:s7], [sflag:$0x3], $0x4000, $0x38;
	[tilespmem:$0x8100] =	vst v63  }
0x12: {  	s14 =	sshrl.u32 s13, $0x1;
	_ =	swait.ge [sflag:s3], $0x4000  }
0x13: {  	s13 =	ssub.s32 s13, s14;
	[sflag:s3] =	ssyncset.done $0x0  }
0x14: {  	s11 =	simm.s32 $0x2;
	s13 =	smax.u32 s13, $0x1;
	[sflag:s3] =	ssyncadd.s32 $0xFFFFC000  }
0x15: {  	p0 =	sne.s32 s13, $0x1;
	_ =	swait.ge [sflag:s11], $0x4000  }
.Ltmp0:
0x16: {  	[sflag:s11] =	ssyncset.done $0x0;
	(pc) =	sbr.rel @!p0 .LBB2_2-.Ltmp0, $4  }
0x17: {  	s12 =	sadd.s32 $0x41000, s12;
	[sflag:s11] =	ssyncadd.s32 $0xFFFFC000  }
0x18: {  	[hbm4b:s12+s2] =	stream.linear.scatter [tilespmem:s8], [sflag:$0x3], $0x4000, $0x38;
	[tilespmem:$0x8100] =	vst v63  }
0x19: {  	_ =	swait.ge [sflag:s3], $0x4000  }
0x1a: {  	s13 =	sadd.s32 $0xFFFFFFFF, s13;
	[sflag:s3] =	ssyncset.done $0x0  }
.LBB2_1:
0x1b: {  	p0 =	sne.s32 s13, $0x1;
	s13 =	sadd.s32 $0xFFFFFFFF, s13;
	[sflag:s3] =	ssyncadd.s32 $0xFFFFC000  }
0x1c: {  	[tilespmem:s2], [sflag:$0x3] =	stream.linear.gather [hbm4b:s4+s2], $0x100, $0x38;
	[tilespmem:$0x8100] =	vst v63  }
0x1d: {  	_ =	swait.ge [sflag:s3], $0x100  }
0x1e: {  	[sflag:s3] =	ssyncset.done $0x0  }
0x1f: {  	[sflag:s3] =	ssyncadd.s32 $0xFFFFFF00  }
0x20: {  	[tilespmem:s7], [sflag:$0x1] =	stream.indirect.gather [hbm4b:s5+s6], $0x80, s2, s6, $0xb8;
	[tilespmem:$0x8100] =	vst v63  }
0x21: {  	_ = 	snop  }
0x22: {  	[tilespmem:s8], [sflag:$0x2] =	stream.indirect.gather [hbm4b:s5+s6], $0x80, s6, s6, $0xb8;
	[tilespmem:$0x8100] =	vst v63  }
0x23: {  	_ =	swait.ge [sflag:s9], $0x4000  }
0x24: {  	[sflag:s9] =	ssyncset.done $0x0  }
0x25: {  	[sflag:s9] =	ssyncadd.s32 $0xFFFFC000  }
0x26: {  	[hbm4b:s10+s2] =	stream.linear.scatter [tilespmem:s7], [sflag:$0x3], $0x4000, $0x38;
	[tilespmem:$0x8100] =	vst v63  }
0x27: {  	_ =	swait.ge [sflag:s3], $0x4000  }
0x28: {  	[sflag:s3] =	ssyncset.done $0x0  }
0x29: {  	[sflag:s3] =	ssyncadd.s32 $0xFFFFC000  }
0x2a: {  	_ =	swait.ge [sflag:s11], $0x4000  }
.Ltmp1:
0x2b: {  	[sflag:s11] =	ssyncset.done $0x0;
	(pc) =	sbr.rel @p0 .LBB2_1-.Ltmp1, $4  }
0x2c: {  	[sflag:s11] =	ssyncadd.s32 $0xFFFFC000  }
0x2d: {  	[hbm4b:s12+s2] =	stream.linear.scatter [tilespmem:s8], [sflag:$0x3], $0x4000, $0x38;
	[tilespmem:$0x8100] =	vst v63  }
0x2e: {  	_ =	swait.ge [sflag:s3], $0x4000  }
0x2f: {  	[sflag:s3] =	ssyncset.done $0x0  }
.LBB2_2:
0x30: {  	[sflag:s3] =	ssyncadd.s32 $0xFFFFC000  }
0x31: {  	_ =	sfence.sel $0x180000  }
0x32: {  	[bflag:$0x0] =	sbarrier.arrive $0xFFFF  }
0x33: {  	p0 =	sne.s32 s0, $0x0;
	_ =	strace $0x9000004A  }
0x34: {  	s0 =	sadd.s32 @!p0 $0x100000, s1;
	[bflag:$0x2] =	sbarrier.arrive $0xFFFF  }
0x35: {  	[sflag:s0] =	ssyncadd.tile.s32 @!p0 $0x1;
	_ =	shalt  }
.Lfunc_end2:
_tile_overlayer_lowered:
.L_overlay_start_2:
0x36: {  	(tag) =	ssettag $0x2  }
0x37: {  	s0 =	rddreg [dreg:$0x0];
	s2 =	stileid.u32  }
0x38: {  	s1 =	rddreg [dreg:$0x1];
	p0 =	sne.s32 s2, $0x0  }
0x39: {  	s3 =	rddreg [dreg:$0x2];
	[bflag:$0x3] =	sbarrier.arrive $0xFFFF;
	s2 =	simm.s32 @!p0 $0x1C03  }
0x3a: {  	[timem:s3], [sflag:s2] =	dma.local @!p0 [hbm:s0], s1  }
0x3b: {  	s0 =	simm.s32 @!p0 $0x3  }
0x3c: {  	_ =	swait.ge @!p0 [sflag:s0], s1  }
0x3d: {  	s1 =	ssub.s32 @!p0 $0x0, s1;
	[sflag:s0] =	ssyncset.done @!p0 $0x0  }
0x3e: {  	[sflag:s0] =	ssyncadd.s32 @!p0 s1  }
0x3f: {  	[bflag:$0x3] =	sbarrier.arrive $0xFFFF  }
0x40: {  	_ =	shalt  }

</sc_bundles>
